<compile_context>
chip_gen: v7x
topology: tpu7x:2x2x1
jax: 0.10.2.dev20260603
libtpu: 0.0.44.dev20260713+nightly
codegen_flags: <defaults>
</compile_context>

<pallas_src>
import functools

import jax
import jax.numpy as jnp
from jax import lax
from jax.experimental import pallas as pl
from jax.experimental.pallas import tpu as pltpu
from jax.experimental.pallas import tpu_sc as plsc

_L = 16


def _make_sc_lookup(b: int, t: int, v: int, d: int):
  info = plsc.get_sparse_core_info()
  nw = info.num_cores * info.num_subcores
  assert v == 32 and b % 128 == 0
  nvt = v // 8
  nbt = b // 128
  n_units = t * nvt
  assert n_units % nw == 0
  per_w = n_units // nw

  mesh = plsc.VectorSubcoreMesh(core_axis_name="c", subcore_axis_name="s")

  @functools.partial(
      pl.kernel,
      out_type=jax.ShapeDtypeStruct((t, nvt, nbt, 8, 128), jnp.float32),
      mesh=mesh,
      compiler_params=pltpu.CompilerParams(
          needs_layout_passes=False, use_tc_tiling_on_sc=False
      ),
      scratch_types=[
          pltpu.VMEM((v, d), jnp.float32),
          pltpu.VMEM((v, d), jnp.float32),
          pltpu.VMEM((1, v), jnp.float32),
          pltpu.VMEM((v * v * _L,), jnp.float32),
          pltpu.VMEM((2, b), jnp.int32),
          pltpu.VMEM((2, nbt, 8, 128), jnp.float32),
          pltpu.SemaphoreType.DMA,
          pltpu.SemaphoreType.DMA,
          pltpu.SemaphoreType.DMA,
          pltpu.SemaphoreType.DMA,
      ],
  )
  def sc_lookup(ids_hbm, emb_hbm, head_hbm, bias_hbm, out_hbm,
                emb_v, head_v, bias_v, table_t, ids_vv, out_vv,
                sem_i0, sem_i1, sem_o0, sem_o1):
    cid = lax.axis_index("c")
    sid = lax.axis_index("s")
    wid = sid * info.num_cores + cid

    iota = lax.iota(jnp.int32, _L)

    def build(p, _):
      p16 = pl.multiple_of(p * _L, _L)
      pvec = p16 + iota
      ivec = lax.shift_right_logical(pvec, 5)
      jvec = lax.bitwise_and(pvec, v - 1)
      zvec = jnp.zeros((_L,), jnp.int32)
      acc = plsc.load_gather(bias_v, [zvec, jvec])
      for dd in range(d):
        dvec = jnp.full((_L,), dd, jnp.int32)
        e = plsc.load_gather(emb_v, [ivec, dvec])
        h = plsc.load_gather(head_v, [jvec, dvec])
        acc = acc + e * h
      bvec = lax.shift_left(jvec, 9) + lax.shift_left(ivec, 4)
      for m in range(_L):
        rot = lax.bitwise_and(iota + m, _L - 1)
        plsc.store_scatter(table_t, [bvec + rot], acc)
      return _

    sem_ids = (sem_i0, sem_i1)
    sem_out = (sem_o0, sem_o1)

    def unit_tv(j):
      u = wid * per_w + j
      return u // nvt, lax.rem(u, nvt)

    def ids_copy(j, buf):
      tt, _ = unit_tv(j)
      return pltpu.make_async_copy(
          ids_hbm.at[tt], ids_vv.at[buf], sem_ids[buf])

    ids_copy(0, 0).start()
    pltpu.sync_copy(emb_hbm, emb_v)
    pltpu.sync_copy(head_hbm, head_v)
    pltpu.sync_copy(bias_hbm, bias_v.at[0])
    lax.fori_loop(0, (v * v) // _L, build, 0)

    def out_copy(j, buf):
      tt, vt = unit_tv(j)
      return pltpu.make_async_copy(
          out_vv.at[buf], out_hbm.at[tt, vt], sem_out[buf])

    def both_bufs(sel, fn):
      pl.when(sel == 0)(lambda: fn(0))
      pl.when(sel == 1)(lambda: fn(1))

    def compute(j, bufsel):
      _, vt = unit_tv(j)
      cb512 = (vt * 8) * (v * _L) + jnp.zeros((_L,), jnp.int32)

      @plsc.parallel_loop(0, nbt, 1)
      def bt_body(bt):
        bases = []
        for bi0 in range(8):
          off = pl.multiple_of(bt * 128 + bi0 * _L, _L)
          idvec = ids_vv[bufsel, pl.ds(off, _L)]
          bases.append(
              lax.bitwise_or(lax.shift_left(idvec, 4), iota) + cb512)
        for vi in range(8):
          for bi0 in range(8):
            val = plsc.load_gather(table_t, [bases[bi0] + vi * (v * _L)])
            out_vv[bufsel, bt, vi, pl.ds(bi0 * _L, _L)] = val

    def do_unit(j, _):
      buf = lax.rem(j, 2)
      both_bufs(buf, lambda bb: ids_copy(j, bb).wait())
      pl.when(j + 1 < per_w)(
          lambda: both_bufs(1 - buf, lambda bb: ids_copy(j + 1, bb).start()))
      pl.when(j >= 2)(
          lambda: both_bufs(buf, lambda bb: out_copy(j - 2, bb).wait()))
      compute(j, buf)
      both_bufs(buf, lambda bb: out_copy(j, bb).start())
      return _

    lax.fori_loop(0, per_w, do_unit, 0)
    if per_w >= 2:
      out_copy(per_w - 2, (per_w - 2) % 2).wait()
    out_copy(per_w - 1, (per_w - 1) % 2).wait()

  return sc_lookup


def kernel(input_ids, embed_weight, head_weight, head_bias):
  b, t = input_ids.shape
  v, d = embed_weight.shape
  ids_t = input_ids.astype(jnp.int32).T
  lookup = _make_sc_lookup(b, t, v, d)
  out5 = lookup(ids_t, embed_weight, head_weight, head_bias)
  return out5.transpose(2, 4, 0, 1, 3).reshape(b, t, v)

# --- scband reference (transcript-rebuilt; emitter-appended) ---
"""Pipeline reference for scband-stub-model-82935818486217 (READ-ONLY COPY).

The authoritative reference and input builder live on the scoring server;
editing this copy changes nothing except your own understanding.
"""

import jax, jax.numpy as jnp
import numpy as np

V = 32
D = 8
PEAK_TOKEN = 15

def setup_inputs(seed: int = 0) -> dict:
    key = jax.random.key(seed)
    k_ids, k_emb, k_head = jax.random.split(key, 3)
    input_ids = jax.random.randint(k_ids, (4096, 200), 0, V, dtype=jnp.int64)
    embed_weight = jax.random.normal(k_emb, (V, D), dtype=jnp.float32)
    head_weight = jax.random.normal(k_head, (V, D), dtype=jnp.float32) * 0.1
    head_bias = jnp.zeros((V,), dtype=jnp.float32).at[PEAK_TOKEN].set(6.0)
    return {"input_ids": input_ids, "embed_weight": embed_weight, "head_weight": head_weight, "head_bias": head_bias}

def reference(input_ids, embed_weight, head_weight, head_bias):
    # embedding lookup: gather rows of the table
    emb = jnp.take(embed_weight, input_ids, axis=0)  # (B, T, D)
    # linear head: logits = emb @ W^T + b
    logits = jnp.einsum('btd,vd->btv', emb, head_weight) + head_bias
    return logits

if __name__ == "__main__":
    import jax
    _d = setup_inputs()
    print(jax.jit(kernel)(*tuple(_d.values())))

</pallas_src>

<mosaic_0001>
#map = affine_map<(d0, d1) -> (0, 0)>
#map1 = affine_map<(d0, d1) -> (0)>
#map2 = affine_map<(d0, d1) -> (0, 0, 0, 0, 0)>
module attributes {stable_mosaic.version = 14 : i64} {
  func.func @sc_lookup(%arg0: i32, %arg1: i32, %arg2: memref<200x4096xi32, #tpu.memory_space<hbm>>, %arg3: memref<32x8xf32, #tpu.memory_space<hbm>>, %arg4: memref<32x8xf32, #tpu.memory_space<hbm>>, %arg5: memref<32xf32, #tpu.memory_space<hbm>>, %arg6: memref<200x4x32x8x128xf32, #tpu.memory_space<hbm>>, %arg7: memref<32x8xf32, #tpu.memory_space<vmem>>, %arg8: memref<32x8xf32, #tpu.memory_space<vmem>>, %arg9: memref<1x32xf32, #tpu.memory_space<vmem>>, %arg10: memref<16384xf32, #tpu.memory_space<vmem>>, %arg11: memref<2x4096xi32, #tpu.memory_space<vmem>>, %arg12: memref<2x32x8x128xf32, #tpu.memory_space<vmem>>, %arg13: memref<!tpu.dma_semaphore, #tpu.memory_space<semaphore_mem>>, %arg14: memref<!tpu.dma_semaphore, #tpu.memory_space<semaphore_mem>>, %arg15: memref<!tpu.dma_semaphore, #tpu.memory_space<semaphore_mem>>, %arg16: memref<!tpu.dma_semaphore, #tpu.memory_space<semaphore_mem>>) attributes {dimension_semantics = [#tpu.dimension_semantics<core_parallel>, #tpu.dimension_semantics<subcore_parallel>], iteration_bounds = array<i64: 2, 16>, scalar_prefetch = 0 : i64, scratch_operands = 10 : i64, tpu.core_type = #tpu.core_type<sc_vector_subcore>, window_params = [{transform_indices = #map}, {transform_indices = #map}, {transform_indices = #map}, {transform_indices = #map1}, {transform_indices = #map2}]} {
    %mul3A = arith.constant 2 : i32
    %mul3A_0 = arith.muli %arg1, %mul3A : i32
    %add3A = arith.addi %mul3A_0, %arg0 : i32
    %iota3A = tpu.iota {dimensions = array<i32: 0>} : vector<16xi32>
    %mul3A_1 = arith.constant 25 : i32
    %mul3A_2 = arith.muli %add3A, %mul3A_1 : i32
    %add3A_3 = arith.constant 0 : i32
    %add3A_4 = arith.addi %mul3A_2, %add3A_3 : i32
    %jit3A = arith.constant 4 : i32
    %div3A = arith.divsi %add3A_4, %jit3A : i32
    %sign3A = arith.constant 0 : i32
    %sign3A_5 = arith.cmpi sgt, %add3A_4, %sign3A : i32
    %sign3A_6 = arith.extui %sign3A_5 : i1 to i32
    %sign3A_7 = arith.constant 0 : i32
    %sign3A_8 = arith.cmpi slt, %add3A_4, %sign3A_7 : i32
    %sign3A_9 = arith.extui %sign3A_8 : i1 to i32
    %sign3A_10 = arith.subi %sign3A_6, %sign3A_9 : i32
    %sign3A_11 = arith.constant 0 : i32
    %sign3A_12 = arith.cmpi sgt, %jit3A, %sign3A_11 : i32
    %sign3A_13 = arith.extui %sign3A_12 : i1 to i32
    %sign3A_14 = arith.constant 0 : i32
    %sign3A_15 = arith.cmpi slt, %jit3A, %sign3A_14 : i32
    %sign3A_16 = arith.extui %sign3A_15 : i1 to i32
    %sign3A_17 = arith.subi %sign3A_13, %sign3A_16 : i32
    %ne3A = arith.cmpi ne, %sign3A_10, %sign3A_17 : i32
    %rem3A = arith.remsi %add3A_4, %jit3A : i32
    %ne3A_18 = arith.constant 0 : i32
    %ne3A_19 = arith.cmpi ne, %rem3A, %ne3A_18 : i32
    %and3A = arith.andi %ne3A, %ne3A_19 : i1
    %sub3A = arith.constant 1 : i32
    %sub3A_20 = arith.subi %div3A, %sub3A : i32
    %select_n3A = arith.select %and3A, %sub3A_20, %div3A : i32
    %rem3A_21 = arith.constant 4 : i32
    %rem3A_22 = arith.remsi %add3A_4, %rem3A_21 : i32
    %dma_start3A = arith.constant 0 : i32
    %dma_start3A_23 = arith.constant 0 : i32
    %dma_start3A_24 = tpu.memref_slice %arg11[%dma_start3A, %dma_start3A_23] : memref<2x4096xi32, #tpu.memory_space<vmem>> -> memref<1x4096xi32, #tpu.memory_space<vmem>>
    %dma_start3A_25 = tpu.memref_squeeze %dma_start3A_24 : memref<1x4096xi32, #tpu.memory_space<vmem>> -> memref<4096xi32, #tpu.memory_space<vmem>>
    %dma_start3A_26 = arith.constant 0 : i32
    %dma_start3A_27 = tpu.memref_slice %arg2[%select_n3A, %dma_start3A_26] : memref<200x4096xi32, #tpu.memory_space<hbm>> -> memref<1x4096xi32, #tpu.memory_space<hbm>>
    %dma_start3A_28 = tpu.memref_squeeze %dma_start3A_27 : memref<1x4096xi32, #tpu.memory_space<hbm>> -> memref<4096xi32, #tpu.memory_space<hbm>>
    %dma_start3A_29 = arith.constant 0 : i32
    %dma_start3A_30 = tpu.memref_slice %arg11[%dma_start3A, %dma_start3A_29] : memref<2x4096xi32, #tpu.memory_space<vmem>> -> memref<1x4096xi32, #tpu.memory_space<vmem>>
    %dma_start3A_31 = tpu.memref_squeeze %dma_start3A_30 : memref<1x4096xi32, #tpu.memory_space<vmem>> -> memref<4096xi32, #tpu.memory_space<vmem>>
    %dma_start3A_32 = arith.constant 0 : i32
    %dma_start3A_33 = tpu.memref_slice %arg2[%select_n3A, %dma_start3A_32] : memref<200x4096xi32, #tpu.memory_space<hbm>> -> memref<1x4096xi32, #tpu.memory_space<hbm>>
    %dma_start3A_34 = tpu.memref_squeeze %dma_start3A_33 : memref<1x4096xi32, #tpu.memory_space<hbm>> -> memref<4096xi32, #tpu.memory_space<hbm>>
    tpu.enqueue_dma source(%dma_start3A_34 : memref<4096xi32, #tpu.memory_space<hbm>>) target(%dma_start3A_31 : memref<4096xi32, #tpu.memory_space<vmem>>) target_semaphore(%arg13 : memref<!tpu.dma_semaphore, #tpu.memory_space<semaphore_mem>>)
    "tpu.region"() ({
      %run_scoped3A_147 = tpu.sem_alloc : memref<!tpu.dma_semaphore, #tpu.memory_space<semaphore_mem>>
      tpu.enqueue_dma source(%arg3 : memref<32x8xf32, #tpu.memory_space<hbm>>) target(%arg7 : memref<32x8xf32, #tpu.memory_space<vmem>>) target_semaphore(%run_scoped3A_147 : memref<!tpu.dma_semaphore, #tpu.memory_space<semaphore_mem>>)
      tpu.wait_dma2 semaphore(%run_scoped3A_147 : memref<!tpu.dma_semaphore, #tpu.memory_space<semaphore_mem>>) src(%arg3 : memref<32x8xf32, #tpu.memory_space<hbm>>) dst(%arg7 : memref<32x8xf32, #tpu.memory_space<vmem>>)
      tpu.yield
    }) : () -> ()
    "tpu.region"() ({
      %run_scoped3A_147 = tpu.sem_alloc : memref<!tpu.dma_semaphore, #tpu.memory_space<semaphore_mem>>
      tpu.enqueue_dma source(%arg4 : memref<32x8xf32, #tpu.memory_space<hbm>>) target(%arg8 : memref<32x8xf32, #tpu.memory_space<vmem>>) target_semaphore(%run_scoped3A_147 : memref<!tpu.dma_semaphore, #tpu.memory_space<semaphore_mem>>)
      tpu.wait_dma2 semaphore(%run_scoped3A_147 : memref<!tpu.dma_semaphore, #tpu.memory_space<semaphore_mem>>) src(%arg4 : memref<32x8xf32, #tpu.memory_space<hbm>>) dst(%arg8 : memref<32x8xf32, #tpu.memory_space<vmem>>)
      tpu.yield
    }) : () -> ()
    %run_scoped3A = arith.constant 0 : i32
    "tpu.region"() ({
      %run_scoped3A_147 = tpu.sem_alloc : memref<!tpu.dma_semaphore, #tpu.memory_space<semaphore_mem>>
      %dma_start3A_148 = arith.constant 0 : i32
      %dma_start3A_149 = tpu.memref_slice %arg9[%run_scoped3A, %dma_start3A_148] : memref<1x32xf32, #tpu.memory_space<vmem>> -> memref<1x32xf32, #tpu.memory_space<vmem>>
      %dma_start3A_150 = tpu.memref_squeeze %dma_start3A_149 : memref<1x32xf32, #tpu.memory_space<vmem>> -> memref<32xf32, #tpu.memory_space<vmem>>
      %dma_start3A_151 = arith.constant 0 : i32
      %dma_start3A_152 = tpu.memref_slice %arg9[%run_scoped3A, %dma_start3A_151] : memref<1x32xf32, #tpu.memory_space<vmem>> -> memref<1x32xf32, #tpu.memory_space<vmem>>
      %dma_start3A_153 = tpu.memref_squeeze %dma_start3A_152 : memref<1x32xf32, #tpu.memory_space<vmem>> -> memref<32xf32, #tpu.memory_space<vmem>>
      tpu.enqueue_dma source(%arg5 : memref<32xf32, #tpu.memory_space<hbm>>) target(%dma_start3A_153 : memref<32xf32, #tpu.memory_space<vmem>>) target_semaphore(%run_scoped3A_147 : memref<!tpu.dma_semaphore, #tpu.memory_space<semaphore_mem>>)
      %dma_wait3A_154 = arith.constant 0 : i32
      %dma_wait3A_155 = tpu.memref_slice %arg9[%run_scoped3A, %dma_wait3A_154] : memref<1x32xf32, #tpu.memory_space<vmem>> -> memref<1x32xf32, #tpu.memory_space<vmem>>
      %dma_wait3A_156 = tpu.memref_squeeze %dma_wait3A_155 : memref<1x32xf32, #tpu.memory_space<vmem>> -> memref<32xf32, #tpu.memory_space<vmem>>
      %dma_wait3A_157 = arith.constant 0 : i32
      %dma_wait3A_158 = tpu.memref_slice %arg9[%run_scoped3A, %dma_wait3A_157] : memref<1x32xf32, #tpu.memory_space<vmem>> -> memref<1x32xf32, #tpu.memory_space<vmem>>
      %dma_wait3A_159 = tpu.memref_squeeze %dma_wait3A_158 : memref<1x32xf32, #tpu.memory_space<vmem>> -> memref<32xf32, #tpu.memory_space<vmem>>
      tpu.wait_dma2 semaphore(%run_scoped3A_147 : memref<!tpu.dma_semaphore, #tpu.memory_space<semaphore_mem>>) src(%arg5 : memref<32xf32, #tpu.memory_space<hbm>>) dst(%dma_wait3A_159 : memref<32xf32, #tpu.memory_space<vmem>>)
      tpu.yield
    }) : () -> ()
    %scan3A = arith.constant 0 : i32
    %scan3A_35 = arith.constant 0 : i32
    %scan3A_36 = arith.constant 64 : i32
    %scan3A_37 = arith.addi %scan3A_35, %scan3A_36 : i32
    %scan3A_38 = arith.constant 1 : i32
    scf.for %scan3A_147 = %scan3A_35 to %scan3A_37 step %scan3A_38  : i32 {
      %mul3A_148 = arith.constant 16 : i32
      %mul3A_149 = arith.muli %scan3A_147, %mul3A_148 : i32
      %multiple_of3A = tpu.assume_multiple %mul3A_149, 16 : i32
      %add3A_150 = vector.broadcast %multiple_of3A : i32 to vector<16xi32>
      %add3A_151 = arith.addi %add3A_150, %iota3A : vector<16xi32>
      %shift_right_logical3A = arith.constant 5 : i32
      %shift_right_logical3A_152 = vector.broadcast %shift_right_logical3A : i32 to vector<16xi32>
      %shift_right_logical3A_153 = arith.shrui %add3A_151, %shift_right_logical3A_152 : vector<16xi32>
      %and3A_154 = arith.constant 31 : i32
      %and3A_155 = vector.broadcast %and3A_154 : i32 to vector<16xi32>
      %and3A_156 = arith.andi %add3A_151, %and3A_155 : vector<16xi32>
      %broadcast_in_dim3A = arith.constant 0 : i32
      %broadcast_in_dim3A_157 = vector.broadcast %broadcast_in_dim3A : i32 to vector<16xi32>
      %gather3A = tpu.vector_load_idx %arg9[%broadcast_in_dim3A_157, %and3A_156] : memref<1x32xf32, #tpu.memory_space<vmem>>[vector<16xi32>, vector<16xi32>], vector<16xf32>,
      %broadcast_in_dim3A_158 = arith.constant 0 : i32
      %broadcast_in_dim3A_159 = vector.broadcast %broadcast_in_dim3A_158 : i32 to vector<16xi32>
      %gather3A_160 = tpu.vector_load_idx %arg7[%shift_right_logical3A_153, %broadcast_in_dim3A_159] : memref<32x8xf32, #tpu.memory_space<vmem>>[vector<16xi32>, vector<16xi32>], vector<16xf32>,
      %gather3A_161 = tpu.vector_load_idx %arg8[%and3A_156, %broadcast_in_dim3A_159] : memref<32x8xf32, #tpu.memory_space<vmem>>[vector<16xi32>, vector<16xi32>], vector<16xf32>,
      %mul3A_162 = arith.mulf %gather3A_160, %gather3A_161 : vector<16xf32>
      %add3A_163 = arith.addf %gather3A, %mul3A_162 : vector<16xf32>
      %broadcast_in_dim3A_164 = arith.constant 1 : i32
      %broadcast_in_dim3A_165 = vector.broadcast %broadcast_in_dim3A_164 : i32 to vector<16xi32>
      %gather3A_166 = tpu.vector_load_idx %arg7[%shift_right_logical3A_153, %broadcast_in_dim3A_165] : memref<32x8xf32, #tpu.memory_space<vmem>>[vector<16xi32>, vector<16xi32>], vector<16xf32>,
      %gather3A_167 = tpu.vector_load_idx %arg8[%and3A_156, %broadcast_in_dim3A_165] : memref<32x8xf32, #tpu.memory_space<vmem>>[vector<16xi32>, vector<16xi32>], vector<16xf32>,
      %mul3A_168 = arith.mulf %gather3A_166, %gather3A_167 : vector<16xf32>
      %add3A_169 = arith.addf %add3A_163, %mul3A_168 : vector<16xf32>
      %broadcast_in_dim3A_170 = arith.constant 2 : i32
      %broadcast_in_dim3A_171 = vector.broadcast %broadcast_in_dim3A_170 : i32 to vector<16xi32>
      %gather3A_172 = tpu.vector_load_idx %arg7[%shift_right_logical3A_153, %broadcast_in_dim3A_171] : memref<32x8xf32, #tpu.memory_space<vmem>>[vector<16xi32>, vector<16xi32>], vector<16xf32>,
      %gather3A_173 = tpu.vector_load_idx %arg8[%and3A_156, %broadcast_in_dim3A_171] : memref<32x8xf32, #tpu.memory_space<vmem>>[vector<16xi32>, vector<16xi32>], vector<16xf32>,
      %mul3A_174 = arith.mulf %gather3A_172, %gather3A_173 : vector<16xf32>
      %add3A_175 = arith.addf %add3A_169, %mul3A_174 : vector<16xf32>
      %broadcast_in_dim3A_176 = arith.constant 3 : i32
      %broadcast_in_dim3A_177 = vector.broadcast %broadcast_in_dim3A_176 : i32 to vector<16xi32>
      %gather3A_178 = tpu.vector_load_idx %arg7[%shift_right_logical3A_153, %broadcast_in_dim3A_177] : memref<32x8xf32, #tpu.memory_space<vmem>>[vector<16xi32>, vector<16xi32>], vector<16xf32>,
      %gather3A_179 = tpu.vector_load_idx %arg8[%and3A_156, %broadcast_in_dim3A_177] : memref<32x8xf32, #tpu.memory_space<vmem>>[vector<16xi32>, vector<16xi32>], vector<16xf32>,
      %mul3A_180 = arith.mulf %gather3A_178, %gather3A_179 : vector<16xf32>
      %add3A_181 = arith.addf %add3A_175, %mul3A_180 : vector<16xf32>
      %broadcast_in_dim3A_182 = arith.constant 4 : i32
      %broadcast_in_dim3A_183 = vector.broadcast %broadcast_in_dim3A_182 : i32 to vector<16xi32>
      %gather3A_184 = tpu.vector_load_idx %arg7[%shift_right_logical3A_153, %broadcast_in_dim3A_183] : memref<32x8xf32, #tpu.memory_space<vmem>>[vector<16xi32>, vector<16xi32>], vector<16xf32>,
      %gather3A_185 = tpu.vector_load_idx %arg8[%and3A_156, %broadcast_in_dim3A_183] : memref<32x8xf32, #tpu.memory_space<vmem>>[vector<16xi32>, vector<16xi32>], vector<16xf32>,
      %mul3A_186 = arith.mulf %gather3A_184, %gather3A_185 : vector<16xf32>
      %add3A_187 = arith.addf %add3A_181, %mul3A_186 : vector<16xf32>
      %broadcast_in_dim3A_188 = arith.constant 5 : i32
      %broadcast_in_dim3A_189 = vector.broadcast %broadcast_in_dim3A_188 : i32 to vector<16xi32>
      %gather3A_190 = tpu.vector_load_idx %arg7[%shift_right_logical3A_153, %broadcast_in_dim3A_189] : memref<32x8xf32, #tpu.memory_space<vmem>>[vector<16xi32>, vector<16xi32>], vector<16xf32>,
      %gather3A_191 = tpu.vector_load_idx %arg8[%and3A_156, %broadcast_in_dim3A_189] : memref<32x8xf32, #tpu.memory_space<vmem>>[vector<16xi32>, vector<16xi32>], vector<16xf32>,
      %mul3A_192 = arith.mulf %gather3A_190, %gather3A_191 : vector<16xf32>
      %add3A_193 = arith.addf %add3A_187, %mul3A_192 : vector<16xf32>
      %broadcast_in_dim3A_194 = arith.constant 6 : i32
      %broadcast_in_dim3A_195 = vector.broadcast %broadcast_in_dim3A_194 : i32 to vector<16xi32>
      %gather3A_196 = tpu.vector_load_idx %arg7[%shift_right_logical3A_153, %broadcast_in_dim3A_195] : memref<32x8xf32, #tpu.memory_space<vmem>>[vector<16xi32>, vector<16xi32>], vector<16xf32>,
      %gather3A_197 = tpu.vector_load_idx %arg8[%and3A_156, %broadcast_in_dim3A_195] : memref<32x8xf32, #tpu.memory_space<vmem>>[vector<16xi32>, vector<16xi32>], vector<16xf32>,
      %mul3A_198 = arith.mulf %gather3A_196, %gather3A_197 : vector<16xf32>
      %add3A_199 = arith.addf %add3A_193, %mul3A_198 : vector<16xf32>
      %broadcast_in_dim3A_200 = arith.constant 7 : i32
      %broadcast_in_dim3A_201 = vector.broadcast %broadcast_in_dim3A_200 : i32 to vector<16xi32>
      %gather3A_202 = tpu.vector_load_idx %arg7[%shift_right_logical3A_153, %broadcast_in_dim3A_201] : memref<32x8xf32, #tpu.memory_space<vmem>>[vector<16xi32>, vector<16xi32>], vector<16xf32>,
      %gather3A_203 = tpu.vector_load_idx %arg8[%and3A_156, %broadcast_in_dim3A_201] : memref<32x8xf32, #tpu.memory_space<vmem>>[vector<16xi32>, vector<16xi32>], vector<16xf32>,
      %mul3A_204 = arith.mulf %gather3A_202, %gather3A_203 : vector<16xf32>
      %add3A_205 = arith.addf %add3A_199, %mul3A_204 : vector<16xf32>
      %shift_left3A = arith.constant 9 : i32
      %shift_left3A_206 = vector.broadcast %shift_left3A : i32 to vector<16xi32>
      %shift_left3A_207 = arith.shli %and3A_156, %shift_left3A_206 : vector<16xi32>
      %shift_left3A_208 = arith.constant 4 : i32
      %shift_left3A_209 = vector.broadcast %shift_left3A_208 : i32 to vector<16xi32>
      %shift_left3A_210 = arith.shli %shift_right_logical3A_153, %shift_left3A_209 : vector<16xi32>
      %add3A_211 = arith.addi %shift_left3A_207, %shift_left3A_210 : vector<16xi32>
      %add3A_212 = arith.constant 0 : i32
      %add3A_213 = vector.broadcast %add3A_212 : i32 to vector<16xi32>
      %add3A_214 = arith.addi %iota3A, %add3A_213 : vector<16xi32>
      %and3A_215 = arith.constant 15 : i32
      %and3A_216 = vector.broadcast %and3A_215 : i32 to vector<16xi32>
      %and3A_217 = arith.andi %add3A_214, %and3A_216 : vector<16xi32>
      %add3A_218 = arith.addi %add3A_211, %and3A_217 : vector<16xi32>
      tpu.vector_store_idx %arg10[%add3A_218], %add3A_205 : memref<16384xf32, #tpu.memory_space<vmem>>[vector<16xi32>], vector<16xf32>,
      %add3A_219 = arith.constant 1 : i32
      %add3A_220 = vector.broadcast %add3A_219 : i32 to vector<16xi32>
      %add3A_221 = arith.addi %iota3A, %add3A_220 : vector<16xi32>
      %and3A_222 = arith.constant 15 : i32
      %and3A_223 = vector.broadcast %and3A_222 : i32 to vector<16xi32>
      %and3A_224 = arith.andi %add3A_221, %and3A_223 : vector<16xi32>
      %add3A_225 = arith.addi %add3A_211, %and3A_224 : vector<16xi32>
      tpu.vector_store_idx %arg10[%add3A_225], %add3A_205 : memref<16384xf32, #tpu.memory_space<vmem>>[vector<16xi32>], vector<16xf32>,
      %add3A_226 = arith.constant 2 : i32
      %add3A_227 = vector.broadcast %add3A_226 : i32 to vector<16xi32>
      %add3A_228 = arith.addi %iota3A, %add3A_227 : vector<16xi32>
      %and3A_229 = arith.constant 15 : i32
      %and3A_230 = vector.broadcast %and3A_229 : i32 to vector<16xi32>
      %and3A_231 = arith.andi %add3A_228, %and3A_230 : vector<16xi32>
      %add3A_232 = arith.addi %add3A_211, %and3A_231 : vector<16xi32>
      tpu.vector_store_idx %arg10[%add3A_232], %add3A_205 : memref<16384xf32, #tpu.memory_space<vmem>>[vector<16xi32>], vector<16xf32>,
      %add3A_233 = arith.constant 3 : i32
      %add3A_234 = vector.broadcast %add3A_233 : i32 to vector<16xi32>
      %add3A_235 = arith.addi %iota3A, %add3A_234 : vector<16xi32>
      %and3A_236 = arith.constant 15 : i32
      %and3A_237 = vector.broadcast %and3A_236 : i32 to vector<16xi32>
      %and3A_238 = arith.andi %add3A_235, %and3A_237 : vector<16xi32>
      %add3A_239 = arith.addi %add3A_211, %and3A_238 : vector<16xi32>
      tpu.vector_store_idx %arg10[%add3A_239], %add3A_205 : memref<16384xf32, #tpu.memory_space<vmem>>[vector<16xi32>], vector<16xf32>,
      %add3A_240 = arith.constant 4 : i32
      %add3A_241 = vector.broadcast %add3A_240 : i32 to vector<16xi32>
      %add3A_242 = arith.addi %iota3A, %add3A_241 : vector<16xi32>
      %and3A_243 = arith.constant 15 : i32
      %and3A_244 = vector.broadcast %and3A_243 : i32 to vector<16xi32>
      %and3A_245 = arith.andi %add3A_242, %and3A_244 : vector<16xi32>
      %add3A_246 = arith.addi %add3A_211, %and3A_245 : vector<16xi32>
      tpu.vector_store_idx %arg10[%add3A_246], %add3A_205 : memref<16384xf32, #tpu.memory_space<vmem>>[vector<16xi32>], vector<16xf32>,
      %add3A_247 = arith.constant 5 : i32
      %add3A_248 = vector.broadcast %add3A_247 : i32 to vector<16xi32>
      %add3A_249 = arith.addi %iota3A, %add3A_248 : vector<16xi32>
      %and3A_250 = arith.constant 15 : i32
      %and3A_251 = vector.broadcast %and3A_250 : i32 to vector<16xi32>
      %and3A_252 = arith.andi %add3A_249, %and3A_251 : vector<16xi32>
      %add3A_253 = arith.addi %add3A_211, %and3A_252 : vector<16xi32>
      tpu.vector_store_idx %arg10[%add3A_253], %add3A_205 : memref<16384xf32, #tpu.memory_space<vmem>>[vector<16xi32>], vector<16xf32>,
      %add3A_254 = arith.constant 6 : i32
      %add3A_255 = vector.broadcast %add3A_254 : i32 to vector<16xi32>
      %add3A_256 = arith.addi %iota3A, %add3A_255 : vector<16xi32>
      %and3A_257 = arith.constant 15 : i32
      %and3A_258 = vector.broadcast %and3A_257 : i32 to vector<16xi32>
      %and3A_259 = arith.andi %add3A_256, %and3A_258 : vector<16xi32>
      %add3A_260 = arith.addi %add3A_211, %and3A_259 : vector<16xi32>
      tpu.vector_store_idx %arg10[%add3A_260], %add3A_205 : memref<16384xf32, #tpu.memory_space<vmem>>[vector<16xi32>], vector<16xf32>,
      %add3A_261 = arith.constant 7 : i32
      %add3A_262 = vector.broadcast %add3A_261 : i32 to vector<16xi32>
      %add3A_263 = arith.addi %iota3A, %add3A_262 : vector<16xi32>
      %and3A_264 = arith.constant 15 : i32
      %and3A_265 = vector.broadcast %and3A_264 : i32 to vector<16xi32>
      %and3A_266 = arith.andi %add3A_263, %and3A_265 : vector<16xi32>
      %add3A_267 = arith.addi %add3A_211, %and3A_266 : vector<16xi32>
      tpu.vector_store_idx %arg10[%add3A_267], %add3A_205 : memref<16384xf32, #tpu.memory_space<vmem>>[vector<16xi32>], vector<16xf32>,
      %add3A_268 = arith.constant 8 : i32
      %add3A_269 = vector.broadcast %add3A_268 : i32 to vector<16xi32>
      %add3A_270 = arith.addi %iota3A, %add3A_269 : vector<16xi32>
      %and3A_271 = arith.constant 15 : i32
      %and3A_272 = vector.broadcast %and3A_271 : i32 to vector<16xi32>
      %and3A_273 = arith.andi %add3A_270, %and3A_272 : vector<16xi32>
      %add3A_274 = arith.addi %add3A_211, %and3A_273 : vector<16xi32>
      tpu.vector_store_idx %arg10[%add3A_274], %add3A_205 : memref<16384xf32, #tpu.memory_space<vmem>>[vector<16xi32>], vector<16xf32>,
      %add3A_275 = arith.constant 9 : i32
      %add3A_276 = vector.broadcast %add3A_275 : i32 to vector<16xi32>
      %add3A_277 = arith.addi %iota3A, %add3A_276 : vector<16xi32>
      %and3A_278 = arith.constant 15 : i32
      %and3A_279 = vector.broadcast %and3A_278 : i32 to vector<16xi32>
      %and3A_280 = arith.andi %add3A_277, %and3A_279 : vector<16xi32>
      %add3A_281 = arith.addi %add3A_211, %and3A_280 : vector<16xi32>
      tpu.vector_store_idx %arg10[%add3A_281], %add3A_205 : memref<16384xf32, #tpu.memory_space<vmem>>[vector<16xi32>], vector<16xf32>,
      %add3A_282 = arith.constant 10 : i32
      %add3A_283 = vector.broadcast %add3A_282 : i32 to vector<16xi32>
      %add3A_284 = arith.addi %iota3A, %add3A_283 : vector<16xi32>
      %and3A_285 = arith.constant 15 : i32
      %and3A_286 = vector.broadcast %and3A_285 : i32 to vector<16xi32>
      %and3A_287 = arith.andi %add3A_284, %and3A_286 : vector<16xi32>
      %add3A_288 = arith.addi %add3A_211, %and3A_287 : vector<16xi32>
      tpu.vector_store_idx %arg10[%add3A_288], %add3A_205 : memref<16384xf32, #tpu.memory_space<vmem>>[vector<16xi32>], vector<16xf32>,
      %add3A_289 = arith.constant 11 : i32
      %add3A_290 = vector.broadcast %add3A_289 : i32 to vector<16xi32>
      %add3A_291 = arith.addi %iota3A, %add3A_290 : vector<16xi32>
      %and3A_292 = arith.constant 15 : i32
      %and3A_293 = vector.broadcast %and3A_292 : i32 to vector<16xi32>
      %and3A_294 = arith.andi %add3A_291, %and3A_293 : vector<16xi32>
      %add3A_295 = arith.addi %add3A_211, %and3A_294 : vector<16xi32>
      tpu.vector_store_idx %arg10[%add3A_295], %add3A_205 : memref<16384xf32, #tpu.memory_space<vmem>>[vector<16xi32>], vector<16xf32>,
      %add3A_296 = arith.constant 12 : i32
      %add3A_297 = vector.broadcast %add3A_296 : i32 to vector<16xi32>
      %add3A_298 = arith.addi %iota3A, %add3A_297 : vector<16xi32>
      %and3A_299 = arith.constant 15 : i32
      %and3A_300 = vector.broadcast %and3A_299 : i32 to vector<16xi32>
      %and3A_301 = arith.andi %add3A_298, %and3A_300 : vector<16xi32>
      %add3A_302 = arith.addi %add3A_211, %and3A_301 : vector<16xi32>
      tpu.vector_store_idx %arg10[%add3A_302], %add3A_205 : memref<16384xf32, #tpu.memory_space<vmem>>[vector<16xi32>], vector<16xf32>,
      %add3A_303 = arith.constant 13 : i32
      %add3A_304 = vector.broadcast %add3A_303 : i32 to vector<16xi32>
      %add3A_305 = arith.addi %iota3A, %add3A_304 : vector<16xi32>
      %and3A_306 = arith.constant 15 : i32
      %and3A_307 = vector.broadcast %and3A_306 : i32 to vector<16xi32>
      %and3A_308 = arith.andi %add3A_305, %and3A_307 : vector<16xi32>
      %add3A_309 = arith.addi %add3A_211, %and3A_308 : vector<16xi32>
      tpu.vector_store_idx %arg10[%add3A_309], %add3A_205 : memref<16384xf32, #tpu.memory_space<vmem>>[vector<16xi32>], vector<16xf32>,
      %add3A_310 = arith.constant 14 : i32
      %add3A_311 = vector.broadcast %add3A_310 : i32 to vector<16xi32>
      %add3A_312 = arith.addi %iota3A, %add3A_311 : vector<16xi32>
      %and3A_313 = arith.constant 15 : i32
      %and3A_314 = vector.broadcast %and3A_313 : i32 to vector<16xi32>
      %and3A_315 = arith.andi %add3A_312, %and3A_314 : vector<16xi32>
      %add3A_316 = arith.addi %add3A_211, %and3A_315 : vector<16xi32>
      tpu.vector_store_idx %arg10[%add3A_316], %add3A_205 : memref<16384xf32, #tpu.memory_space<vmem>>[vector<16xi32>], vector<16xf32>,
      %add3A_317 = arith.constant 15 : i32
      %add3A_318 = vector.broadcast %add3A_317 : i32 to vector<16xi32>
      %add3A_319 = arith.addi %iota3A, %add3A_318 : vector<16xi32>
      %and3A_320 = arith.constant 15 : i32
      %and3A_321 = vector.broadcast %and3A_320 : i32 to vector<16xi32>
      %and3A_322 = arith.andi %add3A_319, %and3A_321 : vector<16xi32>
      %add3A_323 = arith.addi %add3A_211, %and3A_322 : vector<16xi32>
      tpu.vector_store_idx %arg10[%add3A_323], %add3A_205 : memref<16384xf32, #tpu.memory_space<vmem>>[vector<16xi32>], vector<16xf32>,
    }
    %scan3A_39 = arith.constant 64 : i32
    %scan3A_40 = arith.constant 0 : i32
    %scan3A_41 = arith.constant 0 : i32
    %scan3A_42 = arith.constant 25 : i32
    %scan3A_43 = arith.addi %scan3A_41, %scan3A_42 : i32
    %scan3A_44 = arith.constant 1 : i32
    scf.for %scan3A_147 = %scan3A_41 to %scan3A_43 step %scan3A_44  : i32 {
      %rem3A_148 = arith.constant 2 : i32
      %rem3A_149 = arith.remsi %scan3A_147, %rem3A_148 : i32
      %eq3A = arith.constant 0 : i32
      %eq3A_150 = arith.cmpi eq, %rem3A_149, %eq3A : i32
      %convert_element_type3A = arith.extui %eq3A_150 : i1 to i32
      %cond3A = arith.constant 0 : i32
      %cond3A_151 = arith.cmpi ne, %convert_element_type3A, %cond3A : i32
      scf.if %cond3A_151 {
        %mul3A_215 = arith.constant 25 : i32
        %mul3A_216 = arith.muli %add3A, %mul3A_215 : i32
        %add3A_217 = arith.addi %mul3A_216, %scan3A_147 : i32
        %jit3A_218 = arith.constant 4 : i32
        %div3A_219 = arith.divsi %add3A_217, %jit3A_218 : i32
        %sign3A_220 = arith.constant 0 : i32
        %sign3A_221 = arith.cmpi sgt, %add3A_217, %sign3A_220 : i32
        %sign3A_222 = arith.extui %sign3A_221 : i1 to i32
        %sign3A_223 = arith.constant 0 : i32
        %sign3A_224 = arith.cmpi slt, %add3A_217, %sign3A_223 : i32
        %sign3A_225 = arith.extui %sign3A_224 : i1 to i32
        %sign3A_226 = arith.subi %sign3A_222, %sign3A_225 : i32
        %sign3A_227 = arith.constant 0 : i32
        %sign3A_228 = arith.cmpi sgt, %jit3A_218, %sign3A_227 : i32
        %sign3A_229 = arith.extui %sign3A_228 : i1 to i32
        %sign3A_230 = arith.constant 0 : i32
        %sign3A_231 = arith.cmpi slt, %jit3A_218, %sign3A_230 : i32
        %sign3A_232 = arith.extui %sign3A_231 : i1 to i32
        %sign3A_233 = arith.subi %sign3A_229, %sign3A_232 : i32
        %ne3A_234 = arith.cmpi ne, %sign3A_226, %sign3A_233 : i32
        %rem3A_235 = arith.remsi %add3A_217, %jit3A_218 : i32
        %ne3A_236 = arith.constant 0 : i32
        %ne3A_237 = arith.cmpi ne, %rem3A_235, %ne3A_236 : i32
        %and3A_238 = arith.andi %ne3A_234, %ne3A_237 : i1
        %sub3A_239 = arith.constant 1 : i32
        %sub3A_240 = arith.subi %div3A_219, %sub3A_239 : i32
        %select_n3A_241 = arith.select %and3A_238, %sub3A_240, %div3A_219 : i32
        %rem3A_242 = arith.constant 4 : i32
        %rem3A_243 = arith.remsi %add3A_217, %rem3A_242 : i32
        %dma_wait3A_244 = arith.constant 0 : i32
        %dma_wait3A_245 = arith.constant 0 : i32
        %dma_wait3A_246 = tpu.memref_slice %arg11[%dma_wait3A_244, %dma_wait3A_245] : memref<2x4096xi32, #tpu.memory_space<vmem>> -> memref<1x4096xi32, #tpu.memory_space<vmem>>
        %dma_wait3A_247 = tpu.memref_squeeze %dma_wait3A_246 : memref<1x4096xi32, #tpu.memory_space<vmem>> -> memref<4096xi32, #tpu.memory_space<vmem>>
        %dma_wait3A_248 = arith.constant 0 : i32
        %dma_wait3A_249 = tpu.memref_slice %arg2[%select_n3A_241, %dma_wait3A_248] : memref<200x4096xi32, #tpu.memory_space<hbm>> -> memref<1x4096xi32, #tpu.memory_space<hbm>>
        %dma_wait3A_250 = tpu.memref_squeeze %dma_wait3A_249 : memref<1x4096xi32, #tpu.memory_space<hbm>> -> memref<4096xi32, #tpu.memory_space<hbm>>
        %dma_wait3A_251 = arith.constant 0 : i32
        %dma_wait3A_252 = tpu.memref_slice %arg11[%dma_wait3A_244, %dma_wait3A_251] : memref<2x4096xi32, #tpu.memory_space<vmem>> -> memref<1x4096xi32, #tpu.memory_space<vmem>>
        %dma_wait3A_253 = tpu.memref_squeeze %dma_wait3A_252 : memref<1x4096xi32, #tpu.memory_space<vmem>> -> memref<4096xi32, #tpu.memory_space<vmem>>
        %dma_wait3A_254 = arith.constant 0 : i32
        %dma_wait3A_255 = tpu.memref_slice %arg2[%select_n3A_241, %dma_wait3A_254] : memref<200x4096xi32, #tpu.memory_space<hbm>> -> memref<1x4096xi32, #tpu.memory_space<hbm>>
        %dma_wait3A_256 = tpu.memref_squeeze %dma_wait3A_255 : memref<1x4096xi32, #tpu.memory_space<hbm>> -> memref<4096xi32, #tpu.memory_space<hbm>>
        tpu.wait_dma2 semaphore(%arg13 : memref<!tpu.dma_semaphore, #tpu.memory_space<semaphore_mem>>) src(%dma_wait3A_256 : memref<4096xi32, #tpu.memory_space<hbm>>) dst(%dma_wait3A_253 : memref<4096xi32, #tpu.memory_space<vmem>>)
      } else {
      }
      %eq3A_152 = arith.constant 1 : i32
      %eq3A_153 = arith.cmpi eq, %rem3A_149, %eq3A_152 : i32
      %convert_element_type3A_154 = arith.extui %eq3A_153 : i1 to i32
      %cond3A_155 = arith.constant 0 : i32
      %cond3A_156 = arith.cmpi ne, %convert_element_type3A_154, %cond3A_155 : i32
      scf.if %cond3A_156 {
        %mul3A_215 = arith.constant 25 : i32
        %mul3A_216 = arith.muli %add3A, %mul3A_215 : i32
        %add3A_217 = arith.addi %mul3A_216, %scan3A_147 : i32
        %jit3A_218 = arith.constant 4 : i32
        %div3A_219 = arith.divsi %add3A_217, %jit3A_218 : i32
        %sign3A_220 = arith.constant 0 : i32
        %sign3A_221 = arith.cmpi sgt, %add3A_217, %sign3A_220 : i32
        %sign3A_222 = arith.extui %sign3A_221 : i1 to i32
        %sign3A_223 = arith.constant 0 : i32
        %sign3A_224 = arith.cmpi slt, %add3A_217, %sign3A_223 : i32
        %sign3A_225 = arith.extui %sign3A_224 : i1 to i32
        %sign3A_226 = arith.subi %sign3A_222, %sign3A_225 : i32
        %sign3A_227 = arith.constant 0 : i32
        %sign3A_228 = arith.cmpi sgt, %jit3A_218, %sign3A_227 : i32
        %sign3A_229 = arith.extui %sign3A_228 : i1 to i32
        %sign3A_230 = arith.constant 0 : i32
        %sign3A_231 = arith.cmpi slt, %jit3A_218, %sign3A_230 : i32
        %sign3A_232 = arith.extui %sign3A_231 : i1 to i32
        %sign3A_233 = arith.subi %sign3A_229, %sign3A_232 : i32
        %ne3A_234 = arith.cmpi ne, %sign3A_226, %sign3A_233 : i32
        %rem3A_235 = arith.remsi %add3A_217, %jit3A_218 : i32
        %ne3A_236 = arith.constant 0 : i32
        %ne3A_237 = arith.cmpi ne, %rem3A_235, %ne3A_236 : i32
        %and3A_238 = arith.andi %ne3A_234, %ne3A_237 : i1
        %sub3A_239 = arith.constant 1 : i32
        %sub3A_240 = arith.subi %div3A_219, %sub3A_239 : i32
        %select_n3A_241 = arith.select %and3A_238, %sub3A_240, %div3A_219 : i32
        %rem3A_242 = arith.constant 4 : i32
        %rem3A_243 = arith.remsi %add3A_217, %rem3A_242 : i32
        %dma_wait3A_244 = arith.constant 1 : i32
        %dma_wait3A_245 = arith.constant 0 : i32
        %dma_wait3A_246 = tpu.memref_slice %arg11[%dma_wait3A_244, %dma_wait3A_245] : memref<2x4096xi32, #tpu.memory_space<vmem>> -> memref<1x4096xi32, #tpu.memory_space<vmem>>
        %dma_wait3A_247 = tpu.memref_squeeze %dma_wait3A_246 : memref<1x4096xi32, #tpu.memory_space<vmem>> -> memref<4096xi32, #tpu.memory_space<vmem>>
        %dma_wait3A_248 = arith.constant 0 : i32
        %dma_wait3A_249 = tpu.memref_slice %arg2[%select_n3A_241, %dma_wait3A_248] : memref<200x4096xi32, #tpu.memory_space<hbm>> -> memref<1x4096xi32, #tpu.memory_space<hbm>>
        %dma_wait3A_250 = tpu.memref_squeeze %dma_wait3A_249 : memref<1x4096xi32, #tpu.memory_space<hbm>> -> memref<4096xi32, #tpu.memory_space<hbm>>
        %dma_wait3A_251 = arith.constant 0 : i32
        %dma_wait3A_252 = tpu.memref_slice %arg11[%dma_wait3A_244, %dma_wait3A_251] : memref<2x4096xi32, #tpu.memory_space<vmem>> -> memref<1x4096xi32, #tpu.memory_space<vmem>>
        %dma_wait3A_253 = tpu.memref_squeeze %dma_wait3A_252 : memref<1x4096xi32, #tpu.memory_space<vmem>> -> memref<4096xi32, #tpu.memory_space<vmem>>
        %dma_wait3A_254 = arith.constant 0 : i32
        %dma_wait3A_255 = tpu.memref_slice %arg2[%select_n3A_241, %dma_wait3A_254] : memref<200x4096xi32, #tpu.memory_space<hbm>> -> memref<1x4096xi32, #tpu.memory_space<hbm>>
        %dma_wait3A_256 = tpu.memref_squeeze %dma_wait3A_255 : memref<1x4096xi32, #tpu.memory_space<hbm>> -> memref<4096xi32, #tpu.memory_space<hbm>>
        tpu.wait_dma2 semaphore(%arg14 : memref<!tpu.dma_semaphore, #tpu.memory_space<semaphore_mem>>) src(%dma_wait3A_256 : memref<4096xi32, #tpu.memory_space<hbm>>) dst(%dma_wait3A_253 : memref<4096xi32, #tpu.memory_space<vmem>>)
      } else {
      }
      %add3A_157 = arith.constant 1 : i32
      %add3A_158 = arith.addi %scan3A_147, %add3A_157 : i32
      %lt3A = arith.constant 25 : i32
      %lt3A_159 = arith.cmpi slt, %add3A_158, %lt3A : i32
      %convert_element_type3A_160 = arith.extui %lt3A_159 : i1 to i32
      %cond3A_161 = arith.constant 0 : i32
      %cond3A_162 = arith.cmpi ne, %convert_element_type3A_160, %cond3A_161 : i32
      scf.if %cond3A_162 {
        %sub3A_215 = arith.constant 1 : i32
        %sub3A_216 = arith.subi %sub3A_215, %rem3A_149 : i32
        %eq3A_217 = arith.constant 0 : i32
        %eq3A_218 = arith.cmpi eq, %sub3A_216, %eq3A_217 : i32
        %convert_element_type3A_219 = arith.extui %eq3A_218 : i1 to i32
        %cond3A_220 = arith.constant 0 : i32
        %cond3A_221 = arith.cmpi ne, %convert_element_type3A_219, %cond3A_220 : i32
        scf.if %cond3A_221 {
          %add3A_227 = arith.constant 1 : i32
          %add3A_228 = arith.addi %scan3A_147, %add3A_227 : i32
          %mul3A_229 = arith.constant 25 : i32
          %mul3A_230 = arith.muli %add3A, %mul3A_229 : i32
          %add3A_231 = arith.addi %mul3A_230, %add3A_228 : i32
          %jit3A_232 = arith.constant 4 : i32
          %div3A_233 = arith.divsi %add3A_231, %jit3A_232 : i32
          %sign3A_234 = arith.constant 0 : i32
          %sign3A_235 = arith.cmpi sgt, %add3A_231, %sign3A_234 : i32
          %sign3A_236 = arith.extui %sign3A_235 : i1 to i32
          %sign3A_237 = arith.constant 0 : i32
          %sign3A_238 = arith.cmpi slt, %add3A_231, %sign3A_237 : i32
          %sign3A_239 = arith.extui %sign3A_238 : i1 to i32
          %sign3A_240 = arith.subi %sign3A_236, %sign3A_239 : i32
          %sign3A_241 = arith.constant 0 : i32
          %sign3A_242 = arith.cmpi sgt, %jit3A_232, %sign3A_241 : i32
          %sign3A_243 = arith.extui %sign3A_242 : i1 to i32
          %sign3A_244 = arith.constant 0 : i32
          %sign3A_245 = arith.cmpi slt, %jit3A_232, %sign3A_244 : i32
          %sign3A_246 = arith.extui %sign3A_245 : i1 to i32
          %sign3A_247 = arith.subi %sign3A_243, %sign3A_246 : i32
          %ne3A_248 = arith.cmpi ne, %sign3A_240, %sign3A_247 : i32
          %rem3A_249 = arith.remsi %add3A_231, %jit3A_232 : i32
          %ne3A_250 = arith.constant 0 : i32
          %ne3A_251 = arith.cmpi ne, %rem3A_249, %ne3A_250 : i32
          %and3A_252 = arith.andi %ne3A_248, %ne3A_251 : i1
          %sub3A_253 = arith.constant 1 : i32
          %sub3A_254 = arith.subi %div3A_233, %sub3A_253 : i32
          %select_n3A_255 = arith.select %and3A_252, %sub3A_254, %div3A_233 : i32
          %rem3A_256 = arith.constant 4 : i32
          %rem3A_257 = arith.remsi %add3A_231, %rem3A_256 : i32
          %dma_start3A_258 = arith.constant 0 : i32
          %dma_start3A_259 = arith.constant 0 : i32
          %dma_start3A_260 = tpu.memref_slice %arg11[%dma_start3A_258, %dma_start3A_259] : memref<2x4096xi32, #tpu.memory_space<vmem>> -> memref<1x4096xi32, #tpu.memory_space<vmem>>
          %dma_start3A_261 = tpu.memref_squeeze %dma_start3A_260 : memref<1x4096xi32, #tpu.memory_space<vmem>> -> memref<4096xi32, #tpu.memory_space<vmem>>
          %dma_start3A_262 = arith.constant 0 : i32
          %dma_start3A_263 = tpu.memref_slice %arg2[%select_n3A_255, %dma_start3A_262] : memref<200x4096xi32, #tpu.memory_space<hbm>> -> memref<1x4096xi32, #tpu.memory_space<hbm>>
          %dma_start3A_264 = tpu.memref_squeeze %dma_start3A_263 : memref<1x4096xi32, #tpu.memory_space<hbm>> -> memref<4096xi32, #tpu.memory_space<hbm>>
          %dma_start3A_265 = arith.constant 0 : i32
          %dma_start3A_266 = tpu.memref_slice %arg11[%dma_start3A_258, %dma_start3A_265] : memref<2x4096xi32, #tpu.memory_space<vmem>> -> memref<1x4096xi32, #tpu.memory_space<vmem>>
          %dma_start3A_267 = tpu.memref_squeeze %dma_start3A_266 : memref<1x4096xi32, #tpu.memory_space<vmem>> -> memref<4096xi32, #tpu.memory_space<vmem>>
          %dma_start3A_268 = arith.constant 0 : i32
          %dma_start3A_269 = tpu.memref_slice %arg2[%select_n3A_255, %dma_start3A_268] : memref<200x4096xi32, #tpu.memory_space<hbm>> -> memref<1x4096xi32, #tpu.memory_space<hbm>>
          %dma_start3A_270 = tpu.memref_squeeze %dma_start3A_269 : memref<1x4096xi32, #tpu.memory_space<hbm>> -> memref<4096xi32, #tpu.memory_space<hbm>>
          tpu.enqueue_dma source(%dma_start3A_270 : memref<4096xi32, #tpu.memory_space<hbm>>) target(%dma_start3A_267 : memref<4096xi32, #tpu.memory_space<vmem>>) target_semaphore(%arg13 : memref<!tpu.dma_semaphore, #tpu.memory_space<semaphore_mem>>)
        } else {
        }
        %eq3A_222 = arith.constant 1 : i32
        %eq3A_223 = arith.cmpi eq, %sub3A_216, %eq3A_222 : i32
        %convert_element_type3A_224 = arith.extui %eq3A_223 : i1 to i32
        %cond3A_225 = arith.constant 0 : i32
        %cond3A_226 = arith.cmpi ne, %convert_element_type3A_224, %cond3A_225 : i32
        scf.if %cond3A_226 {
          %add3A_227 = arith.constant 1 : i32
          %add3A_228 = arith.addi %scan3A_147, %add3A_227 : i32
          %mul3A_229 = arith.constant 25 : i32
          %mul3A_230 = arith.muli %add3A, %mul3A_229 : i32
          %add3A_231 = arith.addi %mul3A_230, %add3A_228 : i32
          %jit3A_232 = arith.constant 4 : i32
          %div3A_233 = arith.divsi %add3A_231, %jit3A_232 : i32
          %sign3A_234 = arith.constant 0 : i32
          %sign3A_235 = arith.cmpi sgt, %add3A_231, %sign3A_234 : i32
          %sign3A_236 = arith.extui %sign3A_235 : i1 to i32
          %sign3A_237 = arith.constant 0 : i32
          %sign3A_238 = arith.cmpi slt, %add3A_231, %sign3A_237 : i32
          %sign3A_239 = arith.extui %sign3A_238 : i1 to i32
          %sign3A_240 = arith.subi %sign3A_236, %sign3A_239 : i32
          %sign3A_241 = arith.constant 0 : i32
          %sign3A_242 = arith.cmpi sgt, %jit3A_232, %sign3A_241 : i32
          %sign3A_243 = arith.extui %sign3A_242 : i1 to i32
          %sign3A_244 = arith.constant 0 : i32
          %sign3A_245 = arith.cmpi slt, %jit3A_232, %sign3A_244 : i32
          %sign3A_246 = arith.extui %sign3A_245 : i1 to i32
          %sign3A_247 = arith.subi %sign3A_243, %sign3A_246 : i32
          %ne3A_248 = arith.cmpi ne, %sign3A_240, %sign3A_247 : i32
          %rem3A_249 = arith.remsi %add3A_231, %jit3A_232 : i32
          %ne3A_250 = arith.constant 0 : i32
          %ne3A_251 = arith.cmpi ne, %rem3A_249, %ne3A_250 : i32
          %and3A_252 = arith.andi %ne3A_248, %ne3A_251 : i1
          %sub3A_253 = arith.constant 1 : i32
          %sub3A_254 = arith.subi %div3A_233, %sub3A_253 : i32
          %select_n3A_255 = arith.select %and3A_252, %sub3A_254, %div3A_233 : i32
          %rem3A_256 = arith.constant 4 : i32
          %rem3A_257 = arith.remsi %add3A_231, %rem3A_256 : i32
          %dma_start3A_258 = arith.constant 1 : i32
          %dma_start3A_259 = arith.constant 0 : i32
          %dma_start3A_260 = tpu.memref_slice %arg11[%dma_start3A_258, %dma_start3A_259] : memref<2x4096xi32, #tpu.memory_space<vmem>> -> memref<1x4096xi32, #tpu.memory_space<vmem>>
          %dma_start3A_261 = tpu.memref_squeeze %dma_start3A_260 : memref<1x4096xi32, #tpu.memory_space<vmem>> -> memref<4096xi32, #tpu.memory_space<vmem>>
          %dma_start3A_262 = arith.constant 0 : i32
          %dma_start3A_263 = tpu.memref_slice %arg2[%select_n3A_255, %dma_start3A_262] : memref<200x4096xi32, #tpu.memory_space<hbm>> -> memref<1x4096xi32, #tpu.memory_space<hbm>>
          %dma_start3A_264 = tpu.memref_squeeze %dma_start3A_263 : memref<1x4096xi32, #tpu.memory_space<hbm>> -> memref<4096xi32, #tpu.memory_space<hbm>>
          %dma_start3A_265 = arith.constant 0 : i32
          %dma_start3A_266 = tpu.memref_slice %arg11[%dma_start3A_258, %dma_start3A_265] : memref<2x4096xi32, #tpu.memory_space<vmem>> -> memref<1x4096xi32, #tpu.memory_space<vmem>>
          %dma_start3A_267 = tpu.memref_squeeze %dma_start3A_266 : memref<1x4096xi32, #tpu.memory_space<vmem>> -> memref<4096xi32, #tpu.memory_space<vmem>>
          %dma_start3A_268 = arith.constant 0 : i32
          %dma_start3A_269 = tpu.memref_slice %arg2[%select_n3A_255, %dma_start3A_268] : memref<200x4096xi32, #tpu.memory_space<hbm>> -> memref<1x4096xi32, #tpu.memory_space<hbm>>
          %dma_start3A_270 = tpu.memref_squeeze %dma_start3A_269 : memref<1x4096xi32, #tpu.memory_space<hbm>> -> memref<4096xi32, #tpu.memory_space<hbm>>
          tpu.enqueue_dma source(%dma_start3A_270 : memref<4096xi32, #tpu.memory_space<hbm>>) target(%dma_start3A_267 : memref<4096xi32, #tpu.memory_space<vmem>>) target_semaphore(%arg14 : memref<!tpu.dma_semaphore, #tpu.memory_space<semaphore_mem>>)
        } else {
        }
      } else {
      }
      %ge3A = arith.constant 2 : i32
      %ge3A_163 = arith.cmpi sge, %scan3A_147, %ge3A : i32
      %convert_element_type3A_164 = arith.extui %ge3A_163 : i1 to i32
      %cond3A_165 = arith.constant 0 : i32
      %cond3A_166 = arith.cmpi ne, %convert_element_type3A_164, %cond3A_165 : i32
      scf.if %cond3A_166 {
        %eq3A_215 = arith.constant 0 : i32
        %eq3A_216 = arith.cmpi eq, %rem3A_149, %eq3A_215 : i32
        %convert_element_type3A_217 = arith.extui %eq3A_216 : i1 to i32
        %cond3A_218 = arith.constant 0 : i32
        %cond3A_219 = arith.cmpi ne, %convert_element_type3A_217, %cond3A_218 : i32
        scf.if %cond3A_219 {
          %sub3A_225 = arith.constant 2 : i32
          %sub3A_226 = arith.subi %scan3A_147, %sub3A_225 : i32
          %mul3A_227 = arith.constant 25 : i32
          %mul3A_228 = arith.muli %add3A, %mul3A_227 : i32
          %add3A_229 = arith.addi %mul3A_228, %sub3A_226 : i32
          %jit3A_230 = arith.constant 4 : i32
          %div3A_231 = arith.divsi %add3A_229, %jit3A_230 : i32
          %sign3A_232 = arith.constant 0 : i32
          %sign3A_233 = arith.cmpi sgt, %add3A_229, %sign3A_232 : i32
          %sign3A_234 = arith.extui %sign3A_233 : i1 to i32
          %sign3A_235 = arith.constant 0 : i32
          %sign3A_236 = arith.cmpi slt, %add3A_229, %sign3A_235 : i32
          %sign3A_237 = arith.extui %sign3A_236 : i1 to i32
          %sign3A_238 = arith.subi %sign3A_234, %sign3A_237 : i32
          %sign3A_239 = arith.constant 0 : i32
          %sign3A_240 = arith.cmpi sgt, %jit3A_230, %sign3A_239 : i32
          %sign3A_241 = arith.extui %sign3A_240 : i1 to i32
          %sign3A_242 = arith.constant 0 : i32
          %sign3A_243 = arith.cmpi slt, %jit3A_230, %sign3A_242 : i32
          %sign3A_244 = arith.extui %sign3A_243 : i1 to i32
          %sign3A_245 = arith.subi %sign3A_241, %sign3A_244 : i32
          %ne3A_246 = arith.cmpi ne, %sign3A_238, %sign3A_245 : i32
          %rem3A_247 = arith.remsi %add3A_229, %jit3A_230 : i32
          %ne3A_248 = arith.constant 0 : i32
          %ne3A_249 = arith.cmpi ne, %rem3A_247, %ne3A_248 : i32
          %and3A_250 = arith.andi %ne3A_246, %ne3A_249 : i1
          %sub3A_251 = arith.constant 1 : i32
          %sub3A_252 = arith.subi %div3A_231, %sub3A_251 : i32
          %select_n3A_253 = arith.select %and3A_250, %sub3A_252, %div3A_231 : i32
          %rem3A_254 = arith.constant 4 : i32
          %rem3A_255 = arith.remsi %add3A_229, %rem3A_254 : i32
          %dma_wait3A_256 = arith.constant 0 : i32
          %dma_wait3A_257 = arith.constant 0 : i32
          %dma_wait3A_258 = arith.constant 0 : i32
          %dma_wait3A_259 = arith.constant 0 : i32
          %dma_wait3A_260 = tpu.memref_slice %arg12[%dma_wait3A_256, %dma_wait3A_257, %dma_wait3A_258, %dma_wait3A_259] : memref<2x32x8x128xf32, #tpu.memory_space<vmem>> -> memref<1x32x8x128xf32, #tpu.memory_space<vmem>>
          %dma_wait3A_261 = tpu.memref_squeeze %dma_wait3A_260 : memref<1x32x8x128xf32, #tpu.memory_space<vmem>> -> memref<32x8x128xf32, #tpu.memory_space<vmem>>
          %dma_wait3A_262 = arith.constant 0 : i32
          %dma_wait3A_263 = arith.constant 0 : i32
          %dma_wait3A_264 = arith.constant 0 : i32
          %dma_wait3A_265 = tpu.memref_slice %arg6[%select_n3A_253, %rem3A_255, %dma_wait3A_262, %dma_wait3A_263, %dma_wait3A_264] : memref<200x4x32x8x128xf32, #tpu.memory_space<hbm>> -> memref<1x1x32x8x128xf32, #tpu.memory_space<hbm>>
          %dma_wait3A_266 = tpu.memref_squeeze %dma_wait3A_265 : memref<1x1x32x8x128xf32, #tpu.memory_space<hbm>> -> memref<32x8x128xf32, #tpu.memory_space<hbm>>
          %dma_wait3A_267 = arith.constant 0 : i32
          %dma_wait3A_268 = arith.constant 0 : i32
          %dma_wait3A_269 = arith.constant 0 : i32
          %dma_wait3A_270 = tpu.memref_slice %arg6[%select_n3A_253, %rem3A_255, %dma_wait3A_267, %dma_wait3A_268, %dma_wait3A_269] : memref<200x4x32x8x128xf32, #tpu.memory_space<hbm>> -> memref<1x1x32x8x128xf32, #tpu.memory_space<hbm>>
          %dma_wait3A_271 = tpu.memref_squeeze %dma_wait3A_270 : memref<1x1x32x8x128xf32, #tpu.memory_space<hbm>> -> memref<32x8x128xf32, #tpu.memory_space<hbm>>
          %dma_wait3A_272 = arith.constant 0 : i32
          %dma_wait3A_273 = arith.constant 0 : i32
          %dma_wait3A_274 = arith.constant 0 : i32
          %dma_wait3A_275 = tpu.memref_slice %arg12[%dma_wait3A_256, %dma_wait3A_272, %dma_wait3A_273, %dma_wait3A_274] : memref<2x32x8x128xf32, #tpu.memory_space<vmem>> -> memref<1x32x8x128xf32, #tpu.memory_space<vmem>>
          %dma_wait3A_276 = tpu.memref_squeeze %dma_wait3A_275 : memref<1x32x8x128xf32, #tpu.memory_space<vmem>> -> memref<32x8x128xf32, #tpu.memory_space<vmem>>
          tpu.wait_dma2 semaphore(%arg15 : memref<!tpu.dma_semaphore, #tpu.memory_space<semaphore_mem>>) src(%dma_wait3A_276 : memref<32x8x128xf32, #tpu.memory_space<vmem>>) dst(%dma_wait3A_271 : memref<32x8x128xf32, #tpu.memory_space<hbm>>)
        } else {
        }
        %eq3A_220 = arith.constant 1 : i32
        %eq3A_221 = arith.cmpi eq, %rem3A_149, %eq3A_220 : i32
        %convert_element_type3A_222 = arith.extui %eq3A_221 : i1 to i32
        %cond3A_223 = arith.constant 0 : i32
        %cond3A_224 = arith.cmpi ne, %convert_element_type3A_222, %cond3A_223 : i32
        scf.if %cond3A_224 {
          %sub3A_225 = arith.constant 2 : i32
          %sub3A_226 = arith.subi %scan3A_147, %sub3A_225 : i32
          %mul3A_227 = arith.constant 25 : i32
          %mul3A_228 = arith.muli %add3A, %mul3A_227 : i32
          %add3A_229 = arith.addi %mul3A_228, %sub3A_226 : i32
          %jit3A_230 = arith.constant 4 : i32
          %div3A_231 = arith.divsi %add3A_229, %jit3A_230 : i32
          %sign3A_232 = arith.constant 0 : i32
          %sign3A_233 = arith.cmpi sgt, %add3A_229, %sign3A_232 : i32
          %sign3A_234 = arith.extui %sign3A_233 : i1 to i32
          %sign3A_235 = arith.constant 0 : i32
          %sign3A_236 = arith.cmpi slt, %add3A_229, %sign3A_235 : i32
          %sign3A_237 = arith.extui %sign3A_236 : i1 to i32
          %sign3A_238 = arith.subi %sign3A_234, %sign3A_237 : i32
          %sign3A_239 = arith.constant 0 : i32
          %sign3A_240 = arith.cmpi sgt, %jit3A_230, %sign3A_239 : i32
          %sign3A_241 = arith.extui %sign3A_240 : i1 to i32
          %sign3A_242 = arith.constant 0 : i32
          %sign3A_243 = arith.cmpi slt, %jit3A_230, %sign3A_242 : i32
          %sign3A_244 = arith.extui %sign3A_243 : i1 to i32
          %sign3A_245 = arith.subi %sign3A_241, %sign3A_244 : i32
          %ne3A_246 = arith.cmpi ne, %sign3A_238, %sign3A_245 : i32
          %rem3A_247 = arith.remsi %add3A_229, %jit3A_230 : i32
          %ne3A_248 = arith.constant 0 : i32
          %ne3A_249 = arith.cmpi ne, %rem3A_247, %ne3A_248 : i32
          %and3A_250 = arith.andi %ne3A_246, %ne3A_249 : i1
          %sub3A_251 = arith.constant 1 : i32
          %sub3A_252 = arith.subi %div3A_231, %sub3A_251 : i32
          %select_n3A_253 = arith.select %and3A_250, %sub3A_252, %div3A_231 : i32
          %rem3A_254 = arith.constant 4 : i32
          %rem3A_255 = arith.remsi %add3A_229, %rem3A_254 : i32
          %dma_wait3A_256 = arith.constant 1 : i32
          %dma_wait3A_257 = arith.constant 0 : i32
          %dma_wait3A_258 = arith.constant 0 : i32
          %dma_wait3A_259 = arith.constant 0 : i32
          %dma_wait3A_260 = tpu.memref_slice %arg12[%dma_wait3A_256, %dma_wait3A_257, %dma_wait3A_258, %dma_wait3A_259] : memref<2x32x8x128xf32, #tpu.memory_space<vmem>> -> memref<1x32x8x128xf32, #tpu.memory_space<vmem>>
          %dma_wait3A_261 = tpu.memref_squeeze %dma_wait3A_260 : memref<1x32x8x128xf32, #tpu.memory_space<vmem>> -> memref<32x8x128xf32, #tpu.memory_space<vmem>>
          %dma_wait3A_262 = arith.constant 0 : i32
          %dma_wait3A_263 = arith.constant 0 : i32
          %dma_wait3A_264 = arith.constant 0 : i32
          %dma_wait3A_265 = tpu.memref_slice %arg6[%select_n3A_253, %rem3A_255, %dma_wait3A_262, %dma_wait3A_263, %dma_wait3A_264] : memref<200x4x32x8x128xf32, #tpu.memory_space<hbm>> -> memref<1x1x32x8x128xf32, #tpu.memory_space<hbm>>
          %dma_wait3A_266 = tpu.memref_squeeze %dma_wait3A_265 : memref<1x1x32x8x128xf32, #tpu.memory_space<hbm>> -> memref<32x8x128xf32, #tpu.memory_space<hbm>>
          %dma_wait3A_267 = arith.constant 0 : i32
          %dma_wait3A_268 = arith.constant 0 : i32
          %dma_wait3A_269 = arith.constant 0 : i32
          %dma_wait3A_270 = tpu.memref_slice %arg6[%select_n3A_253, %rem3A_255, %dma_wait3A_267, %dma_wait3A_268, %dma_wait3A_269] : memref<200x4x32x8x128xf32, #tpu.memory_space<hbm>> -> memref<1x1x32x8x128xf32, #tpu.memory_space<hbm>>
          %dma_wait3A_271 = tpu.memref_squeeze %dma_wait3A_270 : memref<1x1x32x8x128xf32, #tpu.memory_space<hbm>> -> memref<32x8x128xf32, #tpu.memory_space<hbm>>
          %dma_wait3A_272 = arith.constant 0 : i32
          %dma_wait3A_273 = arith.constant 0 : i32
          %dma_wait3A_274 = arith.constant 0 : i32
          %dma_wait3A_275 = tpu.memref_slice %arg12[%dma_wait3A_256, %dma_wait3A_272, %dma_wait3A_273, %dma_wait3A_274] : memref<2x32x8x128xf32, #tpu.memory_space<vmem>> -> memref<1x32x8x128xf32, #tpu.memory_space<vmem>>
          %dma_wait3A_276 = tpu.memref_squeeze %dma_wait3A_275 : memref<1x32x8x128xf32, #tpu.memory_space<vmem>> -> memref<32x8x128xf32, #tpu.memory_space<vmem>>
          tpu.wait_dma2 semaphore(%arg16 : memref<!tpu.dma_semaphore, #tpu.memory_space<semaphore_mem>>) src(%dma_wait3A_276 : memref<32x8x128xf32, #tpu.memory_space<vmem>>) dst(%dma_wait3A_271 : memref<32x8x128xf32, #tpu.memory_space<hbm>>)
        } else {
        }
      } else {
      }
      %mul3A_167 = arith.constant 25 : i32
      %mul3A_168 = arith.muli %add3A, %mul3A_167 : i32
      %add3A_169 = arith.addi %mul3A_168, %scan3A_147 : i32
      %jit3A_170 = arith.constant 4 : i32
      %div3A_171 = arith.divsi %add3A_169, %jit3A_170 : i32
      %sign3A_172 = arith.constant 0 : i32
      %sign3A_173 = arith.cmpi sgt, %add3A_169, %sign3A_172 : i32
      %sign3A_174 = arith.extui %sign3A_173 : i1 to i32
      %sign3A_175 = arith.constant 0 : i32
      %sign3A_176 = arith.cmpi slt, %add3A_169, %sign3A_175 : i32
      %sign3A_177 = arith.extui %sign3A_176 : i1 to i32
      %sign3A_178 = arith.subi %sign3A_174, %sign3A_177 : i32
      %sign3A_179 = arith.constant 0 : i32
      %sign3A_180 = arith.cmpi sgt, %jit3A_170, %sign3A_179 : i32
      %sign3A_181 = arith.extui %sign3A_180 : i1 to i32
      %sign3A_182 = arith.constant 0 : i32
      %sign3A_183 = arith.cmpi slt, %jit3A_170, %sign3A_182 : i32
      %sign3A_184 = arith.extui %sign3A_183 : i1 to i32
      %sign3A_185 = arith.subi %sign3A_181, %sign3A_184 : i32
      %ne3A_186 = arith.cmpi ne, %sign3A_178, %sign3A_185 : i32
      %rem3A_187 = arith.remsi %add3A_169, %jit3A_170 : i32
      %ne3A_188 = arith.constant 0 : i32
      %ne3A_189 = arith.cmpi ne, %rem3A_187, %ne3A_188 : i32
      %and3A_190 = arith.andi %ne3A_186, %ne3A_189 : i1
      %sub3A_191 = arith.constant 1 : i32
      %sub3A_192 = arith.subi %div3A_171, %sub3A_191 : i32
      %select_n3A_193 = arith.select %and3A_190, %sub3A_192, %div3A_171 : i32
      %rem3A_194 = arith.constant 4 : i32
      %rem3A_195 = arith.remsi %add3A_169, %rem3A_194 : i32
      %mul3A_196 = arith.constant 8 : i32
      %mul3A_197 = arith.muli %rem3A_195, %mul3A_196 : i32
      %mul3A_198 = arith.constant 512 : i32
      %mul3A_199 = arith.muli %mul3A_197, %mul3A_198 : i32
      %broadcast_in_dim3A = arith.constant 0 : i32
      %broadcast_in_dim3A_200 = vector.broadcast %broadcast_in_dim3A : i32 to vector<16xi32>
      %add3A_201 = vector.broadcast %mul3A_199 : i32 to vector<16xi32>
      %add3A_202 = arith.addi %add3A_201, %broadcast_in_dim3A_200 : vector<16xi32>
      %parallel_loop3A = arith.constant 0 : i32
      %parallel_loop3A_203 = arith.constant 32 : i32
      %parallel_loop3A_204 = arith.constant 1 : i32
      scf.for %parallel_loop3A_215 = %parallel_loop3A to %parallel_loop3A_203 step %parallel_loop3A_204  : i32 {
        %parallel_loop3A_216 = arith.constant 128 : i32
        %parallel_loop3A_217 = arith.muli %parallel_loop3A_215, %parallel_loop3A_216 : i32
        %parallel_loop3A_218 = arith.constant 0 : i32
        %parallel_loop3A_219 = arith.addi %parallel_loop3A_217, %parallel_loop3A_218 : i32
        %parallel_loop3A_220 = tpu.assume_multiple %parallel_loop3A_219, 16 : i32
        %parallel_loop3A_221 = arith.index_cast %rem3A_149 : i32 to index
        %parallel_loop3A_222 = arith.index_cast %parallel_loop3A_220 : i32 to index
        %parallel_loop3A_223 = tpu.vector_load %arg11[%parallel_loop3A_221, %parallel_loop3A_222] {strides = array<i32>} : memref<2x4096xi32, #tpu.memory_space<vmem>>, vector<16xi32>,
        %parallel_loop3A_224 = arith.constant 4 : i32
        %parallel_loop3A_225 = vector.broadcast %parallel_loop3A_224 : i32 to vector<16xi32>
        %parallel_loop3A_226 = arith.shli %parallel_loop3A_223, %parallel_loop3A_225 : vector<16xi32>
        %parallel_loop3A_227 = arith.ori %parallel_loop3A_226, %iota3A : vector<16xi32>
        %parallel_loop3A_228 = arith.addi %parallel_loop3A_227, %add3A_202 : vector<16xi32>
        %parallel_loop3A_229 = arith.constant 128 : i32
        %parallel_loop3A_230 = arith.muli %parallel_loop3A_215, %parallel_loop3A_229 : i32
        %parallel_loop3A_231 = arith.constant 16 : i32
        %parallel_loop3A_232 = arith.addi %parallel_loop3A_230, %parallel_loop3A_231 : i32
        %parallel_loop3A_233 = tpu.assume_multiple %parallel_loop3A_232, 16 : i32
        %parallel_loop3A_234 = arith.index_cast %rem3A_149 : i32 to index
        %parallel_loop3A_235 = arith.index_cast %parallel_loop3A_233 : i32 to index
        %parallel_loop3A_236 = tpu.vector_load %arg11[%parallel_loop3A_234, %parallel_loop3A_235] {strides = array<i32>} : memref<2x4096xi32, #tpu.memory_space<vmem>>, vector<16xi32>,
        %parallel_loop3A_237 = arith.constant 4 : i32
        %parallel_loop3A_238 = vector.broadcast %parallel_loop3A_237 : i32 to vector<16xi32>
        %parallel_loop3A_239 = arith.shli %parallel_loop3A_236, %parallel_loop3A_238 : vector<16xi32>
        %parallel_loop3A_240 = arith.ori %parallel_loop3A_239, %iota3A : vector<16xi32>
        %parallel_loop3A_241 = arith.addi %parallel_loop3A_240, %add3A_202 : vector<16xi32>
        %parallel_loop3A_242 = arith.constant 128 : i32
        %parallel_loop3A_243 = arith.muli %parallel_loop3A_215, %parallel_loop3A_242 : i32
        %parallel_loop3A_244 = arith.constant 32 : i32
        %parallel_loop3A_245 = arith.addi %parallel_loop3A_243, %parallel_loop3A_244 : i32
        %parallel_loop3A_246 = tpu.assume_multiple %parallel_loop3A_245, 16 : i32
        %parallel_loop3A_247 = arith.index_cast %rem3A_149 : i32 to index
        %parallel_loop3A_248 = arith.index_cast %parallel_loop3A_246 : i32 to index
        %parallel_loop3A_249 = tpu.vector_load %arg11[%parallel_loop3A_247, %parallel_loop3A_248] {strides = array<i32>} : memref<2x4096xi32, #tpu.memory_space<vmem>>, vector<16xi32>,
        %parallel_loop3A_250 = arith.constant 4 : i32
        %parallel_loop3A_251 = vector.broadcast %parallel_loop3A_250 : i32 to vector<16xi32>
        %parallel_loop3A_252 = arith.shli %parallel_loop3A_249, %parallel_loop3A_251 : vector<16xi32>
        %parallel_loop3A_253 = arith.ori %parallel_loop3A_252, %iota3A : vector<16xi32>
        %parallel_loop3A_254 = arith.addi %parallel_loop3A_253, %add3A_202 : vector<16xi32>
        %parallel_loop3A_255 = arith.constant 128 : i32
        %parallel_loop3A_256 = arith.muli %parallel_loop3A_215, %parallel_loop3A_255 : i32
        %parallel_loop3A_257 = arith.constant 48 : i32
        %parallel_loop3A_258 = arith.addi %parallel_loop3A_256, %parallel_loop3A_257 : i32
        %parallel_loop3A_259 = tpu.assume_multiple %parallel_loop3A_258, 16 : i32
        %parallel_loop3A_260 = arith.index_cast %rem3A_149 : i32 to index
        %parallel_loop3A_261 = arith.index_cast %parallel_loop3A_259 : i32 to index
        %parallel_loop3A_262 = tpu.vector_load %arg11[%parallel_loop3A_260, %parallel_loop3A_261] {strides = array<i32>} : memref<2x4096xi32, #tpu.memory_space<vmem>>, vector<16xi32>,
        %parallel_loop3A_263 = arith.constant 4 : i32
        %parallel_loop3A_264 = vector.broadcast %parallel_loop3A_263 : i32 to vector<16xi32>
        %parallel_loop3A_265 = arith.shli %parallel_loop3A_262, %parallel_loop3A_264 : vector<16xi32>
        %parallel_loop3A_266 = arith.ori %parallel_loop3A_265, %iota3A : vector<16xi32>
        %parallel_loop3A_267 = arith.addi %parallel_loop3A_266, %add3A_202 : vector<16xi32>
        %parallel_loop3A_268 = arith.constant 128 : i32
        %parallel_loop3A_269 = arith.muli %parallel_loop3A_215, %parallel_loop3A_268 : i32
        %parallel_loop3A_270 = arith.constant 64 : i32
        %parallel_loop3A_271 = arith.addi %parallel_loop3A_269, %parallel_loop3A_270 : i32
        %parallel_loop3A_272 = tpu.assume_multiple %parallel_loop3A_271, 16 : i32
        %parallel_loop3A_273 = arith.index_cast %rem3A_149 : i32 to index
        %parallel_loop3A_274 = arith.index_cast %parallel_loop3A_272 : i32 to index
        %parallel_loop3A_275 = tpu.vector_load %arg11[%parallel_loop3A_273, %parallel_loop3A_274] {strides = array<i32>} : memref<2x4096xi32, #tpu.memory_space<vmem>>, vector<16xi32>,
        %parallel_loop3A_276 = arith.constant 4 : i32
        %parallel_loop3A_277 = vector.broadcast %parallel_loop3A_276 : i32 to vector<16xi32>
        %parallel_loop3A_278 = arith.shli %parallel_loop3A_275, %parallel_loop3A_277 : vector<16xi32>
        %parallel_loop3A_279 = arith.ori %parallel_loop3A_278, %iota3A : vector<16xi32>
        %parallel_loop3A_280 = arith.addi %parallel_loop3A_279, %add3A_202 : vector<16xi32>
        %parallel_loop3A_281 = arith.constant 128 : i32
        %parallel_loop3A_282 = arith.muli %parallel_loop3A_215, %parallel_loop3A_281 : i32
        %parallel_loop3A_283 = arith.constant 80 : i32
        %parallel_loop3A_284 = arith.addi %parallel_loop3A_282, %parallel_loop3A_283 : i32
        %parallel_loop3A_285 = tpu.assume_multiple %parallel_loop3A_284, 16 : i32
        %parallel_loop3A_286 = arith.index_cast %rem3A_149 : i32 to index
        %parallel_loop3A_287 = arith.index_cast %parallel_loop3A_285 : i32 to index
        %parallel_loop3A_288 = tpu.vector_load %arg11[%parallel_loop3A_286, %parallel_loop3A_287] {strides = array<i32>} : memref<2x4096xi32, #tpu.memory_space<vmem>>, vector<16xi32>,
        %parallel_loop3A_289 = arith.constant 4 : i32
        %parallel_loop3A_290 = vector.broadcast %parallel_loop3A_289 : i32 to vector<16xi32>
        %parallel_loop3A_291 = arith.shli %parallel_loop3A_288, %parallel_loop3A_290 : vector<16xi32>
        %parallel_loop3A_292 = arith.ori %parallel_loop3A_291, %iota3A : vector<16xi32>
        %parallel_loop3A_293 = arith.addi %parallel_loop3A_292, %add3A_202 : vector<16xi32>
        %parallel_loop3A_294 = arith.constant 128 : i32
        %parallel_loop3A_295 = arith.muli %parallel_loop3A_215, %parallel_loop3A_294 : i32
        %parallel_loop3A_296 = arith.constant 96 : i32
        %parallel_loop3A_297 = arith.addi %parallel_loop3A_295, %parallel_loop3A_296 : i32
        %parallel_loop3A_298 = tpu.assume_multiple %parallel_loop3A_297, 16 : i32
        %parallel_loop3A_299 = arith.index_cast %rem3A_149 : i32 to index
        %parallel_loop3A_300 = arith.index_cast %parallel_loop3A_298 : i32 to index
        %parallel_loop3A_301 = tpu.vector_load %arg11[%parallel_loop3A_299, %parallel_loop3A_300] {strides = array<i32>} : memref<2x4096xi32, #tpu.memory_space<vmem>>, vector<16xi32>,
        %parallel_loop3A_302 = arith.constant 4 : i32
        %parallel_loop3A_303 = vector.broadcast %parallel_loop3A_302 : i32 to vector<16xi32>
        %parallel_loop3A_304 = arith.shli %parallel_loop3A_301, %parallel_loop3A_303 : vector<16xi32>
        %parallel_loop3A_305 = arith.ori %parallel_loop3A_304, %iota3A : vector<16xi32>
        %parallel_loop3A_306 = arith.addi %parallel_loop3A_305, %add3A_202 : vector<16xi32>
        %parallel_loop3A_307 = arith.constant 128 : i32
        %parallel_loop3A_308 = arith.muli %parallel_loop3A_215, %parallel_loop3A_307 : i32
        %parallel_loop3A_309 = arith.constant 112 : i32
        %parallel_loop3A_310 = arith.addi %parallel_loop3A_308, %parallel_loop3A_309 : i32
        %parallel_loop3A_311 = tpu.assume_multiple %parallel_loop3A_310, 16 : i32
        %parallel_loop3A_312 = arith.index_cast %rem3A_149 : i32 to index
        %parallel_loop3A_313 = arith.index_cast %parallel_loop3A_311 : i32 to index
        %parallel_loop3A_314 = tpu.vector_load %arg11[%parallel_loop3A_312, %parallel_loop3A_313] {strides = array<i32>} : memref<2x4096xi32, #tpu.memory_space<vmem>>, vector<16xi32>,
        %parallel_loop3A_315 = arith.constant 4 : i32
        %parallel_loop3A_316 = vector.broadcast %parallel_loop3A_315 : i32 to vector<16xi32>
        %parallel_loop3A_317 = arith.shli %parallel_loop3A_314, %parallel_loop3A_316 : vector<16xi32>
        %parallel_loop3A_318 = arith.ori %parallel_loop3A_317, %iota3A : vector<16xi32>
        %parallel_loop3A_319 = arith.addi %parallel_loop3A_318, %add3A_202 : vector<16xi32>
        %parallel_loop3A_320 = arith.constant 0 : i32
        %parallel_loop3A_321 = vector.broadcast %parallel_loop3A_320 : i32 to vector<16xi32>
        %parallel_loop3A_322 = arith.addi %parallel_loop3A_228, %parallel_loop3A_321 : vector<16xi32>
        %parallel_loop3A_323 = tpu.vector_load_idx %arg10[%parallel_loop3A_322] : memref<16384xf32, #tpu.memory_space<vmem>>[vector<16xi32>], vector<16xf32>,
        %parallel_loop3A_324 = arith.constant 0 : i32
        %parallel_loop3A_325 = arith.index_cast %rem3A_149 : i32 to index
        %parallel_loop3A_326 = arith.index_cast %parallel_loop3A_215 : i32 to index
        %parallel_loop3A_327 = arith.index_cast %parallel_loop3A_324 : i32 to index
        %parallel_loop3A_328 = arith.constant 0 : index
        %parallel_loop3A_329 = tpu.vector_load %arg12[%parallel_loop3A_325, %parallel_loop3A_326, %parallel_loop3A_327, %parallel_loop3A_328] {strides = array<i32>} : memref<2x32x8x128xf32, #tpu.memory_space<vmem>>, vector<16xf32>,
        tpu.vector_store %arg12[%parallel_loop3A_325, %parallel_loop3A_326, %parallel_loop3A_327, %parallel_loop3A_328], %parallel_loop3A_323 {strides = array<i32>} : memref<2x32x8x128xf32, #tpu.memory_space<vmem>>, vector<16xf32>,
        %parallel_loop3A_330 = arith.constant 0 : i32
        %parallel_loop3A_331 = vector.broadcast %parallel_loop3A_330 : i32 to vector<16xi32>
        %parallel_loop3A_332 = arith.addi %parallel_loop3A_241, %parallel_loop3A_331 : vector<16xi32>
        %parallel_loop3A_333 = tpu.vector_load_idx %arg10[%parallel_loop3A_332] : memref<16384xf32, #tpu.memory_space<vmem>>[vector<16xi32>], vector<16xf32>,
        %parallel_loop3A_334 = arith.constant 0 : i32
        %parallel_loop3A_335 = arith.index_cast %rem3A_149 : i32 to index
        %parallel_loop3A_336 = arith.index_cast %parallel_loop3A_215 : i32 to index
        %parallel_loop3A_337 = arith.index_cast %parallel_loop3A_334 : i32 to index
        %parallel_loop3A_338 = arith.constant 16 : index
        %parallel_loop3A_339 = tpu.vector_load %arg12[%parallel_loop3A_335, %parallel_loop3A_336, %parallel_loop3A_337, %parallel_loop3A_338] {strides = array<i32>} : memref<2x32x8x128xf32, #tpu.memory_space<vmem>>, vector<16xf32>,
        tpu.vector_store %arg12[%parallel_loop3A_335, %parallel_loop3A_336, %parallel_loop3A_337, %parallel_loop3A_338], %parallel_loop3A_333 {strides = array<i32>} : memref<2x32x8x128xf32, #tpu.memory_space<vmem>>, vector<16xf32>,
        %parallel_loop3A_340 = arith.constant 0 : i32
        %parallel_loop3A_341 = vector.broadcast %parallel_loop3A_340 : i32 to vector<16xi32>
        %parallel_loop3A_342 = arith.addi %parallel_loop3A_254, %parallel_loop3A_341 : vector<16xi32>
        %parallel_loop3A_343 = tpu.vector_load_idx %arg10[%parallel_loop3A_342] : memref<16384xf32, #tpu.memory_space<vmem>>[vector<16xi32>], vector<16xf32>,
        %parallel_loop3A_344 = arith.constant 0 : i32
        %parallel_loop3A_345 = arith.index_cast %rem3A_149 : i32 to index
        %parallel_loop3A_346 = arith.index_cast %parallel_loop3A_215 : i32 to index
        %parallel_loop3A_347 = arith.index_cast %parallel_loop3A_344 : i32 to index
        %parallel_loop3A_348 = arith.constant 32 : index
        %parallel_loop3A_349 = tpu.vector_load %arg12[%parallel_loop3A_345, %parallel_loop3A_346, %parallel_loop3A_347, %parallel_loop3A_348] {strides = array<i32>} : memref<2x32x8x128xf32, #tpu.memory_space<vmem>>, vector<16xf32>,
        tpu.vector_store %arg12[%parallel_loop3A_345, %parallel_loop3A_346, %parallel_loop3A_347, %parallel_loop3A_348], %parallel_loop3A_343 {strides = array<i32>} : memref<2x32x8x128xf32, #tpu.memory_space<vmem>>, vector<16xf32>,
        %parallel_loop3A_350 = arith.constant 0 : i32
        %parallel_loop3A_351 = vector.broadcast %parallel_loop3A_350 : i32 to vector<16xi32>
        %parallel_loop3A_352 = arith.addi %parallel_loop3A_267, %parallel_loop3A_351 : vector<16xi32>
        %parallel_loop3A_353 = tpu.vector_load_idx %arg10[%parallel_loop3A_352] : memref<16384xf32, #tpu.memory_space<vmem>>[vector<16xi32>], vector<16xf32>,
        %parallel_loop3A_354 = arith.constant 0 : i32
        %parallel_loop3A_355 = arith.index_cast %rem3A_149 : i32 to index
        %parallel_loop3A_356 = arith.index_cast %parallel_loop3A_215 : i32 to index
        %parallel_loop3A_357 = arith.index_cast %parallel_loop3A_354 : i32 to index
        %parallel_loop3A_358 = arith.constant 48 : index
        %parallel_loop3A_359 = tpu.vector_load %arg12[%parallel_loop3A_355, %parallel_loop3A_356, %parallel_loop3A_357, %parallel_loop3A_358] {strides = array<i32>} : memref<2x32x8x128xf32, #tpu.memory_space<vmem>>, vector<16xf32>,
        tpu.vector_store %arg12[%parallel_loop3A_355, %parallel_loop3A_356, %parallel_loop3A_357, %parallel_loop3A_358], %parallel_loop3A_353 {strides = array<i32>} : memref<2x32x8x128xf32, #tpu.memory_space<vmem>>, vector<16xf32>,
        %parallel_loop3A_360 = arith.constant 0 : i32
        %parallel_loop3A_361 = vector.broadcast %parallel_loop3A_360 : i32 to vector<16xi32>
        %parallel_loop3A_362 = arith.addi %parallel_loop3A_280, %parallel_loop3A_361 : vector<16xi32>
        %parallel_loop3A_363 = tpu.vector_load_idx %arg10[%parallel_loop3A_362] : memref<16384xf32, #tpu.memory_space<vmem>>[vector<16xi32>], vector<16xf32>,
        %parallel_loop3A_364 = arith.constant 0 : i32
        %parallel_loop3A_365 = arith.index_cast %rem3A_149 : i32 to index
        %parallel_loop3A_366 = arith.index_cast %parallel_loop3A_215 : i32 to index
        %parallel_loop3A_367 = arith.index_cast %parallel_loop3A_364 : i32 to index
        %parallel_loop3A_368 = arith.constant 64 : index
        %parallel_loop3A_369 = tpu.vector_load %arg12[%parallel_loop3A_365, %parallel_loop3A_366, %parallel_loop3A_367, %parallel_loop3A_368] {strides = array<i32>} : memref<2x32x8x128xf32, #tpu.memory_space<vmem>>, vector<16xf32>,
        tpu.vector_store %arg12[%parallel_loop3A_365, %parallel_loop3A_366, %parallel_loop3A_367, %parallel_loop3A_368], %parallel_loop3A_363 {strides = array<i32>} : memref<2x32x8x128xf32, #tpu.memory_space<vmem>>, vector<16xf32>,
        %parallel_loop3A_370 = arith.constant 0 : i32
        %parallel_loop3A_371 = vector.broadcast %parallel_loop3A_370 : i32 to vector<16xi32>
        %parallel_loop3A_372 = arith.addi %parallel_loop3A_293, %parallel_loop3A_371 : vector<16xi32>
        %parallel_loop3A_373 = tpu.vector_load_idx %arg10[%parallel_loop3A_372] : memref<16384xf32, #tpu.memory_space<vmem>>[vector<16xi32>], vector<16xf32>,
        %parallel_loop3A_374 = arith.constant 0 : i32
        %parallel_loop3A_375 = arith.index_cast %rem3A_149 : i32 to index
        %parallel_loop3A_376 = arith.index_cast %parallel_loop3A_215 : i32 to index
        %parallel_loop3A_377 = arith.index_cast %parallel_loop3A_374 : i32 to index
        %parallel_loop3A_378 = arith.constant 80 : index
        %parallel_loop3A_379 = tpu.vector_load %arg12[%parallel_loop3A_375, %parallel_loop3A_376, %parallel_loop3A_377, %parallel_loop3A_378] {strides = array<i32>} : memref<2x32x8x128xf32, #tpu.memory_space<vmem>>, vector<16xf32>,
        tpu.vector_store %arg12[%parallel_loop3A_375, %parallel_loop3A_376, %parallel_loop3A_377, %parallel_loop3A_378], %parallel_loop3A_373 {strides = array<i32>} : memref<2x32x8x128xf32, #tpu.memory_space<vmem>>, vector<16xf32>,
        %parallel_loop3A_380 = arith.constant 0 : i32
        %parallel_loop3A_381 = vector.broadcast %parallel_loop3A_380 : i32 to vector<16xi32>
        %parallel_loop3A_382 = arith.addi %parallel_loop3A_306, %parallel_loop3A_381 : vector<16xi32>
        %parallel_loop3A_383 = tpu.vector_load_idx %arg10[%parallel_loop3A_382] : memref<16384xf32, #tpu.memory_space<vmem>>[vector<16xi32>], vector<16xf32>,
        %parallel_loop3A_384 = arith.constant 0 : i32
        %parallel_loop3A_385 = arith.index_cast %rem3A_149 : i32 to index
        %parallel_loop3A_386 = arith.index_cast %parallel_loop3A_215 : i32 to index
        %parallel_loop3A_387 = arith.index_cast %parallel_loop3A_384 : i32 to index
        %parallel_loop3A_388 = arith.constant 96 : index
        %parallel_loop3A_389 = tpu.vector_load %arg12[%parallel_loop3A_385, %parallel_loop3A_386, %parallel_loop3A_387, %parallel_loop3A_388] {strides = array<i32>} : memref<2x32x8x128xf32, #tpu.memory_space<vmem>>, vector<16xf32>,
        tpu.vector_store %arg12[%parallel_loop3A_385, %parallel_loop3A_386, %parallel_loop3A_387, %parallel_loop3A_388], %parallel_loop3A_383 {strides = array<i32>} : memref<2x32x8x128xf32, #tpu.memory_space<vmem>>, vector<16xf32>,
        %parallel_loop3A_390 = arith.constant 0 : i32
        %parallel_loop3A_391 = vector.broadcast %parallel_loop3A_390 : i32 to vector<16xi32>
        %parallel_loop3A_392 = arith.addi %parallel_loop3A_319, %parallel_loop3A_391 : vector<16xi32>
        %parallel_loop3A_393 = tpu.vector_load_idx %arg10[%parallel_loop3A_392] : memref<16384xf32, #tpu.memory_space<vmem>>[vector<16xi32>], vector<16xf32>,
        %parallel_loop3A_394 = arith.constant 0 : i32
        %parallel_loop3A_395 = arith.index_cast %rem3A_149 : i32 to index
        %parallel_loop3A_396 = arith.index_cast %parallel_loop3A_215 : i32 to index
        %parallel_loop3A_397 = arith.index_cast %parallel_loop3A_394 : i32 to index
        %parallel_loop3A_398 = arith.constant 112 : index
        %parallel_loop3A_399 = tpu.vector_load %arg12[%parallel_loop3A_395, %parallel_loop3A_396, %parallel_loop3A_397, %parallel_loop3A_398] {strides = array<i32>} : memref<2x32x8x128xf32, #tpu.memory_space<vmem>>, vector<16xf32>,
        tpu.vector_store %arg12[%parallel_loop3A_395, %parallel_loop3A_396, %parallel_loop3A_397, %parallel_loop3A_398], %parallel_loop3A_393 {strides = array<i32>} : memref<2x32x8x128xf32, #tpu.memory_space<vmem>>, vector<16xf32>,
        %parallel_loop3A_400 = arith.constant 512 : i32
        %parallel_loop3A_401 = vector.broadcast %parallel_loop3A_400 : i32 to vector<16xi32>
        %parallel_loop3A_402 = arith.addi %parallel_loop3A_228, %parallel_loop3A_401 : vector<16xi32>
        %parallel_loop3A_403 = tpu.vector_load_idx %arg10[%parallel_loop3A_402] : memref<16384xf32, #tpu.memory_space<vmem>>[vector<16xi32>], vector<16xf32>,
        %parallel_loop3A_404 = arith.constant 1 : i32
        %parallel_loop3A_405 = arith.index_cast %rem3A_149 : i32 to index
        %parallel_loop3A_406 = arith.index_cast %parallel_loop3A_215 : i32 to index
        %parallel_loop3A_407 = arith.index_cast %parallel_loop3A_404 : i32 to index
        %parallel_loop3A_408 = arith.constant 0 : index
        %parallel_loop3A_409 = tpu.vector_load %arg12[%parallel_loop3A_405, %parallel_loop3A_406, %parallel_loop3A_407, %parallel_loop3A_408] {strides = array<i32>} : memref<2x32x8x128xf32, #tpu.memory_space<vmem>>, vector<16xf32>,
        tpu.vector_store %arg12[%parallel_loop3A_405, %parallel_loop3A_406, %parallel_loop3A_407, %parallel_loop3A_408], %parallel_loop3A_403 {strides = array<i32>} : memref<2x32x8x128xf32, #tpu.memory_space<vmem>>, vector<16xf32>,
        %parallel_loop3A_410 = arith.constant 512 : i32
        %parallel_loop3A_411 = vector.broadcast %parallel_loop3A_410 : i32 to vector<16xi32>
        %parallel_loop3A_412 = arith.addi %parallel_loop3A_241, %parallel_loop3A_411 : vector<16xi32>
        %parallel_loop3A_413 = tpu.vector_load_idx %arg10[%parallel_loop3A_412] : memref<16384xf32, #tpu.memory_space<vmem>>[vector<16xi32>], vector<16xf32>,
        %parallel_loop3A_414 = arith.constant 1 : i32
        %parallel_loop3A_415 = arith.index_cast %rem3A_149 : i32 to index
        %parallel_loop3A_416 = arith.index_cast %parallel_loop3A_215 : i32 to index
        %parallel_loop3A_417 = arith.index_cast %parallel_loop3A_414 : i32 to index
        %parallel_loop3A_418 = arith.constant 16 : index
        %parallel_loop3A_419 = tpu.vector_load %arg12[%parallel_loop3A_415, %parallel_loop3A_416, %parallel_loop3A_417, %parallel_loop3A_418] {strides = array<i32>} : memref<2x32x8x128xf32, #tpu.memory_space<vmem>>, vector<16xf32>,
        tpu.vector_store %arg12[%parallel_loop3A_415, %parallel_loop3A_416, %parallel_loop3A_417, %parallel_loop3A_418], %parallel_loop3A_413 {strides = array<i32>} : memref<2x32x8x128xf32, #tpu.memory_space<vmem>>, vector<16xf32>,
        %parallel_loop3A_420 = arith.constant 512 : i32
        %parallel_loop3A_421 = vector.broadcast %parallel_loop3A_420 : i32 to vector<16xi32>
        %parallel_loop3A_422 = arith.addi %parallel_loop3A_254, %parallel_loop3A_421 : vector<16xi32>
        %parallel_loop3A_423 = tpu.vector_load_idx %arg10[%parallel_loop3A_422] : memref<16384xf32, #tpu.memory_space<vmem>>[vector<16xi32>], vector<16xf32>,
        %parallel_loop3A_424 = arith.constant 1 : i32
        %parallel_loop3A_425 = arith.index_cast %rem3A_149 : i32 to index
        %parallel_loop3A_426 = arith.index_cast %parallel_loop3A_215 : i32 to index
        %parallel_loop3A_427 = arith.index_cast %parallel_loop3A_424 : i32 to index
        %parallel_loop3A_428 = arith.constant 32 : index
        %parallel_loop3A_429 = tpu.vector_load %arg12[%parallel_loop3A_425, %parallel_loop3A_426, %parallel_loop3A_427, %parallel_loop3A_428] {strides = array<i32>} : memref<2x32x8x128xf32, #tpu.memory_space<vmem>>, vector<16xf32>,
        tpu.vector_store %arg12[%parallel_loop3A_425, %parallel_loop3A_426, %parallel_loop3A_427, %parallel_loop3A_428], %parallel_loop3A_423 {strides = array<i32>} : memref<2x32x8x128xf32, #tpu.memory_space<vmem>>, vector<16xf32>,
        %parallel_loop3A_430 = arith.constant 512 : i32
        %parallel_loop3A_431 = vector.broadcast %parallel_loop3A_430 : i32 to vector<16xi32>
        %parallel_loop3A_432 = arith.addi %parallel_loop3A_267, %parallel_loop3A_431 : vector<16xi32>
        %parallel_loop3A_433 = tpu.vector_load_idx %arg10[%parallel_loop3A_432] : memref<16384xf32, #tpu.memory_space<vmem>>[vector<16xi32>], vector<16xf32>,
        %parallel_loop3A_434 = arith.constant 1 : i32
        %parallel_loop3A_435 = arith.index_cast %rem3A_149 : i32 to index
        %parallel_loop3A_436 = arith.index_cast %parallel_loop3A_215 : i32 to index
        %parallel_loop3A_437 = arith.index_cast %parallel_loop3A_434 : i32 to index
        %parallel_loop3A_438 = arith.constant 48 : index
        %parallel_loop3A_439 = tpu.vector_load %arg12[%parallel_loop3A_435, %parallel_loop3A_436, %parallel_loop3A_437, %parallel_loop3A_438] {strides = array<i32>} : memref<2x32x8x128xf32, #tpu.memory_space<vmem>>, vector<16xf32>,
        tpu.vector_store %arg12[%parallel_loop3A_435, %parallel_loop3A_436, %parallel_loop3A_437, %parallel_loop3A_438], %parallel_loop3A_433 {strides = array<i32>} : memref<2x32x8x128xf32, #tpu.memory_space<vmem>>, vector<16xf32>,
        %parallel_loop3A_440 = arith.constant 512 : i32
        %parallel_loop3A_441 = vector.broadcast %parallel_loop3A_440 : i32 to vector<16xi32>
        %parallel_loop3A_442 = arith.addi %parallel_loop3A_280, %parallel_loop3A_441 : vector<16xi32>
        %parallel_loop3A_443 = tpu.vector_load_idx %arg10[%parallel_loop3A_442] : memref<16384xf32, #tpu.memory_space<vmem>>[vector<16xi32>], vector<16xf32>,
        %parallel_loop3A_444 = arith.constant 1 : i32
        %parallel_loop3A_445 = arith.index_cast %rem3A_149 : i32 to index
        %parallel_loop3A_446 = arith.index_cast %parallel_loop3A_215 : i32 to index
        %parallel_loop3A_447 = arith.index_cast %parallel_loop3A_444 : i32 to index
        %parallel_loop3A_448 = arith.constant 64 : index
        %parallel_loop3A_449 = tpu.vector_load %arg12[%parallel_loop3A_445, %parallel_loop3A_446, %parallel_loop3A_447, %parallel_loop3A_448] {strides = array<i32>} : memref<2x32x8x128xf32, #tpu.memory_space<vmem>>, vector<16xf32>,
        tpu.vector_store %arg12[%parallel_loop3A_445, %parallel_loop3A_446, %parallel_loop3A_447, %parallel_loop3A_448], %parallel_loop3A_443 {strides = array<i32>} : memref<2x32x8x128xf32, #tpu.memory_space<vmem>>, vector<16xf32>,
        %parallel_loop3A_450 = arith.constant 512 : i32
        %parallel_loop3A_451 = vector.broadcast %parallel_loop3A_450 : i32 to vector<16xi32>
        %parallel_loop3A_452 = arith.addi %parallel_loop3A_293, %parallel_loop3A_451 : vector<16xi32>
        %parallel_loop3A_453 = tpu.vector_load_idx %arg10[%parallel_loop3A_452] : memref<16384xf32, #tpu.memory_space<vmem>>[vector<16xi32>], vector<16xf32>,
        %parallel_loop3A_454 = arith.constant 1 : i32
        %parallel_loop3A_455 = arith.index_cast %rem3A_149 : i32 to index
        %parallel_loop3A_456 = arith.index_cast %parallel_loop3A_215 : i32 to index
        %parallel_loop3A_457 = arith.index_cast %parallel_loop3A_454 : i32 to index
        %parallel_loop3A_458 = arith.constant 80 : index
        %parallel_loop3A_459 = tpu.vector_load %arg12[%parallel_loop3A_455, %parallel_loop3A_456, %parallel_loop3A_457, %parallel_loop3A_458] {strides = array<i32>} : memref<2x32x8x128xf32, #tpu.memory_space<vmem>>, vector<16xf32>,
        tpu.vector_store %arg12[%parallel_loop3A_455, %parallel_loop3A_456, %parallel_loop3A_457, %parallel_loop3A_458], %parallel_loop3A_453 {strides = array<i32>} : memref<2x32x8x128xf32, #tpu.memory_space<vmem>>, vector<16xf32>,
        %parallel_loop3A_460 = arith.constant 512 : i32
        %parallel_loop3A_461 = vector.broadcast %parallel_loop3A_460 : i32 to vector<16xi32>
        %parallel_loop3A_462 = arith.addi %parallel_loop3A_306, %parallel_loop3A_461 : vector<16xi32>
        %parallel_loop3A_463 = tpu.vector_load_idx %arg10[%parallel_loop3A_462] : memref<16384xf32, #tpu.memory_space<vmem>>[vector<16xi32>], vector<16xf32>,
        %parallel_loop3A_464 = arith.constant 1 : i32
        %parallel_loop3A_465 = arith.index_cast %rem3A_149 : i32 to index
        %parallel_loop3A_466 = arith.index_cast %parallel_loop3A_215 : i32 to index
        %parallel_loop3A_467 = arith.index_cast %parallel_loop3A_464 : i32 to index
        %parallel_loop3A_468 = arith.constant 96 : index
        %parallel_loop3A_469 = tpu.vector_load %arg12[%parallel_loop3A_465, %parallel_loop3A_466, %parallel_loop3A_467, %parallel_loop3A_468] {strides = array<i32>} : memref<2x32x8x128xf32, #tpu.memory_space<vmem>>, vector<16xf32>,
        tpu.vector_store %arg12[%parallel_loop3A_465, %parallel_loop3A_466, %parallel_loop3A_467, %parallel_loop3A_468], %parallel_loop3A_463 {strides = array<i32>} : memref<2x32x8x128xf32, #tpu.memory_space<vmem>>, vector<16xf32>,
        %parallel_loop3A_470 = arith.constant 512 : i32
        %parallel_loop3A_471 = vector.broadcast %parallel_loop3A_470 : i32 to vector<16xi32>
        %parallel_loop3A_472 = arith.addi %parallel_loop3A_319, %parallel_loop3A_471 : vector<16xi32>
        %parallel_loop3A_473 = tpu.vector_load_idx %arg10[%parallel_loop3A_472] : memref<16384xf32, #tpu.memory_space<vmem>>[vector<16xi32>], vector<16xf32>,
        %parallel_loop3A_474 = arith.constant 1 : i32
        %parallel_loop3A_475 = arith.index_cast %rem3A_149 : i32 to index
        %parallel_loop3A_476 = arith.index_cast %parallel_loop3A_215 : i32 to index
        %parallel_loop3A_477 = arith.index_cast %parallel_loop3A_474 : i32 to index
        %parallel_loop3A_478 = arith.constant 112 : index
        %parallel_loop3A_479 = tpu.vector_load %arg12[%parallel_loop3A_475, %parallel_loop3A_476, %parallel_loop3A_477, %parallel_loop3A_478] {strides = array<i32>} : memref<2x32x8x128xf32, #tpu.memory_space<vmem>>, vector<16xf32>,
        tpu.vector_store %arg12[%parallel_loop3A_475, %parallel_loop3A_476, %parallel_loop3A_477, %parallel_loop3A_478], %parallel_loop3A_473 {strides = array<i32>} : memref<2x32x8x128xf32, #tpu.memory_space<vmem>>, vector<16xf32>,
        %parallel_loop3A_480 = arith.constant 1024 : i32
        %parallel_loop3A_481 = vector.broadcast %parallel_loop3A_480 : i32 to vector<16xi32>
        %parallel_loop3A_482 = arith.addi %parallel_loop3A_228, %parallel_loop3A_481 : vector<16xi32>
        %parallel_loop3A_483 = tpu.vector_load_idx %arg10[%parallel_loop3A_482] : memref<16384xf32, #tpu.memory_space<vmem>>[vector<16xi32>], vector<16xf32>,
        %parallel_loop3A_484 = arith.constant 2 : i32
        %parallel_loop3A_485 = arith.index_cast %rem3A_149 : i32 to index
        %parallel_loop3A_486 = arith.index_cast %parallel_loop3A_215 : i32 to index
        %parallel_loop3A_487 = arith.index_cast %parallel_loop3A_484 : i32 to index
        %parallel_loop3A_488 = arith.constant 0 : index
        %parallel_loop3A_489 = tpu.vector_load %arg12[%parallel_loop3A_485, %parallel_loop3A_486, %parallel_loop3A_487, %parallel_loop3A_488] {strides = array<i32>} : memref<2x32x8x128xf32, #tpu.memory_space<vmem>>, vector<16xf32>,
        tpu.vector_store %arg12[%parallel_loop3A_485, %parallel_loop3A_486, %parallel_loop3A_487, %parallel_loop3A_488], %parallel_loop3A_483 {strides = array<i32>} : memref<2x32x8x128xf32, #tpu.memory_space<vmem>>, vector<16xf32>,
        %parallel_loop3A_490 = arith.constant 1024 : i32
        %parallel_loop3A_491 = vector.broadcast %parallel_loop3A_490 : i32 to vector<16xi32>
        %parallel_loop3A_492 = arith.addi %parallel_loop3A_241, %parallel_loop3A_491 : vector<16xi32>
        %parallel_loop3A_493 = tpu.vector_load_idx %arg10[%parallel_loop3A_492] : memref<16384xf32, #tpu.memory_space<vmem>>[vector<16xi32>], vector<16xf32>,
        %parallel_loop3A_494 = arith.constant 2 : i32
        %parallel_loop3A_495 = arith.index_cast %rem3A_149 : i32 to index
        %parallel_loop3A_496 = arith.index_cast %parallel_loop3A_215 : i32 to index
        %parallel_loop3A_497 = arith.index_cast %parallel_loop3A_494 : i32 to index
        %parallel_loop3A_498 = arith.constant 16 : index
        %parallel_loop3A_499 = tpu.vector_load %arg12[%parallel_loop3A_495, %parallel_loop3A_496, %parallel_loop3A_497, %parallel_loop3A_498] {strides = array<i32>} : memref<2x32x8x128xf32, #tpu.memory_space<vmem>>, vector<16xf32>,
        tpu.vector_store %arg12[%parallel_loop3A_495, %parallel_loop3A_496, %parallel_loop3A_497, %parallel_loop3A_498], %parallel_loop3A_493 {strides = array<i32>} : memref<2x32x8x128xf32, #tpu.memory_space<vmem>>, vector<16xf32>,
        %parallel_loop3A_500 = arith.constant 1024 : i32
        %parallel_loop3A_501 = vector.broadcast %parallel_loop3A_500 : i32 to vector<16xi32>
        %parallel_loop3A_502 = arith.addi %parallel_loop3A_254, %parallel_loop3A_501 : vector<16xi32>
        %parallel_loop3A_503 = tpu.vector_load_idx %arg10[%parallel_loop3A_502] : memref<16384xf32, #tpu.memory_space<vmem>>[vector<16xi32>], vector<16xf32>,
        %parallel_loop3A_504 = arith.constant 2 : i32
        %parallel_loop3A_505 = arith.index_cast %rem3A_149 : i32 to index
        %parallel_loop3A_506 = arith.index_cast %parallel_loop3A_215 : i32 to index
        %parallel_loop3A_507 = arith.index_cast %parallel_loop3A_504 : i32 to index
        %parallel_loop3A_508 = arith.constant 32 : index
        %parallel_loop3A_509 = tpu.vector_load %arg12[%parallel_loop3A_505, %parallel_loop3A_506, %parallel_loop3A_507, %parallel_loop3A_508] {strides = array<i32>} : memref<2x32x8x128xf32, #tpu.memory_space<vmem>>, vector<16xf32>,
        tpu.vector_store %arg12[%parallel_loop3A_505, %parallel_loop3A_506, %parallel_loop3A_507, %parallel_loop3A_508], %parallel_loop3A_503 {strides = array<i32>} : memref<2x32x8x128xf32, #tpu.memory_space<vmem>>, vector<16xf32>,
        %parallel_loop3A_510 = arith.constant 1024 : i32
        %parallel_loop3A_511 = vector.broadcast %parallel_loop3A_510 : i32 to vector<16xi32>
        %parallel_loop3A_512 = arith.addi %parallel_loop3A_267, %parallel_loop3A_511 : vector<16xi32>
        %parallel_loop3A_513 = tpu.vector_load_idx %arg10[%parallel_loop3A_512] : memref<16384xf32, #tpu.memory_space<vmem>>[vector<16xi32>], vector<16xf32>,
        %parallel_loop3A_514 = arith.constant 2 : i32
        %parallel_loop3A_515 = arith.index_cast %rem3A_149 : i32 to index
        %parallel_loop3A_516 = arith.index_cast %parallel_loop3A_215 : i32 to index
        %parallel_loop3A_517 = arith.index_cast %parallel_loop3A_514 : i32 to index
        %parallel_loop3A_518 = arith.constant 48 : index
        %parallel_loop3A_519 = tpu.vector_load %arg12[%parallel_loop3A_515, %parallel_loop3A_516, %parallel_loop3A_517, %parallel_loop3A_518] {strides = array<i32>} : memref<2x32x8x128xf32, #tpu.memory_space<vmem>>, vector<16xf32>,
        tpu.vector_store %arg12[%parallel_loop3A_515, %parallel_loop3A_516, %parallel_loop3A_517, %parallel_loop3A_518], %parallel_loop3A_513 {strides = array<i32>} : memref<2x32x8x128xf32, #tpu.memory_space<vmem>>, vector<16xf32>,
        %parallel_loop3A_520 = arith.constant 1024 : i32
        %parallel_loop3A_521 = vector.broadcast %parallel_loop3A_520 : i32 to vector<16xi32>
        %parallel_loop3A_522 = arith.addi %parallel_loop3A_280, %parallel_loop3A_521 : vector<16xi32>
        %parallel_loop3A_523 = tpu.vector_load_idx %arg10[%parallel_loop3A_522] : memref<16384xf32, #tpu.memory_space<vmem>>[vector<16xi32>], vector<16xf32>,
        %parallel_loop3A_524 = arith.constant 2 : i32
        %parallel_loop3A_525 = arith.index_cast %rem3A_149 : i32 to index
        %parallel_loop3A_526 = arith.index_cast %parallel_loop3A_215 : i32 to index
        %parallel_loop3A_527 = arith.index_cast %parallel_loop3A_524 : i32 to index
        %parallel_loop3A_528 = arith.constant 64 : index
        %parallel_loop3A_529 = tpu.vector_load %arg12[%parallel_loop3A_525, %parallel_loop3A_526, %parallel_loop3A_527, %parallel_loop3A_528] {strides = array<i32>} : memref<2x32x8x128xf32, #tpu.memory_space<vmem>>, vector<16xf32>,
        tpu.vector_store %arg12[%parallel_loop3A_525, %parallel_loop3A_526, %parallel_loop3A_527, %parallel_loop3A_528], %parallel_loop3A_523 {strides = array<i32>} : memref<2x32x8x128xf32, #tpu.memory_space<vmem>>, vector<16xf32>,
        %parallel_loop3A_530 = arith.constant 1024 : i32
        %parallel_loop3A_531 = vector.broadcast %parallel_loop3A_530 : i32 to vector<16xi32>
        %parallel_loop3A_532 = arith.addi %parallel_loop3A_293, %parallel_loop3A_531 : vector<16xi32>
        %parallel_loop3A_533 = tpu.vector_load_idx %arg10[%parallel_loop3A_532] : memref<16384xf32, #tpu.memory_space<vmem>>[vector<16xi32>], vector<16xf32>,
        %parallel_loop3A_534 = arith.constant 2 : i32
        %parallel_loop3A_535 = arith.index_cast %rem3A_149 : i32 to index
        %parallel_loop3A_536 = arith.index_cast %parallel_loop3A_215 : i32 to index
        %parallel_loop3A_537 = arith.index_cast %parallel_loop3A_534 : i32 to index
        %parallel_loop3A_538 = arith.constant 80 : index
        %parallel_loop3A_539 = tpu.vector_load %arg12[%parallel_loop3A_535, %parallel_loop3A_536, %parallel_loop3A_537, %parallel_loop3A_538] {strides = array<i32>} : memref<2x32x8x128xf32, #tpu.memory_space<vmem>>, vector<16xf32>,
        tpu.vector_store %arg12[%parallel_loop3A_535, %parallel_loop3A_536, %parallel_loop3A_537, %parallel_loop3A_538], %parallel_loop3A_533 {strides = array<i32>} : memref<2x32x8x128xf32, #tpu.memory_space<vmem>>, vector<16xf32>,
        %parallel_loop3A_540 = arith.constant 1024 : i32
        %parallel_loop3A_541 = vector.broadcast %parallel_loop3A_540 : i32 to vector<16xi32>
        %parallel_loop3A_542 = arith.addi %parallel_loop3A_306, %parallel_loop3A_541 : vector<16xi32>
        %parallel_loop3A_543 = tpu.vector_load_idx %arg10[%parallel_loop3A_542] : memref<16384xf32, #tpu.memory_space<vmem>>[vector<16xi32>], vector<16xf32>,
        %parallel_loop3A_544 = arith.constant 2 : i32
        %parallel_loop3A_545 = arith.index_cast %rem3A_149 : i32 to index
        %parallel_loop3A_546 = arith.index_cast %parallel_loop3A_215 : i32 to index
        %parallel_loop3A_547 = arith.index_cast %parallel_loop3A_544 : i32 to index
        %parallel_loop3A_548 = arith.constant 96 : index
        %parallel_loop3A_549 = tpu.vector_load %arg12[%parallel_loop3A_545, %parallel_loop3A_546, %parallel_loop3A_547, %parallel_loop3A_548] {strides = array<i32>} : memref<2x32x8x128xf32, #tpu.memory_space<vmem>>, vector<16xf32>,
        tpu.vector_store %arg12[%parallel_loop3A_545, %parallel_loop3A_546, %parallel_loop3A_547, %parallel_loop3A_548], %parallel_loop3A_543 {strides = array<i32>} : memref<2x32x8x128xf32, #tpu.memory_space<vmem>>, vector<16xf32>,
        %parallel_loop3A_550 = arith.constant 1024 : i32
        %parallel_loop3A_551 = vector.broadcast %parallel_loop3A_550 : i32 to vector<16xi32>
        %parallel_loop3A_552 = arith.addi %parallel_loop3A_319, %parallel_loop3A_551 : vector<16xi32>
        %parallel_loop3A_553 = tpu.vector_load_idx %arg10[%parallel_loop3A_552] : memref<16384xf32, #tpu.memory_space<vmem>>[vector<16xi32>], vector<16xf32>,
        %parallel_loop3A_554 = arith.constant 2 : i32
        %parallel_loop3A_555 = arith.index_cast %rem3A_149 : i32 to index
        %parallel_loop3A_556 = arith.index_cast %parallel_loop3A_215 : i32 to index
        %parallel_loop3A_557 = arith.index_cast %parallel_loop3A_554 : i32 to index
        %parallel_loop3A_558 = arith.constant 112 : index
        %parallel_loop3A_559 = tpu.vector_load %arg12[%parallel_loop3A_555, %parallel_loop3A_556, %parallel_loop3A_557, %parallel_loop3A_558] {strides = array<i32>} : memref<2x32x8x128xf32, #tpu.memory_space<vmem>>, vector<16xf32>,
        tpu.vector_store %arg12[%parallel_loop3A_555, %parallel_loop3A_556, %parallel_loop3A_557, %parallel_loop3A_558], %parallel_loop3A_553 {strides = array<i32>} : memref<2x32x8x128xf32, #tpu.memory_space<vmem>>, vector<16xf32>,
        %parallel_loop3A_560 = arith.constant 1536 : i32
        %parallel_loop3A_561 = vector.broadcast %parallel_loop3A_560 : i32 to vector<16xi32>
        %parallel_loop3A_562 = arith.addi %parallel_loop3A_228, %parallel_loop3A_561 : vector<16xi32>
        %parallel_loop3A_563 = tpu.vector_load_idx %arg10[%parallel_loop3A_562] : memref<16384xf32, #tpu.memory_space<vmem>>[vector<16xi32>], vector<16xf32>,
        %parallel_loop3A_564 = arith.constant 3 : i32
        %parallel_loop3A_565 = arith.index_cast %rem3A_149 : i32 to index
        %parallel_loop3A_566 = arith.index_cast %parallel_loop3A_215 : i32 to index
        %parallel_loop3A_567 = arith.index_cast %parallel_loop3A_564 : i32 to index
        %parallel_loop3A_568 = arith.constant 0 : index
        %parallel_loop3A_569 = tpu.vector_load %arg12[%parallel_loop3A_565, %parallel_loop3A_566, %parallel_loop3A_567, %parallel_loop3A_568] {strides = array<i32>} : memref<2x32x8x128xf32, #tpu.memory_space<vmem>>, vector<16xf32>,
        tpu.vector_store %arg12[%parallel_loop3A_565, %parallel_loop3A_566, %parallel_loop3A_567, %parallel_loop3A_568], %parallel_loop3A_563 {strides = array<i32>} : memref<2x32x8x128xf32, #tpu.memory_space<vmem>>, vector<16xf32>,
        %parallel_loop3A_570 = arith.constant 1536 : i32
        %parallel_loop3A_571 = vector.broadcast %parallel_loop3A_570 : i32 to vector<16xi32>
        %parallel_loop3A_572 = arith.addi %parallel_loop3A_241, %parallel_loop3A_571 : vector<16xi32>
        %parallel_loop3A_573 = tpu.vector_load_idx %arg10[%parallel_loop3A_572] : memref<16384xf32, #tpu.memory_space<vmem>>[vector<16xi32>], vector<16xf32>,
        %parallel_loop3A_574 = arith.constant 3 : i32
        %parallel_loop3A_575 = arith.index_cast %rem3A_149 : i32 to index
        %parallel_loop3A_576 = arith.index_cast %parallel_loop3A_215 : i32 to index
        %parallel_loop3A_577 = arith.index_cast %parallel_loop3A_574 : i32 to index
        %parallel_loop3A_578 = arith.constant 16 : index
        %parallel_loop3A_579 = tpu.vector_load %arg12[%parallel_loop3A_575, %parallel_loop3A_576, %parallel_loop3A_577, %parallel_loop3A_578] {strides = array<i32>} : memref<2x32x8x128xf32, #tpu.memory_space<vmem>>, vector<16xf32>,
        tpu.vector_store %arg12[%parallel_loop3A_575, %parallel_loop3A_576, %parallel_loop3A_577, %parallel_loop3A_578], %parallel_loop3A_573 {strides = array<i32>} : memref<2x32x8x128xf32, #tpu.memory_space<vmem>>, vector<16xf32>,
        %parallel_loop3A_580 = arith.constant 1536 : i32
        %parallel_loop3A_581 = vector.broadcast %parallel_loop3A_580 : i32 to vector<16xi32>
        %parallel_loop3A_582 = arith.addi %parallel_loop3A_254, %parallel_loop3A_581 : vector<16xi32>
        %parallel_loop3A_583 = tpu.vector_load_idx %arg10[%parallel_loop3A_582] : memref<16384xf32, #tpu.memory_space<vmem>>[vector<16xi32>], vector<16xf32>,
        %parallel_loop3A_584 = arith.constant 3 : i32
        %parallel_loop3A_585 = arith.index_cast %rem3A_149 : i32 to index
        %parallel_loop3A_586 = arith.index_cast %parallel_loop3A_215 : i32 to index
        %parallel_loop3A_587 = arith.index_cast %parallel_loop3A_584 : i32 to index
        %parallel_loop3A_588 = arith.constant 32 : index
        %parallel_loop3A_589 = tpu.vector_load %arg12[%parallel_loop3A_585, %parallel_loop3A_586, %parallel_loop3A_587, %parallel_loop3A_588] {strides = array<i32>} : memref<2x32x8x128xf32, #tpu.memory_space<vmem>>, vector<16xf32>,
        tpu.vector_store %arg12[%parallel_loop3A_585, %parallel_loop3A_586, %parallel_loop3A_587, %parallel_loop3A_588], %parallel_loop3A_583 {strides = array<i32>} : memref<2x32x8x128xf32, #tpu.memory_space<vmem>>, vector<16xf32>,
        %parallel_loop3A_590 = arith.constant 1536 : i32
        %parallel_loop3A_591 = vector.broadcast %parallel_loop3A_590 : i32 to vector<16xi32>
        %parallel_loop3A_592 = arith.addi %parallel_loop3A_267, %parallel_loop3A_591 : vector<16xi32>
        %parallel_loop3A_593 = tpu.vector_load_idx %arg10[%parallel_loop3A_592] : memref<16384xf32, #tpu.memory_space<vmem>>[vector<16xi32>], vector<16xf32>,
        %parallel_loop3A_594 = arith.constant 3 : i32
        %parallel_loop3A_595 = arith.index_cast %rem3A_149 : i32 to index
        %parallel_loop3A_596 = arith.index_cast %parallel_loop3A_215 : i32 to index
        %parallel_loop3A_597 = arith.index_cast %parallel_loop3A_594 : i32 to index
        %parallel_loop3A_598 = arith.constant 48 : index
        %parallel_loop3A_599 = tpu.vector_load %arg12[%parallel_loop3A_595, %parallel_loop3A_596, %parallel_loop3A_597, %parallel_loop3A_598] {strides = array<i32>} : memref<2x32x8x128xf32, #tpu.memory_space<vmem>>, vector<16xf32>,
        tpu.vector_store %arg12[%parallel_loop3A_595, %parallel_loop3A_596, %parallel_loop3A_597, %parallel_loop3A_598], %parallel_loop3A_593 {strides = array<i32>} : memref<2x32x8x128xf32, #tpu.memory_space<vmem>>, vector<16xf32>,
        %parallel_loop3A_600 = arith.constant 1536 : i32
        %parallel_loop3A_601 = vector.broadcast %parallel_loop3A_600 : i32 to vector<16xi32>
        %parallel_loop3A_602 = arith.addi %parallel_loop3A_280, %parallel_loop3A_601 : vector<16xi32>
        %parallel_loop3A_603 = tpu.vector_load_idx %arg10[%parallel_loop3A_602] : memref<16384xf32, #tpu.memory_space<vmem>>[vector<16xi32>], vector<16xf32>,
        %parallel_loop3A_604 = arith.constant 3 : i32
        %parallel_loop3A_605 = arith.index_cast %rem3A_149 : i32 to index
        %parallel_loop3A_606 = arith.index_cast %parallel_loop3A_215 : i32 to index
        %parallel_loop3A_607 = arith.index_cast %parallel_loop3A_604 : i32 to index
        %parallel_loop3A_608 = arith.constant 64 : index
        %parallel_loop3A_609 = tpu.vector_load %arg12[%parallel_loop3A_605, %parallel_loop3A_606, %parallel_loop3A_607, %parallel_loop3A_608] {strides = array<i32>} : memref<2x32x8x128xf32, #tpu.memory_space<vmem>>, vector<16xf32>,
        tpu.vector_store %arg12[%parallel_loop3A_605, %parallel_loop3A_606, %parallel_loop3A_607, %parallel_loop3A_608], %parallel_loop3A_603 {strides = array<i32>} : memref<2x32x8x128xf32, #tpu.memory_space<vmem>>, vector<16xf32>,
        %parallel_loop3A_610 = arith.constant 1536 : i32
        %parallel_loop3A_611 = vector.broadcast %parallel_loop3A_610 : i32 to vector<16xi32>
        %parallel_loop3A_612 = arith.addi %parallel_loop3A_293, %parallel_loop3A_611 : vector<16xi32>
        %parallel_loop3A_613 = tpu.vector_load_idx %arg10[%parallel_loop3A_612] : memref<16384xf32, #tpu.memory_space<vmem>>[vector<16xi32>], vector<16xf32>,
        %parallel_loop3A_614 = arith.constant 3 : i32
        %parallel_loop3A_615 = arith.index_cast %rem3A_149 : i32 to index
        %parallel_loop3A_616 = arith.index_cast %parallel_loop3A_215 : i32 to index
        %parallel_loop3A_617 = arith.index_cast %parallel_loop3A_614 : i32 to index
        %parallel_loop3A_618 = arith.constant 80 : index
        %parallel_loop3A_619 = tpu.vector_load %arg12[%parallel_loop3A_615, %parallel_loop3A_616, %parallel_loop3A_617, %parallel_loop3A_618] {strides = array<i32>} : memref<2x32x8x128xf32, #tpu.memory_space<vmem>>, vector<16xf32>,
        tpu.vector_store %arg12[%parallel_loop3A_615, %parallel_loop3A_616, %parallel_loop3A_617, %parallel_loop3A_618], %parallel_loop3A_613 {strides = array<i32>} : memref<2x32x8x128xf32, #tpu.memory_space<vmem>>, vector<16xf32>,
        %parallel_loop3A_620 = arith.constant 1536 : i32
        %parallel_loop3A_621 = vector.broadcast %parallel_loop3A_620 : i32 to vector<16xi32>
        %parallel_loop3A_622 = arith.addi %parallel_loop3A_306, %parallel_loop3A_621 : vector<16xi32>
        %parallel_loop3A_623 = tpu.vector_load_idx %arg10[%parallel_loop3A_622] : memref<16384xf32, #tpu.memory_space<vmem>>[vector<16xi32>], vector<16xf32>,
        %parallel_loop3A_624 = arith.constant 3 : i32
        %parallel_loop3A_625 = arith.index_cast %rem3A_149 : i32 to index
        %parallel_loop3A_626 = arith.index_cast %parallel_loop3A_215 : i32 to index
        %parallel_loop3A_627 = arith.index_cast %parallel_loop3A_624 : i32 to index
        %parallel_loop3A_628 = arith.constant 96 : index
        %parallel_loop3A_629 = tpu.vector_load %arg12[%parallel_loop3A_625, %parallel_loop3A_626, %parallel_loop3A_627, %parallel_loop3A_628] {strides = array<i32>} : memref<2x32x8x128xf32, #tpu.memory_space<vmem>>, vector<16xf32>,
        tpu.vector_store %arg12[%parallel_loop3A_625, %parallel_loop3A_626, %parallel_loop3A_627, %parallel_loop3A_628], %parallel_loop3A_623 {strides = array<i32>} : memref<2x32x8x128xf32, #tpu.memory_space<vmem>>, vector<16xf32>,
        %parallel_loop3A_630 = arith.constant 1536 : i32
        %parallel_loop3A_631 = vector.broadcast %parallel_loop3A_630 : i32 to vector<16xi32>
        %parallel_loop3A_632 = arith.addi %parallel_loop3A_319, %parallel_loop3A_631 : vector<16xi32>
        %parallel_loop3A_633 = tpu.vector_load_idx %arg10[%parallel_loop3A_632] : memref<16384xf32, #tpu.memory_space<vmem>>[vector<16xi32>], vector<16xf32>,
        %parallel_loop3A_634 = arith.constant 3 : i32
        %parallel_loop3A_635 = arith.index_cast %rem3A_149 : i32 to index
        %parallel_loop3A_636 = arith.index_cast %parallel_loop3A_215 : i32 to index
        %parallel_loop3A_637 = arith.index_cast %parallel_loop3A_634 : i32 to index
        %parallel_loop3A_638 = arith.constant 112 : index
        %parallel_loop3A_639 = tpu.vector_load %arg12[%parallel_loop3A_635, %parallel_loop3A_636, %parallel_loop3A_637, %parallel_loop3A_638] {strides = array<i32>} : memref<2x32x8x128xf32, #tpu.memory_space<vmem>>, vector<16xf32>,
        tpu.vector_store %arg12[%parallel_loop3A_635, %parallel_loop3A_636, %parallel_loop3A_637, %parallel_loop3A_638], %parallel_loop3A_633 {strides = array<i32>} : memref<2x32x8x128xf32, #tpu.memory_space<vmem>>, vector<16xf32>,
        %parallel_loop3A_640 = arith.constant 2048 : i32
        %parallel_loop3A_641 = vector.broadcast %parallel_loop3A_640 : i32 to vector<16xi32>
        %parallel_loop3A_642 = arith.addi %parallel_loop3A_228, %parallel_loop3A_641 : vector<16xi32>
        %parallel_loop3A_643 = tpu.vector_load_idx %arg10[%parallel_loop3A_642] : memref<16384xf32, #tpu.memory_space<vmem>>[vector<16xi32>], vector<16xf32>,
        %parallel_loop3A_644 = arith.constant 4 : i32
        %parallel_loop3A_645 = arith.index_cast %rem3A_149 : i32 to index
        %parallel_loop3A_646 = arith.index_cast %parallel_loop3A_215 : i32 to index
        %parallel_loop3A_647 = arith.index_cast %parallel_loop3A_644 : i32 to index
        %parallel_loop3A_648 = arith.constant 0 : index
        %parallel_loop3A_649 = tpu.vector_load %arg12[%parallel_loop3A_645, %parallel_loop3A_646, %parallel_loop3A_647, %parallel_loop3A_648] {strides = array<i32>} : memref<2x32x8x128xf32, #tpu.memory_space<vmem>>, vector<16xf32>,
        tpu.vector_store %arg12[%parallel_loop3A_645, %parallel_loop3A_646, %parallel_loop3A_647, %parallel_loop3A_648], %parallel_loop3A_643 {strides = array<i32>} : memref<2x32x8x128xf32, #tpu.memory_space<vmem>>, vector<16xf32>,
        %parallel_loop3A_650 = arith.constant 2048 : i32
        %parallel_loop3A_651 = vector.broadcast %parallel_loop3A_650 : i32 to vector<16xi32>
        %parallel_loop3A_652 = arith.addi %parallel_loop3A_241, %parallel_loop3A_651 : vector<16xi32>
        %parallel_loop3A_653 = tpu.vector_load_idx %arg10[%parallel_loop3A_652] : memref<16384xf32, #tpu.memory_space<vmem>>[vector<16xi32>], vector<16xf32>,
        %parallel_loop3A_654 = arith.constant 4 : i32
        %parallel_loop3A_655 = arith.index_cast %rem3A_149 : i32 to index
        %parallel_loop3A_656 = arith.index_cast %parallel_loop3A_215 : i32 to index
        %parallel_loop3A_657 = arith.index_cast %parallel_loop3A_654 : i32 to index
        %parallel_loop3A_658 = arith.constant 16 : index
        %parallel_loop3A_659 = tpu.vector_load %arg12[%parallel_loop3A_655, %parallel_loop3A_656, %parallel_loop3A_657, %parallel_loop3A_658] {strides = array<i32>} : memref<2x32x8x128xf32, #tpu.memory_space<vmem>>, vector<16xf32>,
        tpu.vector_store %arg12[%parallel_loop3A_655, %parallel_loop3A_656, %parallel_loop3A_657, %parallel_loop3A_658], %parallel_loop3A_653 {strides = array<i32>} : memref<2x32x8x128xf32, #tpu.memory_space<vmem>>, vector<16xf32>,
        %parallel_loop3A_660 = arith.constant 2048 : i32
        %parallel_loop3A_661 = vector.broadcast %parallel_loop3A_660 : i32 to vector<16xi32>
        %parallel_loop3A_662 = arith.addi %parallel_loop3A_254, %parallel_loop3A_661 : vector<16xi32>
        %parallel_loop3A_663 = tpu.vector_load_idx %arg10[%parallel_loop3A_662] : memref<16384xf32, #tpu.memory_space<vmem>>[vector<16xi32>], vector<16xf32>,
        %parallel_loop3A_664 = arith.constant 4 : i32
        %parallel_loop3A_665 = arith.index_cast %rem3A_149 : i32 to index
        %parallel_loop3A_666 = arith.index_cast %parallel_loop3A_215 : i32 to index
        %parallel_loop3A_667 = arith.index_cast %parallel_loop3A_664 : i32 to index
        %parallel_loop3A_668 = arith.constant 32 : index
        %parallel_loop3A_669 = tpu.vector_load %arg12[%parallel_loop3A_665, %parallel_loop3A_666, %parallel_loop3A_667, %parallel_loop3A_668] {strides = array<i32>} : memref<2x32x8x128xf32, #tpu.memory_space<vmem>>, vector<16xf32>,
        tpu.vector_store %arg12[%parallel_loop3A_665, %parallel_loop3A_666, %parallel_loop3A_667, %parallel_loop3A_668], %parallel_loop3A_663 {strides = array<i32>} : memref<2x32x8x128xf32, #tpu.memory_space<vmem>>, vector<16xf32>,
        %parallel_loop3A_670 = arith.constant 2048 : i32
        %parallel_loop3A_671 = vector.broadcast %parallel_loop3A_670 : i32 to vector<16xi32>
        %parallel_loop3A_672 = arith.addi %parallel_loop3A_267, %parallel_loop3A_671 : vector<16xi32>
        %parallel_loop3A_673 = tpu.vector_load_idx %arg10[%parallel_loop3A_672] : memref<16384xf32, #tpu.memory_space<vmem>>[vector<16xi32>], vector<16xf32>,
        %parallel_loop3A_674 = arith.constant 4 : i32
        %parallel_loop3A_675 = arith.index_cast %rem3A_149 : i32 to index
        %parallel_loop3A_676 = arith.index_cast %parallel_loop3A_215 : i32 to index
        %parallel_loop3A_677 = arith.index_cast %parallel_loop3A_674 : i32 to index
        %parallel_loop3A_678 = arith.constant 48 : index
        %parallel_loop3A_679 = tpu.vector_load %arg12[%parallel_loop3A_675, %parallel_loop3A_676, %parallel_loop3A_677, %parallel_loop3A_678] {strides = array<i32>} : memref<2x32x8x128xf32, #tpu.memory_space<vmem>>, vector<16xf32>,
        tpu.vector_store %arg12[%parallel_loop3A_675, %parallel_loop3A_676, %parallel_loop3A_677, %parallel_loop3A_678], %parallel_loop3A_673 {strides = array<i32>} : memref<2x32x8x128xf32, #tpu.memory_space<vmem>>, vector<16xf32>,
        %parallel_loop3A_680 = arith.constant 2048 : i32
        %parallel_loop3A_681 = vector.broadcast %parallel_loop3A_680 : i32 to vector<16xi32>
        %parallel_loop3A_682 = arith.addi %parallel_loop3A_280, %parallel_loop3A_681 : vector<16xi32>
        %parallel_loop3A_683 = tpu.vector_load_idx %arg10[%parallel_loop3A_682] : memref<16384xf32, #tpu.memory_space<vmem>>[vector<16xi32>], vector<16xf32>,
        %parallel_loop3A_684 = arith.constant 4 : i32
        %parallel_loop3A_685 = arith.index_cast %rem3A_149 : i32 to index
        %parallel_loop3A_686 = arith.index_cast %parallel_loop3A_215 : i32 to index
        %parallel_loop3A_687 = arith.index_cast %parallel_loop3A_684 : i32 to index
        %parallel_loop3A_688 = arith.constant 64 : index
        %parallel_loop3A_689 = tpu.vector_load %arg12[%parallel_loop3A_685, %parallel_loop3A_686, %parallel_loop3A_687, %parallel_loop3A_688] {strides = array<i32>} : memref<2x32x8x128xf32, #tpu.memory_space<vmem>>, vector<16xf32>,
        tpu.vector_store %arg12[%parallel_loop3A_685, %parallel_loop3A_686, %parallel_loop3A_687, %parallel_loop3A_688], %parallel_loop3A_683 {strides = array<i32>} : memref<2x32x8x128xf32, #tpu.memory_space<vmem>>, vector<16xf32>,
        %parallel_loop3A_690 = arith.constant 2048 : i32
        %parallel_loop3A_691 = vector.broadcast %parallel_loop3A_690 : i32 to vector<16xi32>
        %parallel_loop3A_692 = arith.addi %parallel_loop3A_293, %parallel_loop3A_691 : vector<16xi32>
        %parallel_loop3A_693 = tpu.vector_load_idx %arg10[%parallel_loop3A_692] : memref<16384xf32, #tpu.memory_space<vmem>>[vector<16xi32>], vector<16xf32>,
        %parallel_loop3A_694 = arith.constant 4 : i32
        %parallel_loop3A_695 = arith.index_cast %rem3A_149 : i32 to index
        %parallel_loop3A_696 = arith.index_cast %parallel_loop3A_215 : i32 to index
        %parallel_loop3A_697 = arith.index_cast %parallel_loop3A_694 : i32 to index
        %parallel_loop3A_698 = arith.constant 80 : index
        %parallel_loop3A_699 = tpu.vector_load %arg12[%parallel_loop3A_695, %parallel_loop3A_696, %parallel_loop3A_697, %parallel_loop3A_698] {strides = array<i32>} : memref<2x32x8x128xf32, #tpu.memory_space<vmem>>, vector<16xf32>,
        tpu.vector_store %arg12[%parallel_loop3A_695, %parallel_loop3A_696, %parallel_loop3A_697, %parallel_loop3A_698], %parallel_loop3A_693 {strides = array<i32>} : memref<2x32x8x128xf32, #tpu.memory_space<vmem>>, vector<16xf32>,
        %parallel_loop3A_700 = arith.constant 2048 : i32
        %parallel_loop3A_701 = vector.broadcast %parallel_loop3A_700 : i32 to vector<16xi32>
        %parallel_loop3A_702 = arith.addi %parallel_loop3A_306, %parallel_loop3A_701 : vector<16xi32>
        %parallel_loop3A_703 = tpu.vector_load_idx %arg10[%parallel_loop3A_702] : memref<16384xf32, #tpu.memory_space<vmem>>[vector<16xi32>], vector<16xf32>,
        %parallel_loop3A_704 = arith.constant 4 : i32
        %parallel_loop3A_705 = arith.index_cast %rem3A_149 : i32 to index
        %parallel_loop3A_706 = arith.index_cast %parallel_loop3A_215 : i32 to index
        %parallel_loop3A_707 = arith.index_cast %parallel_loop3A_704 : i32 to index
        %parallel_loop3A_708 = arith.constant 96 : index
        %parallel_loop3A_709 = tpu.vector_load %arg12[%parallel_loop3A_705, %parallel_loop3A_706, %parallel_loop3A_707, %parallel_loop3A_708] {strides = array<i32>} : memref<2x32x8x128xf32, #tpu.memory_space<vmem>>, vector<16xf32>,
        tpu.vector_store %arg12[%parallel_loop3A_705, %parallel_loop3A_706, %parallel_loop3A_707, %parallel_loop3A_708], %parallel_loop3A_703 {strides = array<i32>} : memref<2x32x8x128xf32, #tpu.memory_space<vmem>>, vector<16xf32>,
        %parallel_loop3A_710 = arith.constant 2048 : i32
        %parallel_loop3A_711 = vector.broadcast %parallel_loop3A_710 : i32 to vector<16xi32>
        %parallel_loop3A_712 = arith.addi %parallel_loop3A_319, %parallel_loop3A_711 : vector<16xi32>
        %parallel_loop3A_713 = tpu.vector_load_idx %arg10[%parallel_loop3A_712] : memref<16384xf32, #tpu.memory_space<vmem>>[vector<16xi32>], vector<16xf32>,
        %parallel_loop3A_714 = arith.constant 4 : i32
        %parallel_loop3A_715 = arith.index_cast %rem3A_149 : i32 to index
        %parallel_loop3A_716 = arith.index_cast %parallel_loop3A_215 : i32 to index
        %parallel_loop3A_717 = arith.index_cast %parallel_loop3A_714 : i32 to index
        %parallel_loop3A_718 = arith.constant 112 : index
        %parallel_loop3A_719 = tpu.vector_load %arg12[%parallel_loop3A_715, %parallel_loop3A_716, %parallel_loop3A_717, %parallel_loop3A_718] {strides = array<i32>} : memref<2x32x8x128xf32, #tpu.memory_space<vmem>>, vector<16xf32>,
        tpu.vector_store %arg12[%parallel_loop3A_715, %parallel_loop3A_716, %parallel_loop3A_717, %parallel_loop3A_718], %parallel_loop3A_713 {strides = array<i32>} : memref<2x32x8x128xf32, #tpu.memory_space<vmem>>, vector<16xf32>,
        %parallel_loop3A_720 = arith.constant 2560 : i32
        %parallel_loop3A_721 = vector.broadcast %parallel_loop3A_720 : i32 to vector<16xi32>
        %parallel_loop3A_722 = arith.addi %parallel_loop3A_228, %parallel_loop3A_721 : vector<16xi32>
        %parallel_loop3A_723 = tpu.vector_load_idx %arg10[%parallel_loop3A_722] : memref<16384xf32, #tpu.memory_space<vmem>>[vector<16xi32>], vector<16xf32>,
        %parallel_loop3A_724 = arith.constant 5 : i32
        %parallel_loop3A_725 = arith.index_cast %rem3A_149 : i32 to index
        %parallel_loop3A_726 = arith.index_cast %parallel_loop3A_215 : i32 to index
        %parallel_loop3A_727 = arith.index_cast %parallel_loop3A_724 : i32 to index
        %parallel_loop3A_728 = arith.constant 0 : index
        %parallel_loop3A_729 = tpu.vector_load %arg12[%parallel_loop3A_725, %parallel_loop3A_726, %parallel_loop3A_727, %parallel_loop3A_728] {strides = array<i32>} : memref<2x32x8x128xf32, #tpu.memory_space<vmem>>, vector<16xf32>,
        tpu.vector_store %arg12[%parallel_loop3A_725, %parallel_loop3A_726, %parallel_loop3A_727, %parallel_loop3A_728], %parallel_loop3A_723 {strides = array<i32>} : memref<2x32x8x128xf32, #tpu.memory_space<vmem>>, vector<16xf32>,
        %parallel_loop3A_730 = arith.constant 2560 : i32
        %parallel_loop3A_731 = vector.broadcast %parallel_loop3A_730 : i32 to vector<16xi32>
        %parallel_loop3A_732 = arith.addi %parallel_loop3A_241, %parallel_loop3A_731 : vector<16xi32>
        %parallel_loop3A_733 = tpu.vector_load_idx %arg10[%parallel_loop3A_732] : memref<16384xf32, #tpu.memory_space<vmem>>[vector<16xi32>], vector<16xf32>,
        %parallel_loop3A_734 = arith.constant 5 : i32
        %parallel_loop3A_735 = arith.index_cast %rem3A_149 : i32 to index
        %parallel_loop3A_736 = arith.index_cast %parallel_loop3A_215 : i32 to index
        %parallel_loop3A_737 = arith.index_cast %parallel_loop3A_734 : i32 to index
        %parallel_loop3A_738 = arith.constant 16 : index
        %parallel_loop3A_739 = tpu.vector_load %arg12[%parallel_loop3A_735, %parallel_loop3A_736, %parallel_loop3A_737, %parallel_loop3A_738] {strides = array<i32>} : memref<2x32x8x128xf32, #tpu.memory_space<vmem>>, vector<16xf32>,
        tpu.vector_store %arg12[%parallel_loop3A_735, %parallel_loop3A_736, %parallel_loop3A_737, %parallel_loop3A_738], %parallel_loop3A_733 {strides = array<i32>} : memref<2x32x8x128xf32, #tpu.memory_space<vmem>>, vector<16xf32>,
        %parallel_loop3A_740 = arith.constant 2560 : i32
        %parallel_loop3A_741 = vector.broadcast %parallel_loop3A_740 : i32 to vector<16xi32>
        %parallel_loop3A_742 = arith.addi %parallel_loop3A_254, %parallel_loop3A_741 : vector<16xi32>
        %parallel_loop3A_743 = tpu.vector_load_idx %arg10[%parallel_loop3A_742] : memref<16384xf32, #tpu.memory_space<vmem>>[vector<16xi32>], vector<16xf32>,
        %parallel_loop3A_744 = arith.constant 5 : i32
        %parallel_loop3A_745 = arith.index_cast %rem3A_149 : i32 to index
        %parallel_loop3A_746 = arith.index_cast %parallel_loop3A_215 : i32 to index
        %parallel_loop3A_747 = arith.index_cast %parallel_loop3A_744 : i32 to index
        %parallel_loop3A_748 = arith.constant 32 : index
        %parallel_loop3A_749 = tpu.vector_load %arg12[%parallel_loop3A_745, %parallel_loop3A_746, %parallel_loop3A_747, %parallel_loop3A_748] {strides = array<i32>} : memref<2x32x8x128xf32, #tpu.memory_space<vmem>>, vector<16xf32>,
        tpu.vector_store %arg12[%parallel_loop3A_745, %parallel_loop3A_746, %parallel_loop3A_747, %parallel_loop3A_748], %parallel_loop3A_743 {strides = array<i32>} : memref<2x32x8x128xf32, #tpu.memory_space<vmem>>, vector<16xf32>,
        %parallel_loop3A_750 = arith.constant 2560 : i32
        %parallel_loop3A_751 = vector.broadcast %parallel_loop3A_750 : i32 to vector<16xi32>
        %parallel_loop3A_752 = arith.addi %parallel_loop3A_267, %parallel_loop3A_751 : vector<16xi32>
        %parallel_loop3A_753 = tpu.vector_load_idx %arg10[%parallel_loop3A_752] : memref<16384xf32, #tpu.memory_space<vmem>>[vector<16xi32>], vector<16xf32>,
        %parallel_loop3A_754 = arith.constant 5 : i32
        %parallel_loop3A_755 = arith.index_cast %rem3A_149 : i32 to index
        %parallel_loop3A_756 = arith.index_cast %parallel_loop3A_215 : i32 to index
        %parallel_loop3A_757 = arith.index_cast %parallel_loop3A_754 : i32 to index
        %parallel_loop3A_758 = arith.constant 48 : index
        %parallel_loop3A_759 = tpu.vector_load %arg12[%parallel_loop3A_755, %parallel_loop3A_756, %parallel_loop3A_757, %parallel_loop3A_758] {strides = array<i32>} : memref<2x32x8x128xf32, #tpu.memory_space<vmem>>, vector<16xf32>,
        tpu.vector_store %arg12[%parallel_loop3A_755, %parallel_loop3A_756, %parallel_loop3A_757, %parallel_loop3A_758], %parallel_loop3A_753 {strides = array<i32>} : memref<2x32x8x128xf32, #tpu.memory_space<vmem>>, vector<16xf32>,
        %parallel_loop3A_760 = arith.constant 2560 : i32
        %parallel_loop3A_761 = vector.broadcast %parallel_loop3A_760 : i32 to vector<16xi32>
        %parallel_loop3A_762 = arith.addi %parallel_loop3A_280, %parallel_loop3A_761 : vector<16xi32>
        %parallel_loop3A_763 = tpu.vector_load_idx %arg10[%parallel_loop3A_762] : memref<16384xf32, #tpu.memory_space<vmem>>[vector<16xi32>], vector<16xf32>,
        %parallel_loop3A_764 = arith.constant 5 : i32
        %parallel_loop3A_765 = arith.index_cast %rem3A_149 : i32 to index
        %parallel_loop3A_766 = arith.index_cast %parallel_loop3A_215 : i32 to index
        %parallel_loop3A_767 = arith.index_cast %parallel_loop3A_764 : i32 to index
        %parallel_loop3A_768 = arith.constant 64 : index
        %parallel_loop3A_769 = tpu.vector_load %arg12[%parallel_loop3A_765, %parallel_loop3A_766, %parallel_loop3A_767, %parallel_loop3A_768] {strides = array<i32>} : memref<2x32x8x128xf32, #tpu.memory_space<vmem>>, vector<16xf32>,
        tpu.vector_store %arg12[%parallel_loop3A_765, %parallel_loop3A_766, %parallel_loop3A_767, %parallel_loop3A_768], %parallel_loop3A_763 {strides = array<i32>} : memref<2x32x8x128xf32, #tpu.memory_space<vmem>>, vector<16xf32>,
        %parallel_loop3A_770 = arith.constant 2560 : i32
        %parallel_loop3A_771 = vector.broadcast %parallel_loop3A_770 : i32 to vector<16xi32>
        %parallel_loop3A_772 = arith.addi %parallel_loop3A_293, %parallel_loop3A_771 : vector<16xi32>
        %parallel_loop3A_773 = tpu.vector_load_idx %arg10[%parallel_loop3A_772] : memref<16384xf32, #tpu.memory_space<vmem>>[vector<16xi32>], vector<16xf32>,
        %parallel_loop3A_774 = arith.constant 5 : i32
        %parallel_loop3A_775 = arith.index_cast %rem3A_149 : i32 to index
        %parallel_loop3A_776 = arith.index_cast %parallel_loop3A_215 : i32 to index
        %parallel_loop3A_777 = arith.index_cast %parallel_loop3A_774 : i32 to index
        %parallel_loop3A_778 = arith.constant 80 : index
        %parallel_loop3A_779 = tpu.vector_load %arg12[%parallel_loop3A_775, %parallel_loop3A_776, %parallel_loop3A_777, %parallel_loop3A_778] {strides = array<i32>} : memref<2x32x8x128xf32, #tpu.memory_space<vmem>>, vector<16xf32>,
        tpu.vector_store %arg12[%parallel_loop3A_775, %parallel_loop3A_776, %parallel_loop3A_777, %parallel_loop3A_778], %parallel_loop3A_773 {strides = array<i32>} : memref<2x32x8x128xf32, #tpu.memory_space<vmem>>, vector<16xf32>,
        %parallel_loop3A_780 = arith.constant 2560 : i32
        %parallel_loop3A_781 = vector.broadcast %parallel_loop3A_780 : i32 to vector<16xi32>
        %parallel_loop3A_782 = arith.addi %parallel_loop3A_306, %parallel_loop3A_781 : vector<16xi32>
        %parallel_loop3A_783 = tpu.vector_load_idx %arg10[%parallel_loop3A_782] : memref<16384xf32, #tpu.memory_space<vmem>>[vector<16xi32>], vector<16xf32>,
        %parallel_loop3A_784 = arith.constant 5 : i32
        %parallel_loop3A_785 = arith.index_cast %rem3A_149 : i32 to index
        %parallel_loop3A_786 = arith.index_cast %parallel_loop3A_215 : i32 to index
        %parallel_loop3A_787 = arith.index_cast %parallel_loop3A_784 : i32 to index
        %parallel_loop3A_788 = arith.constant 96 : index
        %parallel_loop3A_789 = tpu.vector_load %arg12[%parallel_loop3A_785, %parallel_loop3A_786, %parallel_loop3A_787, %parallel_loop3A_788] {strides = array<i32>} : memref<2x32x8x128xf32, #tpu.memory_space<vmem>>, vector<16xf32>,
        tpu.vector_store %arg12[%parallel_loop3A_785, %parallel_loop3A_786, %parallel_loop3A_787, %parallel_loop3A_788], %parallel_loop3A_783 {strides = array<i32>} : memref<2x32x8x128xf32, #tpu.memory_space<vmem>>, vector<16xf32>,
        %parallel_loop3A_790 = arith.constant 2560 : i32
        %parallel_loop3A_791 = vector.broadcast %parallel_loop3A_790 : i32 to vector<16xi32>
        %parallel_loop3A_792 = arith.addi %parallel_loop3A_319, %parallel_loop3A_791 : vector<16xi32>
        %parallel_loop3A_793 = tpu.vector_load_idx %arg10[%parallel_loop3A_792] : memref<16384xf32, #tpu.memory_space<vmem>>[vector<16xi32>], vector<16xf32>,
        %parallel_loop3A_794 = arith.constant 5 : i32
        %parallel_loop3A_795 = arith.index_cast %rem3A_149 : i32 to index
        %parallel_loop3A_796 = arith.index_cast %parallel_loop3A_215 : i32 to index
        %parallel_loop3A_797 = arith.index_cast %parallel_loop3A_794 : i32 to index
        %parallel_loop3A_798 = arith.constant 112 : index
        %parallel_loop3A_799 = tpu.vector_load %arg12[%parallel_loop3A_795, %parallel_loop3A_796, %parallel_loop3A_797, %parallel_loop3A_798] {strides = array<i32>} : memref<2x32x8x128xf32, #tpu.memory_space<vmem>>, vector<16xf32>,
        tpu.vector_store %arg12[%parallel_loop3A_795, %parallel_loop3A_796, %parallel_loop3A_797, %parallel_loop3A_798], %parallel_loop3A_793 {strides = array<i32>} : memref<2x32x8x128xf32, #tpu.memory_space<vmem>>, vector<16xf32>,
        %parallel_loop3A_800 = arith.constant 3072 : i32
        %parallel_loop3A_801 = vector.broadcast %parallel_loop3A_800 : i32 to vector<16xi32>
        %parallel_loop3A_802 = arith.addi %parallel_loop3A_228, %parallel_loop3A_801 : vector<16xi32>
        %parallel_loop3A_803 = tpu.vector_load_idx %arg10[%parallel_loop3A_802] : memref<16384xf32, #tpu.memory_space<vmem>>[vector<16xi32>], vector<16xf32>,
        %parallel_loop3A_804 = arith.constant 6 : i32
        %parallel_loop3A_805 = arith.index_cast %rem3A_149 : i32 to index
        %parallel_loop3A_806 = arith.index_cast %parallel_loop3A_215 : i32 to index
        %parallel_loop3A_807 = arith.index_cast %parallel_loop3A_804 : i32 to index
        %parallel_loop3A_808 = arith.constant 0 : index
        %parallel_loop3A_809 = tpu.vector_load %arg12[%parallel_loop3A_805, %parallel_loop3A_806, %parallel_loop3A_807, %parallel_loop3A_808] {strides = array<i32>} : memref<2x32x8x128xf32, #tpu.memory_space<vmem>>, vector<16xf32>,
        tpu.vector_store %arg12[%parallel_loop3A_805, %parallel_loop3A_806, %parallel_loop3A_807, %parallel_loop3A_808], %parallel_loop3A_803 {strides = array<i32>} : memref<2x32x8x128xf32, #tpu.memory_space<vmem>>, vector<16xf32>,
        %parallel_loop3A_810 = arith.constant 3072 : i32
        %parallel_loop3A_811 = vector.broadcast %parallel_loop3A_810 : i32 to vector<16xi32>
        %parallel_loop3A_812 = arith.addi %parallel_loop3A_241, %parallel_loop3A_811 : vector<16xi32>
        %parallel_loop3A_813 = tpu.vector_load_idx %arg10[%parallel_loop3A_812] : memref<16384xf32, #tpu.memory_space<vmem>>[vector<16xi32>], vector<16xf32>,
        %parallel_loop3A_814 = arith.constant 6 : i32
        %parallel_loop3A_815 = arith.index_cast %rem3A_149 : i32 to index
        %parallel_loop3A_816 = arith.index_cast %parallel_loop3A_215 : i32 to index
        %parallel_loop3A_817 = arith.index_cast %parallel_loop3A_814 : i32 to index
        %parallel_loop3A_818 = arith.constant 16 : index
        %parallel_loop3A_819 = tpu.vector_load %arg12[%parallel_loop3A_815, %parallel_loop3A_816, %parallel_loop3A_817, %parallel_loop3A_818] {strides = array<i32>} : memref<2x32x8x128xf32, #tpu.memory_space<vmem>>, vector<16xf32>,
        tpu.vector_store %arg12[%parallel_loop3A_815, %parallel_loop3A_816, %parallel_loop3A_817, %parallel_loop3A_818], %parallel_loop3A_813 {strides = array<i32>} : memref<2x32x8x128xf32, #tpu.memory_space<vmem>>, vector<16xf32>,
        %parallel_loop3A_820 = arith.constant 3072 : i32
        %parallel_loop3A_821 = vector.broadcast %parallel_loop3A_820 : i32 to vector<16xi32>
        %parallel_loop3A_822 = arith.addi %parallel_loop3A_254, %parallel_loop3A_821 : vector<16xi32>
        %parallel_loop3A_823 = tpu.vector_load_idx %arg10[%parallel_loop3A_822] : memref<16384xf32, #tpu.memory_space<vmem>>[vector<16xi32>], vector<16xf32>,
        %parallel_loop3A_824 = arith.constant 6 : i32
        %parallel_loop3A_825 = arith.index_cast %rem3A_149 : i32 to index
        %parallel_loop3A_826 = arith.index_cast %parallel_loop3A_215 : i32 to index
        %parallel_loop3A_827 = arith.index_cast %parallel_loop3A_824 : i32 to index
        %parallel_loop3A_828 = arith.constant 32 : index
        %parallel_loop3A_829 = tpu.vector_load %arg12[%parallel_loop3A_825, %parallel_loop3A_826, %parallel_loop3A_827, %parallel_loop3A_828] {strides = array<i32>} : memref<2x32x8x128xf32, #tpu.memory_space<vmem>>, vector<16xf32>,
        tpu.vector_store %arg12[%parallel_loop3A_825, %parallel_loop3A_826, %parallel_loop3A_827, %parallel_loop3A_828], %parallel_loop3A_823 {strides = array<i32>} : memref<2x32x8x128xf32, #tpu.memory_space<vmem>>, vector<16xf32>,
        %parallel_loop3A_830 = arith.constant 3072 : i32
        %parallel_loop3A_831 = vector.broadcast %parallel_loop3A_830 : i32 to vector<16xi32>
        %parallel_loop3A_832 = arith.addi %parallel_loop3A_267, %parallel_loop3A_831 : vector<16xi32>
        %parallel_loop3A_833 = tpu.vector_load_idx %arg10[%parallel_loop3A_832] : memref<16384xf32, #tpu.memory_space<vmem>>[vector<16xi32>], vector<16xf32>,
        %parallel_loop3A_834 = arith.constant 6 : i32
        %parallel_loop3A_835 = arith.index_cast %rem3A_149 : i32 to index
        %parallel_loop3A_836 = arith.index_cast %parallel_loop3A_215 : i32 to index
        %parallel_loop3A_837 = arith.index_cast %parallel_loop3A_834 : i32 to index
        %parallel_loop3A_838 = arith.constant 48 : index
        %parallel_loop3A_839 = tpu.vector_load %arg12[%parallel_loop3A_835, %parallel_loop3A_836, %parallel_loop3A_837, %parallel_loop3A_838] {strides = array<i32>} : memref<2x32x8x128xf32, #tpu.memory_space<vmem>>, vector<16xf32>,
        tpu.vector_store %arg12[%parallel_loop3A_835, %parallel_loop3A_836, %parallel_loop3A_837, %parallel_loop3A_838], %parallel_loop3A_833 {strides = array<i32>} : memref<2x32x8x128xf32, #tpu.memory_space<vmem>>, vector<16xf32>,
        %parallel_loop3A_840 = arith.constant 3072 : i32
        %parallel_loop3A_841 = vector.broadcast %parallel_loop3A_840 : i32 to vector<16xi32>
        %parallel_loop3A_842 = arith.addi %parallel_loop3A_280, %parallel_loop3A_841 : vector<16xi32>
        %parallel_loop3A_843 = tpu.vector_load_idx %arg10[%parallel_loop3A_842] : memref<16384xf32, #tpu.memory_space<vmem>>[vector<16xi32>], vector<16xf32>,
        %parallel_loop3A_844 = arith.constant 6 : i32
        %parallel_loop3A_845 = arith.index_cast %rem3A_149 : i32 to index
        %parallel_loop3A_846 = arith.index_cast %parallel_loop3A_215 : i32 to index
        %parallel_loop3A_847 = arith.index_cast %parallel_loop3A_844 : i32 to index
        %parallel_loop3A_848 = arith.constant 64 : index
        %parallel_loop3A_849 = tpu.vector_load %arg12[%parallel_loop3A_845, %parallel_loop3A_846, %parallel_loop3A_847, %parallel_loop3A_848] {strides = array<i32>} : memref<2x32x8x128xf32, #tpu.memory_space<vmem>>, vector<16xf32>,
        tpu.vector_store %arg12[%parallel_loop3A_845, %parallel_loop3A_846, %parallel_loop3A_847, %parallel_loop3A_848], %parallel_loop3A_843 {strides = array<i32>} : memref<2x32x8x128xf32, #tpu.memory_space<vmem>>, vector<16xf32>,
        %parallel_loop3A_850 = arith.constant 3072 : i32
        %parallel_loop3A_851 = vector.broadcast %parallel_loop3A_850 : i32 to vector<16xi32>
        %parallel_loop3A_852 = arith.addi %parallel_loop3A_293, %parallel_loop3A_851 : vector<16xi32>
        %parallel_loop3A_853 = tpu.vector_load_idx %arg10[%parallel_loop3A_852] : memref<16384xf32, #tpu.memory_space<vmem>>[vector<16xi32>], vector<16xf32>,
        %parallel_loop3A_854 = arith.constant 6 : i32
        %parallel_loop3A_855 = arith.index_cast %rem3A_149 : i32 to index
        %parallel_loop3A_856 = arith.index_cast %parallel_loop3A_215 : i32 to index
        %parallel_loop3A_857 = arith.index_cast %parallel_loop3A_854 : i32 to index
        %parallel_loop3A_858 = arith.constant 80 : index
        %parallel_loop3A_859 = tpu.vector_load %arg12[%parallel_loop3A_855, %parallel_loop3A_856, %parallel_loop3A_857, %parallel_loop3A_858] {strides = array<i32>} : memref<2x32x8x128xf32, #tpu.memory_space<vmem>>, vector<16xf32>,
        tpu.vector_store %arg12[%parallel_loop3A_855, %parallel_loop3A_856, %parallel_loop3A_857, %parallel_loop3A_858], %parallel_loop3A_853 {strides = array<i32>} : memref<2x32x8x128xf32, #tpu.memory_space<vmem>>, vector<16xf32>,
        %parallel_loop3A_860 = arith.constant 3072 : i32
        %parallel_loop3A_861 = vector.broadcast %parallel_loop3A_860 : i32 to vector<16xi32>
        %parallel_loop3A_862 = arith.addi %parallel_loop3A_306, %parallel_loop3A_861 : vector<16xi32>
        %parallel_loop3A_863 = tpu.vector_load_idx %arg10[%parallel_loop3A_862] : memref<16384xf32, #tpu.memory_space<vmem>>[vector<16xi32>], vector<16xf32>,
        %parallel_loop3A_864 = arith.constant 6 : i32
        %parallel_loop3A_865 = arith.index_cast %rem3A_149 : i32 to index
        %parallel_loop3A_866 = arith.index_cast %parallel_loop3A_215 : i32 to index
        %parallel_loop3A_867 = arith.index_cast %parallel_loop3A_864 : i32 to index
        %parallel_loop3A_868 = arith.constant 96 : index
        %parallel_loop3A_869 = tpu.vector_load %arg12[%parallel_loop3A_865, %parallel_loop3A_866, %parallel_loop3A_867, %parallel_loop3A_868] {strides = array<i32>} : memref<2x32x8x128xf32, #tpu.memory_space<vmem>>, vector<16xf32>,
        tpu.vector_store %arg12[%parallel_loop3A_865, %parallel_loop3A_866, %parallel_loop3A_867, %parallel_loop3A_868], %parallel_loop3A_863 {strides = array<i32>} : memref<2x32x8x128xf32, #tpu.memory_space<vmem>>, vector<16xf32>,
        %parallel_loop3A_870 = arith.constant 3072 : i32
        %parallel_loop3A_871 = vector.broadcast %parallel_loop3A_870 : i32 to vector<16xi32>
        %parallel_loop3A_872 = arith.addi %parallel_loop3A_319, %parallel_loop3A_871 : vector<16xi32>
        %parallel_loop3A_873 = tpu.vector_load_idx %arg10[%parallel_loop3A_872] : memref<16384xf32, #tpu.memory_space<vmem>>[vector<16xi32>], vector<16xf32>,
        %parallel_loop3A_874 = arith.constant 6 : i32
        %parallel_loop3A_875 = arith.index_cast %rem3A_149 : i32 to index
        %parallel_loop3A_876 = arith.index_cast %parallel_loop3A_215 : i32 to index
        %parallel_loop3A_877 = arith.index_cast %parallel_loop3A_874 : i32 to index
        %parallel_loop3A_878 = arith.constant 112 : index
        %parallel_loop3A_879 = tpu.vector_load %arg12[%parallel_loop3A_875, %parallel_loop3A_876, %parallel_loop3A_877, %parallel_loop3A_878] {strides = array<i32>} : memref<2x32x8x128xf32, #tpu.memory_space<vmem>>, vector<16xf32>,
        tpu.vector_store %arg12[%parallel_loop3A_875, %parallel_loop3A_876, %parallel_loop3A_877, %parallel_loop3A_878], %parallel_loop3A_873 {strides = array<i32>} : memref<2x32x8x128xf32, #tpu.memory_space<vmem>>, vector<16xf32>,
        %parallel_loop3A_880 = arith.constant 3584 : i32
        %parallel_loop3A_881 = vector.broadcast %parallel_loop3A_880 : i32 to vector<16xi32>
        %parallel_loop3A_882 = arith.addi %parallel_loop3A_228, %parallel_loop3A_881 : vector<16xi32>
        %parallel_loop3A_883 = tpu.vector_load_idx %arg10[%parallel_loop3A_882] : memref<16384xf32, #tpu.memory_space<vmem>>[vector<16xi32>], vector<16xf32>,
        %parallel_loop3A_884 = arith.constant 7 : i32
        %parallel_loop3A_885 = arith.index_cast %rem3A_149 : i32 to index
        %parallel_loop3A_886 = arith.index_cast %parallel_loop3A_215 : i32 to index
        %parallel_loop3A_887 = arith.index_cast %parallel_loop3A_884 : i32 to index
        %parallel_loop3A_888 = arith.constant 0 : index
        %parallel_loop3A_889 = tpu.vector_load %arg12[%parallel_loop3A_885, %parallel_loop3A_886, %parallel_loop3A_887, %parallel_loop3A_888] {strides = array<i32>} : memref<2x32x8x128xf32, #tpu.memory_space<vmem>>, vector<16xf32>,
        tpu.vector_store %arg12[%parallel_loop3A_885, %parallel_loop3A_886, %parallel_loop3A_887, %parallel_loop3A_888], %parallel_loop3A_883 {strides = array<i32>} : memref<2x32x8x128xf32, #tpu.memory_space<vmem>>, vector<16xf32>,
        %parallel_loop3A_890 = arith.constant 3584 : i32
        %parallel_loop3A_891 = vector.broadcast %parallel_loop3A_890 : i32 to vector<16xi32>
        %parallel_loop3A_892 = arith.addi %parallel_loop3A_241, %parallel_loop3A_891 : vector<16xi32>
        %parallel_loop3A_893 = tpu.vector_load_idx %arg10[%parallel_loop3A_892] : memref<16384xf32, #tpu.memory_space<vmem>>[vector<16xi32>], vector<16xf32>,
        %parallel_loop3A_894 = arith.constant 7 : i32
        %parallel_loop3A_895 = arith.index_cast %rem3A_149 : i32 to index
        %parallel_loop3A_896 = arith.index_cast %parallel_loop3A_215 : i32 to index
        %parallel_loop3A_897 = arith.index_cast %parallel_loop3A_894 : i32 to index
        %parallel_loop3A_898 = arith.constant 16 : index
        %parallel_loop3A_899 = tpu.vector_load %arg12[%parallel_loop3A_895, %parallel_loop3A_896, %parallel_loop3A_897, %parallel_loop3A_898] {strides = array<i32>} : memref<2x32x8x128xf32, #tpu.memory_space<vmem>>, vector<16xf32>,
        tpu.vector_store %arg12[%parallel_loop3A_895, %parallel_loop3A_896, %parallel_loop3A_897, %parallel_loop3A_898], %parallel_loop3A_893 {strides = array<i32>} : memref<2x32x8x128xf32, #tpu.memory_space<vmem>>, vector<16xf32>,
        %parallel_loop3A_900 = arith.constant 3584 : i32
        %parallel_loop3A_901 = vector.broadcast %parallel_loop3A_900 : i32 to vector<16xi32>
        %parallel_loop3A_902 = arith.addi %parallel_loop3A_254, %parallel_loop3A_901 : vector<16xi32>
        %parallel_loop3A_903 = tpu.vector_load_idx %arg10[%parallel_loop3A_902] : memref<16384xf32, #tpu.memory_space<vmem>>[vector<16xi32>], vector<16xf32>,
        %parallel_loop3A_904 = arith.constant 7 : i32
        %parallel_loop3A_905 = arith.index_cast %rem3A_149 : i32 to index
        %parallel_loop3A_906 = arith.index_cast %parallel_loop3A_215 : i32 to index
        %parallel_loop3A_907 = arith.index_cast %parallel_loop3A_904 : i32 to index
        %parallel_loop3A_908 = arith.constant 32 : index
        %parallel_loop3A_909 = tpu.vector_load %arg12[%parallel_loop3A_905, %parallel_loop3A_906, %parallel_loop3A_907, %parallel_loop3A_908] {strides = array<i32>} : memref<2x32x8x128xf32, #tpu.memory_space<vmem>>, vector<16xf32>,
        tpu.vector_store %arg12[%parallel_loop3A_905, %parallel_loop3A_906, %parallel_loop3A_907, %parallel_loop3A_908], %parallel_loop3A_903 {strides = array<i32>} : memref<2x32x8x128xf32, #tpu.memory_space<vmem>>, vector<16xf32>,
        %parallel_loop3A_910 = arith.constant 3584 : i32
        %parallel_loop3A_911 = vector.broadcast %parallel_loop3A_910 : i32 to vector<16xi32>
        %parallel_loop3A_912 = arith.addi %parallel_loop3A_267, %parallel_loop3A_911 : vector<16xi32>
        %parallel_loop3A_913 = tpu.vector_load_idx %arg10[%parallel_loop3A_912] : memref<16384xf32, #tpu.memory_space<vmem>>[vector<16xi32>], vector<16xf32>,
        %parallel_loop3A_914 = arith.constant 7 : i32
        %parallel_loop3A_915 = arith.index_cast %rem3A_149 : i32 to index
        %parallel_loop3A_916 = arith.index_cast %parallel_loop3A_215 : i32 to index
        %parallel_loop3A_917 = arith.index_cast %parallel_loop3A_914 : i32 to index
        %parallel_loop3A_918 = arith.constant 48 : index
        %parallel_loop3A_919 = tpu.vector_load %arg12[%parallel_loop3A_915, %parallel_loop3A_916, %parallel_loop3A_917, %parallel_loop3A_918] {strides = array<i32>} : memref<2x32x8x128xf32, #tpu.memory_space<vmem>>, vector<16xf32>,
        tpu.vector_store %arg12[%parallel_loop3A_915, %parallel_loop3A_916, %parallel_loop3A_917, %parallel_loop3A_918], %parallel_loop3A_913 {strides = array<i32>} : memref<2x32x8x128xf32, #tpu.memory_space<vmem>>, vector<16xf32>,
        %parallel_loop3A_920 = arith.constant 3584 : i32
        %parallel_loop3A_921 = vector.broadcast %parallel_loop3A_920 : i32 to vector<16xi32>
        %parallel_loop3A_922 = arith.addi %parallel_loop3A_280, %parallel_loop3A_921 : vector<16xi32>
        %parallel_loop3A_923 = tpu.vector_load_idx %arg10[%parallel_loop3A_922] : memref<16384xf32, #tpu.memory_space<vmem>>[vector<16xi32>], vector<16xf32>,
        %parallel_loop3A_924 = arith.constant 7 : i32
        %parallel_loop3A_925 = arith.index_cast %rem3A_149 : i32 to index
        %parallel_loop3A_926 = arith.index_cast %parallel_loop3A_215 : i32 to index
        %parallel_loop3A_927 = arith.index_cast %parallel_loop3A_924 : i32 to index
        %parallel_loop3A_928 = arith.constant 64 : index
        %parallel_loop3A_929 = tpu.vector_load %arg12[%parallel_loop3A_925, %parallel_loop3A_926, %parallel_loop3A_927, %parallel_loop3A_928] {strides = array<i32>} : memref<2x32x8x128xf32, #tpu.memory_space<vmem>>, vector<16xf32>,
        tpu.vector_store %arg12[%parallel_loop3A_925, %parallel_loop3A_926, %parallel_loop3A_927, %parallel_loop3A_928], %parallel_loop3A_923 {strides = array<i32>} : memref<2x32x8x128xf32, #tpu.memory_space<vmem>>, vector<16xf32>,
        %parallel_loop3A_930 = arith.constant 3584 : i32
        %parallel_loop3A_931 = vector.broadcast %parallel_loop3A_930 : i32 to vector<16xi32>
        %parallel_loop3A_932 = arith.addi %parallel_loop3A_293, %parallel_loop3A_931 : vector<16xi32>
        %parallel_loop3A_933 = tpu.vector_load_idx %arg10[%parallel_loop3A_932] : memref<16384xf32, #tpu.memory_space<vmem>>[vector<16xi32>], vector<16xf32>,
        %parallel_loop3A_934 = arith.constant 7 : i32
        %parallel_loop3A_935 = arith.index_cast %rem3A_149 : i32 to index
        %parallel_loop3A_936 = arith.index_cast %parallel_loop3A_215 : i32 to index
        %parallel_loop3A_937 = arith.index_cast %parallel_loop3A_934 : i32 to index
        %parallel_loop3A_938 = arith.constant 80 : index
        %parallel_loop3A_939 = tpu.vector_load %arg12[%parallel_loop3A_935, %parallel_loop3A_936, %parallel_loop3A_937, %parallel_loop3A_938] {strides = array<i32>} : memref<2x32x8x128xf32, #tpu.memory_space<vmem>>, vector<16xf32>,
        tpu.vector_store %arg12[%parallel_loop3A_935, %parallel_loop3A_936, %parallel_loop3A_937, %parallel_loop3A_938], %parallel_loop3A_933 {strides = array<i32>} : memref<2x32x8x128xf32, #tpu.memory_space<vmem>>, vector<16xf32>,
        %parallel_loop3A_940 = arith.constant 3584 : i32
        %parallel_loop3A_941 = vector.broadcast %parallel_loop3A_940 : i32 to vector<16xi32>
        %parallel_loop3A_942 = arith.addi %parallel_loop3A_306, %parallel_loop3A_941 : vector<16xi32>
        %parallel_loop3A_943 = tpu.vector_load_idx %arg10[%parallel_loop3A_942] : memref<16384xf32, #tpu.memory_space<vmem>>[vector<16xi32>], vector<16xf32>,
        %parallel_loop3A_944 = arith.constant 7 : i32
        %parallel_loop3A_945 = arith.index_cast %rem3A_149 : i32 to index
        %parallel_loop3A_946 = arith.index_cast %parallel_loop3A_215 : i32 to index
        %parallel_loop3A_947 = arith.index_cast %parallel_loop3A_944 : i32 to index
        %parallel_loop3A_948 = arith.constant 96 : index
        %parallel_loop3A_949 = tpu.vector_load %arg12[%parallel_loop3A_945, %parallel_loop3A_946, %parallel_loop3A_947, %parallel_loop3A_948] {strides = array<i32>} : memref<2x32x8x128xf32, #tpu.memory_space<vmem>>, vector<16xf32>,
        tpu.vector_store %arg12[%parallel_loop3A_945, %parallel_loop3A_946, %parallel_loop3A_947, %parallel_loop3A_948], %parallel_loop3A_943 {strides = array<i32>} : memref<2x32x8x128xf32, #tpu.memory_space<vmem>>, vector<16xf32>,
        %parallel_loop3A_950 = arith.constant 3584 : i32
        %parallel_loop3A_951 = vector.broadcast %parallel_loop3A_950 : i32 to vector<16xi32>
        %parallel_loop3A_952 = arith.addi %parallel_loop3A_319, %parallel_loop3A_951 : vector<16xi32>
        %parallel_loop3A_953 = tpu.vector_load_idx %arg10[%parallel_loop3A_952] : memref<16384xf32, #tpu.memory_space<vmem>>[vector<16xi32>], vector<16xf32>,
        %parallel_loop3A_954 = arith.constant 7 : i32
        %parallel_loop3A_955 = arith.index_cast %rem3A_149 : i32 to index
        %parallel_loop3A_956 = arith.index_cast %parallel_loop3A_215 : i32 to index
        %parallel_loop3A_957 = arith.index_cast %parallel_loop3A_954 : i32 to index
        %parallel_loop3A_958 = arith.constant 112 : index
        %parallel_loop3A_959 = tpu.vector_load %arg12[%parallel_loop3A_955, %parallel_loop3A_956, %parallel_loop3A_957, %parallel_loop3A_958] {strides = array<i32>} : memref<2x32x8x128xf32, #tpu.memory_space<vmem>>, vector<16xf32>,
        tpu.vector_store %arg12[%parallel_loop3A_955, %parallel_loop3A_956, %parallel_loop3A_957, %parallel_loop3A_958], %parallel_loop3A_953 {strides = array<i32>} : memref<2x32x8x128xf32, #tpu.memory_space<vmem>>, vector<16xf32>,
      } {sc.loop_unroll_factor = 1 : i64, sc.parallel_access}
      %eq3A_205 = arith.constant 0 : i32
      %eq3A_206 = arith.cmpi eq, %rem3A_149, %eq3A_205 : i32
      %convert_element_type3A_207 = arith.extui %eq3A_206 : i1 to i32
      %cond3A_208 = arith.constant 0 : i32
      %cond3A_209 = arith.cmpi ne, %convert_element_type3A_207, %cond3A_208 : i32
      scf.if %cond3A_209 {
        %mul3A_215 = arith.constant 25 : i32
        %mul3A_216 = arith.muli %add3A, %mul3A_215 : i32
        %add3A_217 = arith.addi %mul3A_216, %scan3A_147 : i32
        %jit3A_218 = arith.constant 4 : i32
        %div3A_219 = arith.divsi %add3A_217, %jit3A_218 : i32
        %sign3A_220 = arith.constant 0 : i32
        %sign3A_221 = arith.cmpi sgt, %add3A_217, %sign3A_220 : i32
        %sign3A_222 = arith.extui %sign3A_221 : i1 to i32
        %sign3A_223 = arith.constant 0 : i32
        %sign3A_224 = arith.cmpi slt, %add3A_217, %sign3A_223 : i32
        %sign3A_225 = arith.extui %sign3A_224 : i1 to i32
        %sign3A_226 = arith.subi %sign3A_222, %sign3A_225 : i32
        %sign3A_227 = arith.constant 0 : i32
        %sign3A_228 = arith.cmpi sgt, %jit3A_218, %sign3A_227 : i32
        %sign3A_229 = arith.extui %sign3A_228 : i1 to i32
        %sign3A_230 = arith.constant 0 : i32
        %sign3A_231 = arith.cmpi slt, %jit3A_218, %sign3A_230 : i32
        %sign3A_232 = arith.extui %sign3A_231 : i1 to i32
        %sign3A_233 = arith.subi %sign3A_229, %sign3A_232 : i32
        %ne3A_234 = arith.cmpi ne, %sign3A_226, %sign3A_233 : i32
        %rem3A_235 = arith.remsi %add3A_217, %jit3A_218 : i32
        %ne3A_236 = arith.constant 0 : i32
        %ne3A_237 = arith.cmpi ne, %rem3A_235, %ne3A_236 : i32
        %and3A_238 = arith.andi %ne3A_234, %ne3A_237 : i1
        %sub3A_239 = arith.constant 1 : i32
        %sub3A_240 = arith.subi %div3A_219, %sub3A_239 : i32
        %select_n3A_241 = arith.select %and3A_238, %sub3A_240, %div3A_219 : i32
        %rem3A_242 = arith.constant 4 : i32
        %rem3A_243 = arith.remsi %add3A_217, %rem3A_242 : i32
        %dma_start3A_244 = arith.constant 0 : i32
        %dma_start3A_245 = arith.constant 0 : i32
        %dma_start3A_246 = arith.constant 0 : i32
        %dma_start3A_247 = arith.constant 0 : i32
        %dma_start3A_248 = tpu.memref_slice %arg12[%dma_start3A_244, %dma_start3A_245, %dma_start3A_246, %dma_start3A_247] : memref<2x32x8x128xf32, #tpu.memory_space<vmem>> -> memref<1x32x8x128xf32, #tpu.memory_space<vmem>>
        %dma_start3A_249 = tpu.memref_squeeze %dma_start3A_248 : memref<1x32x8x128xf32, #tpu.memory_space<vmem>> -> memref<32x8x128xf32, #tpu.memory_space<vmem>>
        %dma_start3A_250 = arith.constant 0 : i32
        %dma_start3A_251 = arith.constant 0 : i32
        %dma_start3A_252 = arith.constant 0 : i32
        %dma_start3A_253 = tpu.memref_slice %arg6[%select_n3A_241, %rem3A_243, %dma_start3A_250, %dma_start3A_251, %dma_start3A_252] : memref<200x4x32x8x128xf32, #tpu.memory_space<hbm>> -> memref<1x1x32x8x128xf32, #tpu.memory_space<hbm>>
        %dma_start3A_254 = tpu.memref_squeeze %dma_start3A_253 : memref<1x1x32x8x128xf32, #tpu.memory_space<hbm>> -> memref<32x8x128xf32, #tpu.memory_space<hbm>>
        %dma_start3A_255 = arith.constant 0 : i32
        %dma_start3A_256 = arith.constant 0 : i32
        %dma_start3A_257 = arith.constant 0 : i32
        %dma_start3A_258 = tpu.memref_slice %arg6[%select_n3A_241, %rem3A_243, %dma_start3A_255, %dma_start3A_256, %dma_start3A_257] : memref<200x4x32x8x128xf32, #tpu.memory_space<hbm>> -> memref<1x1x32x8x128xf32, #tpu.memory_space<hbm>>
        %dma_start3A_259 = tpu.memref_squeeze %dma_start3A_258 : memref<1x1x32x8x128xf32, #tpu.memory_space<hbm>> -> memref<32x8x128xf32, #tpu.memory_space<hbm>>
        %dma_start3A_260 = arith.constant 0 : i32
        %dma_start3A_261 = arith.constant 0 : i32
        %dma_start3A_262 = arith.constant 0 : i32
        %dma_start3A_263 = tpu.memref_slice %arg12[%dma_start3A_244, %dma_start3A_260, %dma_start3A_261, %dma_start3A_262] : memref<2x32x8x128xf32, #tpu.memory_space<vmem>> -> memref<1x32x8x128xf32, #tpu.memory_space<vmem>>
        %dma_start3A_264 = tpu.memref_squeeze %dma_start3A_263 : memref<1x32x8x128xf32, #tpu.memory_space<vmem>> -> memref<32x8x128xf32, #tpu.memory_space<vmem>>
        tpu.enqueue_dma source(%dma_start3A_264 : memref<32x8x128xf32, #tpu.memory_space<vmem>>) target(%dma_start3A_259 : memref<32x8x128xf32, #tpu.memory_space<hbm>>) target_semaphore(%arg15 : memref<!tpu.dma_semaphore, #tpu.memory_space<semaphore_mem>>)
      } else {
      }
      %eq3A_210 = arith.constant 1 : i32
      %eq3A_211 = arith.cmpi eq, %rem3A_149, %eq3A_210 : i32
      %convert_element_type3A_212 = arith.extui %eq3A_211 : i1 to i32
      %cond3A_213 = arith.constant 0 : i32
      %cond3A_214 = arith.cmpi ne, %convert_element_type3A_212, %cond3A_213 : i32
      scf.if %cond3A_214 {
        %mul3A_215 = arith.constant 25 : i32
        %mul3A_216 = arith.muli %add3A, %mul3A_215 : i32
        %add3A_217 = arith.addi %mul3A_216, %scan3A_147 : i32
        %jit3A_218 = arith.constant 4 : i32
        %div3A_219 = arith.divsi %add3A_217, %jit3A_218 : i32
        %sign3A_220 = arith.constant 0 : i32
        %sign3A_221 = arith.cmpi sgt, %add3A_217, %sign3A_220 : i32
        %sign3A_222 = arith.extui %sign3A_221 : i1 to i32
        %sign3A_223 = arith.constant 0 : i32
        %sign3A_224 = arith.cmpi slt, %add3A_217, %sign3A_223 : i32
        %sign3A_225 = arith.extui %sign3A_224 : i1 to i32
        %sign3A_226 = arith.subi %sign3A_222, %sign3A_225 : i32
        %sign3A_227 = arith.constant 0 : i32
        %sign3A_228 = arith.cmpi sgt, %jit3A_218, %sign3A_227 : i32
        %sign3A_229 = arith.extui %sign3A_228 : i1 to i32
        %sign3A_230 = arith.constant 0 : i32
        %sign3A_231 = arith.cmpi slt, %jit3A_218, %sign3A_230 : i32
        %sign3A_232 = arith.extui %sign3A_231 : i1 to i32
        %sign3A_233 = arith.subi %sign3A_229, %sign3A_232 : i32
        %ne3A_234 = arith.cmpi ne, %sign3A_226, %sign3A_233 : i32
        %rem3A_235 = arith.remsi %add3A_217, %jit3A_218 : i32
        %ne3A_236 = arith.constant 0 : i32
        %ne3A_237 = arith.cmpi ne, %rem3A_235, %ne3A_236 : i32
        %and3A_238 = arith.andi %ne3A_234, %ne3A_237 : i1
        %sub3A_239 = arith.constant 1 : i32
        %sub3A_240 = arith.subi %div3A_219, %sub3A_239 : i32
        %select_n3A_241 = arith.select %and3A_238, %sub3A_240, %div3A_219 : i32
        %rem3A_242 = arith.constant 4 : i32
        %rem3A_243 = arith.remsi %add3A_217, %rem3A_242 : i32
        %dma_start3A_244 = arith.constant 1 : i32
        %dma_start3A_245 = arith.constant 0 : i32
        %dma_start3A_246 = arith.constant 0 : i32
        %dma_start3A_247 = arith.constant 0 : i32
        %dma_start3A_248 = tpu.memref_slice %arg12[%dma_start3A_244, %dma_start3A_245, %dma_start3A_246, %dma_start3A_247] : memref<2x32x8x128xf32, #tpu.memory_space<vmem>> -> memref<1x32x8x128xf32, #tpu.memory_space<vmem>>
        %dma_start3A_249 = tpu.memref_squeeze %dma_start3A_248 : memref<1x32x8x128xf32, #tpu.memory_space<vmem>> -> memref<32x8x128xf32, #tpu.memory_space<vmem>>
        %dma_start3A_250 = arith.constant 0 : i32
        %dma_start3A_251 = arith.constant 0 : i32
        %dma_start3A_252 = arith.constant 0 : i32
        %dma_start3A_253 = tpu.memref_slice %arg6[%select_n3A_241, %rem3A_243, %dma_start3A_250, %dma_start3A_251, %dma_start3A_252] : memref<200x4x32x8x128xf32, #tpu.memory_space<hbm>> -> memref<1x1x32x8x128xf32, #tpu.memory_space<hbm>>
        %dma_start3A_254 = tpu.memref_squeeze %dma_start3A_253 : memref<1x1x32x8x128xf32, #tpu.memory_space<hbm>> -> memref<32x8x128xf32, #tpu.memory_space<hbm>>
        %dma_start3A_255 = arith.constant 0 : i32
        %dma_start3A_256 = arith.constant 0 : i32
        %dma_start3A_257 = arith.constant 0 : i32
        %dma_start3A_258 = tpu.memref_slice %arg6[%select_n3A_241, %rem3A_243, %dma_start3A_255, %dma_start3A_256, %dma_start3A_257] : memref<200x4x32x8x128xf32, #tpu.memory_space<hbm>> -> memref<1x1x32x8x128xf32, #tpu.memory_space<hbm>>
        %dma_start3A_259 = tpu.memref_squeeze %dma_start3A_258 : memref<1x1x32x8x128xf32, #tpu.memory_space<hbm>> -> memref<32x8x128xf32, #tpu.memory_space<hbm>>
        %dma_start3A_260 = arith.constant 0 : i32
        %dma_start3A_261 = arith.constant 0 : i32
        %dma_start3A_262 = arith.constant 0 : i32
        %dma_start3A_263 = tpu.memref_slice %arg12[%dma_start3A_244, %dma_start3A_260, %dma_start3A_261, %dma_start3A_262] : memref<2x32x8x128xf32, #tpu.memory_space<vmem>> -> memref<1x32x8x128xf32, #tpu.memory_space<vmem>>
        %dma_start3A_264 = tpu.memref_squeeze %dma_start3A_263 : memref<1x32x8x128xf32, #tpu.memory_space<vmem>> -> memref<32x8x128xf32, #tpu.memory_space<vmem>>
        tpu.enqueue_dma source(%dma_start3A_264 : memref<32x8x128xf32, #tpu.memory_space<vmem>>) target(%dma_start3A_259 : memref<32x8x128xf32, #tpu.memory_space<hbm>>) target_semaphore(%arg16 : memref<!tpu.dma_semaphore, #tpu.memory_space<semaphore_mem>>)
      } else {
      }
    }
    %scan3A_45 = arith.constant 25 : i32
    %mul3A_46 = arith.constant 25 : i32
    %mul3A_47 = arith.muli %add3A, %mul3A_46 : i32
    %add3A_48 = arith.constant 23 : i32
    %add3A_49 = arith.addi %mul3A_47, %add3A_48 : i32
    %jit3A_50 = arith.constant 4 : i32
    %div3A_51 = arith.divsi %add3A_49, %jit3A_50 : i32
    %sign3A_52 = arith.constant 0 : i32
    %sign3A_53 = arith.cmpi sgt, %add3A_49, %sign3A_52 : i32
    %sign3A_54 = arith.extui %sign3A_53 : i1 to i32
    %sign3A_55 = arith.constant 0 : i32
    %sign3A_56 = arith.cmpi slt, %add3A_49, %sign3A_55 : i32
    %sign3A_57 = arith.extui %sign3A_56 : i1 to i32
    %sign3A_58 = arith.subi %sign3A_54, %sign3A_57 : i32
    %sign3A_59 = arith.constant 0 : i32
    %sign3A_60 = arith.cmpi sgt, %jit3A_50, %sign3A_59 : i32
    %sign3A_61 = arith.extui %sign3A_60 : i1 to i32
    %sign3A_62 = arith.constant 0 : i32
    %sign3A_63 = arith.cmpi slt, %jit3A_50, %sign3A_62 : i32
    %sign3A_64 = arith.extui %sign3A_63 : i1 to i32
    %sign3A_65 = arith.subi %sign3A_61, %sign3A_64 : i32
    %ne3A_66 = arith.cmpi ne, %sign3A_58, %sign3A_65 : i32
    %rem3A_67 = arith.remsi %add3A_49, %jit3A_50 : i32
    %ne3A_68 = arith.constant 0 : i32
    %ne3A_69 = arith.cmpi ne, %rem3A_67, %ne3A_68 : i32
    %and3A_70 = arith.andi %ne3A_66, %ne3A_69 : i1
    %sub3A_71 = arith.constant 1 : i32
    %sub3A_72 = arith.subi %div3A_51, %sub3A_71 : i32
    %select_n3A_73 = arith.select %and3A_70, %sub3A_72, %div3A_51 : i32
    %rem3A_74 = arith.constant 4 : i32
    %rem3A_75 = arith.remsi %add3A_49, %rem3A_74 : i32
    %dma_wait3A = arith.constant 1 : i32
    %dma_wait3A_76 = arith.constant 0 : i32
    %dma_wait3A_77 = arith.constant 0 : i32
    %dma_wait3A_78 = arith.constant 0 : i32
    %dma_wait3A_79 = tpu.memref_slice %arg12[%dma_wait3A, %dma_wait3A_76, %dma_wait3A_77, %dma_wait3A_78] : memref<2x32x8x128xf32, #tpu.memory_space<vmem>> -> memref<1x32x8x128xf32, #tpu.memory_space<vmem>>
    %dma_wait3A_80 = tpu.memref_squeeze %dma_wait3A_79 : memref<1x32x8x128xf32, #tpu.memory_space<vmem>> -> memref<32x8x128xf32, #tpu.memory_space<vmem>>
    %dma_wait3A_81 = arith.constant 0 : i32
    %dma_wait3A_82 = arith.constant 0 : i32
    %dma_wait3A_83 = arith.constant 0 : i32
    %dma_wait3A_84 = tpu.memref_slice %arg6[%select_n3A_73, %rem3A_75, %dma_wait3A_81, %dma_wait3A_82, %dma_wait3A_83] : memref<200x4x32x8x128xf32, #tpu.memory_space<hbm>> -> memref<1x1x32x8x128xf32, #tpu.memory_space<hbm>>
    %dma_wait3A_85 = tpu.memref_squeeze %dma_wait3A_84 : memref<1x1x32x8x128xf32, #tpu.memory_space<hbm>> -> memref<32x8x128xf32, #tpu.memory_space<hbm>>
    %dma_wait3A_86 = arith.constant 0 : i32
    %dma_wait3A_87 = arith.constant 0 : i32
    %dma_wait3A_88 = arith.constant 0 : i32
    %dma_wait3A_89 = tpu.memref_slice %arg6[%select_n3A_73, %rem3A_75, %dma_wait3A_86, %dma_wait3A_87, %dma_wait3A_88] : memref<200x4x32x8x128xf32, #tpu.memory_space<hbm>> -> memref<1x1x32x8x128xf32, #tpu.memory_space<hbm>>
    %dma_wait3A_90 = tpu.memref_squeeze %dma_wait3A_89 : memref<1x1x32x8x128xf32, #tpu.memory_space<hbm>> -> memref<32x8x128xf32, #tpu.memory_space<hbm>>
    %dma_wait3A_91 = arith.constant 0 : i32
    %dma_wait3A_92 = arith.constant 0 : i32
    %dma_wait3A_93 = arith.constant 0 : i32
    %dma_wait3A_94 = tpu.memref_slice %arg12[%dma_wait3A, %dma_wait3A_91, %dma_wait3A_92, %dma_wait3A_93] : memref<2x32x8x128xf32, #tpu.memory_space<vmem>> -> memref<1x32x8x128xf32, #tpu.memory_space<vmem>>
    %dma_wait3A_95 = tpu.memref_squeeze %dma_wait3A_94 : memref<1x32x8x128xf32, #tpu.memory_space<vmem>> -> memref<32x8x128xf32, #tpu.memory_space<vmem>>
    tpu.wait_dma2 semaphore(%arg16 : memref<!tpu.dma_semaphore, #tpu.memory_space<semaphore_mem>>) src(%dma_wait3A_95 : memref<32x8x128xf32, #tpu.memory_space<vmem>>) dst(%dma_wait3A_90 : memref<32x8x128xf32, #tpu.memory_space<hbm>>)
    %mul3A_96 = arith.constant 25 : i32
    %mul3A_97 = arith.muli %add3A, %mul3A_96 : i32
    %add3A_98 = arith.constant 24 : i32
    %add3A_99 = arith.addi %mul3A_97, %add3A_98 : i32
    %jit3A_100 = arith.constant 4 : i32
    %div3A_101 = arith.divsi %add3A_99, %jit3A_100 : i32
    %sign3A_102 = arith.constant 0 : i32
    %sign3A_103 = arith.cmpi sgt, %add3A_99, %sign3A_102 : i32
    %sign3A_104 = arith.extui %sign3A_103 : i1 to i32
    %sign3A_105 = arith.constant 0 : i32
    %sign3A_106 = arith.cmpi slt, %add3A_99, %sign3A_105 : i32
    %sign3A_107 = arith.extui %sign3A_106 : i1 to i32
    %sign3A_108 = arith.subi %sign3A_104, %sign3A_107 : i32
    %sign3A_109 = arith.constant 0 : i32
    %sign3A_110 = arith.cmpi sgt, %jit3A_100, %sign3A_109 : i32
    %sign3A_111 = arith.extui %sign3A_110 : i1 to i32
    %sign3A_112 = arith.constant 0 : i32
    %sign3A_113 = arith.cmpi slt, %jit3A_100, %sign3A_112 : i32
    %sign3A_114 = arith.extui %sign3A_113 : i1 to i32
    %sign3A_115 = arith.subi %sign3A_111, %sign3A_114 : i32
    %ne3A_116 = arith.cmpi ne, %sign3A_108, %sign3A_115 : i32
    %rem3A_117 = arith.remsi %add3A_99, %jit3A_100 : i32
    %ne3A_118 = arith.constant 0 : i32
    %ne3A_119 = arith.cmpi ne, %rem3A_117, %ne3A_118 : i32
    %and3A_120 = arith.andi %ne3A_116, %ne3A_119 : i1
    %sub3A_121 = arith.constant 1 : i32
    %sub3A_122 = arith.subi %div3A_101, %sub3A_121 : i32
    %select_n3A_123 = arith.select %and3A_120, %sub3A_122, %div3A_101 : i32
    %rem3A_124 = arith.constant 4 : i32
    %rem3A_125 = arith.remsi %add3A_99, %rem3A_124 : i32
    %dma_wait3A_126 = arith.constant 0 : i32
    %dma_wait3A_127 = arith.constant 0 : i32
    %dma_wait3A_128 = arith.constant 0 : i32
    %dma_wait3A_129 = arith.constant 0 : i32
    %dma_wait3A_130 = tpu.memref_slice %arg12[%dma_wait3A_126, %dma_wait3A_127, %dma_wait3A_128, %dma_wait3A_129] : memref<2x32x8x128xf32, #tpu.memory_space<vmem>> -> memref<1x32x8x128xf32, #tpu.memory_space<vmem>>
    %dma_wait3A_131 = tpu.memref_squeeze %dma_wait3A_130 : memref<1x32x8x128xf32, #tpu.memory_space<vmem>> -> memref<32x8x128xf32, #tpu.memory_space<vmem>>
    %dma_wait3A_132 = arith.constant 0 : i32
    %dma_wait3A_133 = arith.constant 0 : i32
    %dma_wait3A_134 = arith.constant 0 : i32
    %dma_wait3A_135 = tpu.memref_slice %arg6[%select_n3A_123, %rem3A_125, %dma_wait3A_132, %dma_wait3A_133, %dma_wait3A_134] : memref<200x4x32x8x128xf32, #tpu.memory_space<hbm>> -> memref<1x1x32x8x128xf32, #tpu.memory_space<hbm>>
    %dma_wait3A_136 = tpu.memref_squeeze %dma_wait3A_135 : memref<1x1x32x8x128xf32, #tpu.memory_space<hbm>> -> memref<32x8x128xf32, #tpu.memory_space<hbm>>
    %dma_wait3A_137 = arith.constant 0 : i32
    %dma_wait3A_138 = arith.constant 0 : i32
    %dma_wait3A_139 = arith.constant 0 : i32
    %dma_wait3A_140 = tpu.memref_slice %arg6[%select_n3A_123, %rem3A_125, %dma_wait3A_137, %dma_wait3A_138, %dma_wait3A_139] : memref<200x4x32x8x128xf32, #tpu.memory_space<hbm>> -> memref<1x1x32x8x128xf32, #tpu.memory_space<hbm>>
    %dma_wait3A_141 = tpu.memref_squeeze %dma_wait3A_140 : memref<1x1x32x8x128xf32, #tpu.memory_space<hbm>> -> memref<32x8x128xf32, #tpu.memory_space<hbm>>
    %dma_wait3A_142 = arith.constant 0 : i32
    %dma_wait3A_143 = arith.constant 0 : i32
    %dma_wait3A_144 = arith.constant 0 : i32
    %dma_wait3A_145 = tpu.memref_slice %arg12[%dma_wait3A_126, %dma_wait3A_142, %dma_wait3A_143, %dma_wait3A_144] : memref<2x32x8x128xf32, #tpu.memory_space<vmem>> -> memref<1x32x8x128xf32, #tpu.memory_space<vmem>>
    %dma_wait3A_146 = tpu.memref_squeeze %dma_wait3A_145 : memref<1x32x8x128xf32, #tpu.memory_space<vmem>> -> memref<32x8x128xf32, #tpu.memory_space<vmem>>
    tpu.wait_dma2 semaphore(%arg15 : memref<!tpu.dma_semaphore, #tpu.memory_space<semaphore_mem>>) src(%dma_wait3A_146 : memref<32x8x128xf32, #tpu.memory_space<vmem>>) dst(%dma_wait3A_141 : memref<32x8x128xf32, #tpu.memory_space<hbm>>)
    return
  }
}

</mosaic_0001>

<sc_bundles>
// kernel: kernel.3.cloned.1.call-start
scs
__scs_entry_jumppad:
0x0: {  	(pc) =	sbr.rel $0x88, $3  }
0x1: {  	(tag) =	ssettag $0x0;
	lr =	simm.s32 $0x1  }
0x2: {  	[smem:$0x3F9D] =	sst lr;
	_ =	strace $0xD0000000  }
0x3: {  	_ = 	snop  }
0x4: {  	_ = 	snop  }
0x5: {  	_ = 	snop  }
0x6: {  	_ = 	snop  }
0x7: {  	_ = 	snop  }
__scs_overlays_trampoline_lowered:
0x8: {  	[smem:$0x3FAC] =	sst s0  }
0x9: {  	[smem:$0x3FAD] =	sst s1  }
0xa: {  	[smem:$0x3FAE] =	sst s2  }
0xb: {  	[smem:$0x3FAF] =	sst s3  }
0xc: {  	[smem:$0x3FB0] =	sst s4  }
0xd: {  	[smem:$0x3FB1] =	sst s5  }
0xe: {  	[smem:$0x3FB2] =	sst s6  }
0xf: {  	[smem:$0x3FB3] =	sst s7  }
0x10: {  	[smem:$0x3FB4] =	sst s8  }
0x11: {  	[smem:$0x3FB5] =	sst s9;
	s0 =	simm.s32 @!p0 $0x0  }
0x12: {  	s1 =	sld [smem:$0x3F9B];
	s0 =	simm.s32 @p0 $0x1  }
0x13: {  	[smem:$0x3FB6] =	sst s0;
	s0 =	simm.s32 @!p1 $0x0  }
0x14: {  	s2 =	sld [smem:$0x3F9A];
	s0 =	simm.s32 @p1 $0x1  }
0x15: {  	[smem:$0x3FB7] =	sst s0;
	s0 =	simm.s32 @!p2 $0x0  }
0x16: {  	s3 =	sld [smem:$0x3FDB];
	s0 =	simm.s32 @p2 $0x1  }
0x17: {  	s4 =	simm.s32 $0x1BF5;
	[smem:$0x3FB9] =	sst s0  }
0x18: {  	s0 =	sld [smem:$0x3F9C];
	_ =	swait.ge [sflag:s4], $0x0  }
0x19: {  	s7 =	sld [smem:$0x3F9D]  }
0x1a: {  	s8 =	sadd.s32 $0xFFFFE003, lr  }
0x1b: {  	s9 =	sadd.s32 $0xFFFFFEF7, lr;
	s5 =	simm.s32 $0xFFFFFFFF;
	p2 =	slt.u32 s8, $0xFFFFF086  }
0x1c: {  	p1 =	slt.u32 s9, $0xF7A;
	s5 =	simm.s32 @!p2 $0x0  }
0x1d: {  	s5 =	simm.s32 @p1 $0x1;
	p0 =	seq.s32 s7, s2  }
0x1e: {  	s7 =	smul.u32 @!p0 $0xF7A, s2;
	p2 =	seq.s32 @!p0 s5, $0x0  }
0x1f: {  	s9 =	smul.u32 $0xF7A, s1;
	s8 =	simm.s32 @!p0 $0x1BF5;
	p2 =	por !p2, p0  }
0x20: {  	[sflag:s8] =	ssyncset.s32 @!p0 $0xFFFFF086;
	s6 =	sadd.s32 @!p0 s3, s7;
	s7 =	simm.s32 @!p0 $0x108  }
0x21: {  	s3 =	sadd.s32 s3, s9;
	s6 =	sadd.s32 @!p0 $0x88, s6;
	s7 =	simm.s32 @p2 $0x1082  }
0x22: {  	[simem:s7], [sflag:s8] =	dma.local @!p0 [hbm:s6], $0xF7A  }
0x23: {  	s9 =	sor.u32 $0xD0000000, s2;
	s6 =	simm.s32 $0x108;
	_ =	swait.ge @!p0 [sflag:s8], $0x0  }
0x24: {  	s3 =	sadd.s32 $0x88, s3;
	s6 =	simm.s32 @!p1 $0x1082;
	[sflag:s4] =	ssyncset.s32 $0xFFFFF086  }
0x25: {  	[simem:s6], [sflag:s4] =	dma.local [hbm:s3], $0xF7A  }
0x26: {  	[smem:$0x3F9D] =	sst s1;
	(tag) =	ssettag s2;
	_ =	strace s9  }
0x27: {  	s1 =	sld [smem:$0x3FAD]  }
0x28: {  	s2 =	sld [smem:$0x3FAE]  }
0x29: {  	s4 =	sld [smem:$0x3FB0]  }
0x2a: {  	p0 =	seq.s32 s5, $0x0;
	s5 =	sld [smem:$0x3FB1]  }
0x2b: {  	s6 =	sld [smem:$0x3FB2]  }
0x2c: {  	s7 =	sld [smem:$0x3FB3]  }
0x2d: {  	s3 =	simm.s32 $0x108;
	s8 =	sld [smem:$0x3FB4]  }
0x2e: {  	s3 =	simm.s32 @!p0 $0x1082;
	s9 =	sld [smem:$0x3FB5]  }
0x2f: {  	lr =	sadd.s32 s0, s3;
	s0 =	sld [smem:$0x3FAC]  }
0x30: {  	s3 =	sld [smem:$0x3FAF]  }
0x31: {  	[smem:$0x3FB8] =	sst s10  }
0x32: {  	s10 =	sld [smem:$0x3FB6];
	_ =	sdelay $0x3  }
0x33: {  	p0 =	seq.s32 s10, $0x1;
	s10 =	sld [smem:$0x3FB8];
	_ =	sdelay $0x3  }
0x34: {  	[smem:$0x3FB8] =	sst s10  }
0x35: {  	s10 =	sld [smem:$0x3FB7];
	_ =	sdelay $0x3  }
0x36: {  	p1 =	seq.s32 s10, $0x1;
	s10 =	sld [smem:$0x3FB8];
	_ =	sdelay $0x3  }
0x37: {  	[smem:$0x3FB8] =	sst s10  }
0x38: {  	s10 =	sld [smem:$0x3FB9]  }
0x39: {  	_ = 	snop;
	(pc) =	sbr.ind lr, $3  }
0x3a: {  	_ = 	snop  }
0x3b: {  	_ = 	snop  }
0x3c: {  	p2 =	seq.s32 s10, $0x1;
	s10 =	sld [smem:$0x3FB8]  }
0x3d: {  	_ =	shalt  }
0x3e: {  	_ =	shalt  }
0x3f: {  	_ =	shalt  }
0x40: {  	_ =	shalt  }
0x41: {  	_ =	shalt  }
0x42: {  	_ =	shalt  }
0x43: {  	_ =	shalt  }
0x44: {  	_ =	shalt  }
0x45: {  	_ =	shalt  }
0x46: {  	_ =	shalt  }
0x47: {  	_ =	shalt  }
0x48: {  	_ =	shalt  }
0x49: {  	_ =	shalt  }
0x4a: {  	_ =	shalt  }
0x4b: {  	_ =	shalt  }
0x4c: {  	_ =	shalt  }
0x4d: {  	_ =	shalt  }
0x4e: {  	_ =	shalt  }
0x4f: {  	_ =	shalt  }
0x50: {  	_ =	shalt  }
0x51: {  	_ =	shalt  }
0x52: {  	_ =	shalt  }
0x53: {  	_ =	shalt  }
0x54: {  	_ =	shalt  }
0x55: {  	_ =	shalt  }
0x56: {  	_ =	shalt  }
0x57: {  	_ =	shalt  }
0x58: {  	_ =	shalt  }
0x59: {  	_ =	shalt  }
0x5a: {  	_ =	shalt  }
0x5b: {  	_ =	shalt  }
0x5c: {  	_ =	shalt  }
0x5d: {  	_ =	shalt  }
0x5e: {  	_ =	shalt  }
0x5f: {  	_ =	shalt  }
0x60: {  	_ =	shalt  }
0x61: {  	_ =	shalt  }
0x62: {  	_ =	shalt  }
0x63: {  	_ =	shalt  }
0x64: {  	_ =	shalt  }
0x65: {  	_ =	shalt  }
0x66: {  	_ =	shalt  }
0x67: {  	_ =	shalt  }
0x68: {  	_ =	shalt  }
0x69: {  	_ =	shalt  }
0x6a: {  	_ =	shalt  }
0x6b: {  	_ =	shalt  }
0x6c: {  	_ =	shalt  }
0x6d: {  	_ =	shalt  }
0x6e: {  	_ =	shalt  }
0x6f: {  	_ =	shalt  }
0x70: {  	_ =	shalt  }
0x71: {  	_ =	shalt  }
0x72: {  	_ =	shalt  }
0x73: {  	_ =	shalt  }
0x74: {  	_ =	shalt  }
0x75: {  	_ =	shalt  }
0x76: {  	_ =	shalt  }
0x77: {  	_ =	shalt  }
0x78: {  	_ =	shalt  }
0x79: {  	_ =	shalt  }
0x7a: {  	_ =	shalt  }
0x7b: {  	_ =	shalt  }
0x7c: {  	_ =	shalt  }
0x7d: {  	_ =	shalt  }
0x7e: {  	_ =	shalt  }
0x7f: {  	_ =	shalt  }
0x80: {  	_ =	shalt  }
0x81: {  	_ =	shalt  }
0x82: {  	_ =	shalt  }
0x83: {  	_ =	shalt  }
0x84: {  	_ =	shalt  }
0x85: {  	_ =	shalt  }
0x86: {  	_ =	shalt  }
0x87: {  	_ =	shalt  }
.Lfunc_end0:
.L_simem_size_0:
called_computation_lowered:
.L_overlay_start_0:
0x88: {  	s2 =	sld [smem:$0x3FD9]  }
0x89: {  	s3 =	sld [smem:$0x3FFE];
	_ =	sdelay $0x1  }
0x8a: {  	s1 =	srdreg.scid  }
0x8b: {  	s0 =	sand.u32 $0x1, s1  }
0x8c: {  	s17 =	sshll.u32 s0, $0xA;
	s2 =	sadd.s32 s3, s2  }
0x8d: {  	s2 =	sadd.s32 s2, s17  }
0x8e: {  	[smem:$0x3FC4] =	sst s2  }
0x8f: {  	_ = 	snop  }
0x90: {  	s2 =	sld [smem:$0x3FC6]  }
0x91: {  	s18 =	sld [smem:$0x3FD0];
	(tm) =	ssettm $0x1  }
0x92: {  	s4 =	sld [smem:$0x3FFB];
	_ =	sdelay $0x3  }
0x93: {  	_ =	strace s4  }
0x94: {  	s4 =	sld [smem:$0x3FFC];
	_ =	sdelay $0x3  }
0x95: {  	_ =	strace s4  }
0x96: {  	s4 =	sld [smem:$0x3FFD];
	_ =	sdelay $0x3  }
0x97: {  	_ =	strace s4  }
0x98: {  	_ =	strace $0x8FFFFFFF  }
0x99: {  	s19 =	sld [smem:$0x3FDB];
	_ =	sdelay $0x1  }
0x9a: {  	s5 =	simm.s32 $_scs_section_size  }
0x9b: {  	s6 =	simm.s32 $_size__tile_overlayer_lowered;
	s7 =	simm.s32 $_tile_overlayer_lowered  }
0x9c: {  	s22 =	simm.s32 $0x1BFF;
	s21 =	sshll.u32 s7, $0x1;
	s4 =	sadd.s32 s5, s19  }
0x9d: {  	s8 =	simm.s32 $0x0;
	s20 =	sshll.u32 s6, $0x1;
	s6 =	sadd.s32 s21, s4  }
0x9e: {  	[timem:s8], [sflag:s22] =	dma.local [hbm:s6], s20  }
0x9f: {  	_ =	swait.ge [sflag:s22], s20  }
0xa0: {  	s5 =	ssub.s32 $0x0, s20;
	[sflag:s22] =	ssyncset.done $0x0  }
0xa1: {  	[sflag:s22] =	ssyncadd.s32 s5;
	_ =	sdelay $0x1  }
0xa2: {  	s23 =	simm.s32 $0x1B8B  }
0xa3: {  	_ =	swait.ge [sflag:s23], $0x1  }
0xa4: {  	[sflag:s23] =	ssyncset.done $0x0  }
0xa5: {  	s25 =	simm.s32 $0x1B8E;
	s24 =	sld [smem:$0x3FFE];
	[sflag:s23] =	ssyncadd.s32 $0xFFFFFFFF  }
0xa6: {  	s26 =	simm.s32 $execute0_lowered;
	[smem:$0x3FD2] =	sst s25  }
0xa7: {  	s6 =	sshll.u32 s26, $0x1;
	_ =	strace $0x80000046;
	[dreg:$0x1] =	wrdreg $0xFFFFFFFF  }
0xa8: {  	s28 =	simm.s32 $_size_execute0_lowered;
	s4 =	sadd.s32 s4, s6;
	[dreg:$0x0] =	wrdreg $0x0  }
0xa9: {  	s6 =	sshll.u32 s28, $0x1;
	[dreg:$0x2] =	wrdreg s4  }
0xaa: {  	[dreg:$0x3] =	wrdreg s6  }
0xab: {  	[dreg:$0x4] =	wrdreg $0xC0  }
0xac: {  	_ =	task [dreg:s8], $0x5FFFF  }
0xad: {  	[dreg:$0x1] =	wrdreg $0xFFFFFFFF  }
0xae: {  	[dreg:$0x0] =	wrdreg $0x60  }
0xaf: {  	[dreg:$0x2] =	wrdreg s24  }
0xb0: {  	[dreg:$0x3] =	wrdreg s2  }
0xb1: {  	[dreg:$0x4] =	wrdreg s18  }
0xb2: {  	[dreg:$0x5] =	wrdreg $0x9  }
0xb3: {  	_ =	task.clear_ibuf [dreg:s8], $0x6FFFF;
	_ =	strace $0x90000046  }
0xb4: {  	s29 =	simm.s32 $0x9;
	_ =	strace $0x80000048  }
0xb5: {  	_ =	swait.ge [sflag:s29], $0x1  }
0xb6: {  	[sflag:s29] =	ssyncadd.s32 $0xFFFFFFFF  }
0xb7: {  	_ =	strace $0x90000048  }
0xb8: {  	_ =	sfence  }
0xb9: {  	s30 =	sld [smem:$0x0];
	_ =	sdelay $0x2  }
0xba: {  	s31 =	sshll.u32 s1, $0xD;
	s1 =	sshrl.u32 s1, $0x2  }
0xbb: {  	s3 =	sand.u32 $0x4000, s31;
	s1 =	sadd.s32 s1, s30  }
0xbc: {  	s0 =	sor.u32 s3, s0;
	s1 =	sshll.u32 s1, $0x11  }
0xbd: {  	s0 =	sor.u32 s1, s0  }
0xbe: {  	s0 =	sadd.s32 $0x8F2B, s0  }
0xbf: {  	[sflag:s0] =	ssyncadd.remote.s32 $0x1  }
0xc0: {  	_ =	sfence.sel $0xFFFF  }
0xc1: {  	[dreg:$0x0] =	wrdreg $0xFFFFFFFF;
	(pc) =	sbr.abs _section_cstart, $3  }
0xc2: {  	[dreg:$0x1] =	wrdreg $0xFFFFFFFF  }
0xc3: {  	_ =	task.clear_ibuf [dreg:s8], $0x2FFFF;
	_ =	strace $0x9FFFFFFF  }
0xc4: {  	(tm) =	ssettm $0x7FFFFFFF  }
0xc5: {  	_ =	shalt  }
tec
execute0_lowered:
.L_overlay_start_1:
0x0: {  	(tag) =	ssettag $0x1  }
0x1: {  	v0 =	vimm.s32 $0xFEDCBA9  }
0x2: {  	v26 =	vlaneseq.u32;
	v1 =	vimm.s32 $0x87654321;
	v2 =	vimm.s32 $0x10FEDCBA  }
0x3: {  	v3 =	vimm.s32 $0x98765432;
	v4 =	vimm.s32 $0x210FEDCB;
	v5 =	vimm.s32 $0xA9876543  }
0x4: {  	v6 =	vimm.s32 $0x3210FEDC;
	v7 =	vimm.s32 $0xBA987654;
	v11 =	vimm.s32 $0x43210FED  }
0x5: {  	v12 =	vimm.s32 $0xCBA98765;
	v49 =	vimm.s32 $0x543210FE;
	v50 =	vimm.s32 $0xDCBA9876  }
0x6: {  	v13 =	vimm.s32 $0x6543210F;
	v14 =	vimm.s32 $0xEDCBA987;
	v16 =	vimm.s32 $0xFEDCBA98  }
0x7: {  	v17 =	vimm.s32 $0x76543210;
	v0 =	vunpack.c.l.s4.s8 v0;
	v1 =	vunpack.c.l.s4.s8 v1  }
0x8: {  	v2 =	vunpack.c.l.s4.s8 v2;
	v3 =	vunpack.c.l.s4.s8 v3;
	v4 =	vunpack.c.l.s4.s8 v4  }
0x9: {  	s7 =	rddreg [dreg:$0x0];
	v5 =	vunpack.c.l.s4.s8 v5;
	v6 =	vunpack.c.l.s4.s8 v6;
	v27 =	vor.u32 $0x18, v26  }
0xa: {  	s0 =	rddreg [dreg:$0x1];
	v7 =	vunpack.c.l.s4.s8 v7;
	v45 =	vunpack.c.l.s4.s8 v11;
	v46 =	vunpack.c.l.s4.s8 v12  }
0xb: {  	s2 =	rddreg [dreg:$0x2];
	s4 =	simm.s32 $0x0;
	v11 =	vunpack.c.l.s4.s8 v49;
	v12 =	vunpack.c.l.s4.s8 v50;
	v13 =	vunpack.c.l.s4.s8 v13  }
0xc: {  	v14 =	vunpack.c.l.s4.s8 v14;
	v16 =	vunpack.c.l.s4.s8 v16;
	[smem:$0x7FF] =	sst s4;
	v60 =	vand.u32 $0x7, v26  }
0xd: {  	s1 =	rddreg [dreg:$0x3];
	v17 =	vunpack.c.l.s4.s8 v17;
	_ =	strace $0x80000047;
	v61 =	vor.u32 $0x200, v60;
	v62 =	vor.u32 $0x800, v60;
	[tilespmem:$0x1FED0] =	vst v60  }
0xe: {  	v18 =	vor.u32 $0xA00, v60;
	v63 =	vor.u32 $0xC00, v60;
	v21 =	vor.u32 $0xE00, v60;
	[tilespmem:$0x1FEE0] =	vst v27  }
0xf: {  	v0 =	vunpack.c.0.s8.s32 v0;
	v1 =	vunpack.c.0.s8.s32 v1;
	v2 =	vunpack.c.0.s8.s32 v2;
	[tilespmem:$0x1FEA0] =	vst v61  }
0x10: {  	v3 =	vunpack.c.0.s8.s32 v3;
	v4 =	vunpack.c.0.s8.s32 v4;
	v5 =	vunpack.c.0.s8.s32 v5;
	[tilespmem:$0x1FEB0] =	vst v62  }
0x11: {  	v6 =	vunpack.c.0.s8.s32 v6;
	v7 =	vunpack.c.0.s8.s32 v7;
	[tilespmem:$0x1FEC0] =	vst v63;
	v8 =	vcombine.low v1, v0  }
0x12: {  	v11 =	vunpack.c.0.s8.s32 v11;
	v12 =	vunpack.c.0.s8.s32 v12;
	[tilespmem:$0x1FFE0] =	vst v18;
	v9 =	vcombine.low v3, v2  }
0x13: {  	v13 =	vunpack.c.0.s8.s32 v13;
	[tilespmem:$0x1FFF0] =	vst v21;
	v10 =	vcombine.low v5, v4;
	v28 =	vand.u32 $0xF, v8  }
0x14: {  	v14 =	vunpack.c.0.s8.s32 v14;
	v47 =	vcombine.low v7, v6;
	v29 =	vand.u32 $0xF, v9;
	[tilespmem:$0x1FEF0] =	vst v28  }
0x15: {  	v16 =	vunpack.c.0.s8.s32 v16;
	v51 =	vcombine.low v12, v11;
	v30 =	vand.u32 $0xF, v10;
	[tilespmem:$0x1FF00] =	vst v29  }
0x16: {  	v53 =	vunpack.c.0.s8.s32 v17;
	v52 =	vcombine.low v14, v13;
	v31 =	vand.u32 $0xF, v47;
	[tilespmem:$0x1FF10] =	vst v30  }
0x17: {  	v54 =	vand.u32 $0xF, v16;
	v33 =	vand.u32 $0xF, v51;
	[tilespmem:$0x1FF20] =	vst v31  }
0x18: {  	v0 =	vcombine.low v0, v1;
	v35 =	vcombine.low v54, v53;
	v34 =	vand.u32 $0xF, v52;
	[tilespmem:$0x1FF40] =	vst v33  }
0x19: {  	v2 =	vcombine.low v2, v3;
	[tilespmem:$0x1FF50] =	vst v34  }
0x1a: {  	v55 =	vcombine.low v4, v5;
	v36 =	vand.u32 $0xF, v0;
	[tilespmem:$0x1FF60] =	vst v35  }
0x1b: {  	s5 =	srdreg.scid;
	s3 =	stileid.u32;
	s12 =	simm.s32 $0x5;
	v48 =	vunpack.c.0.s8.s32 v46;
	v56 =	vcombine.low v6, v7;
	v37 =	vand.u32 $0xF, v2;
	[tilespmem:$0x1FF70] =	vst v36  }
0x1c: {  	s13 =	simm.s32 $0x100;
	s14 =	simm.s32 $0x200;
	s15 =	simm.s32 $0x220;
	v58 =	vcombine.low v11, v12;
	v8 =	vunpack.c.0.s8.s32 v45;
	v38 =	vand.u32 $0xF, v55;
	[tilespmem:$0x1FF80] =	vst v37  }
0x1d: {  	s16 =	simm.s32 $0x4;
	s8 =	sand.u32 $0x1, s5;
	s31 =	sshll.u32 s3, $0x1;
	v59 =	vcombine.low v13, v14;
	v39 =	vand.u32 $0xF, v56;
	[tilespmem:$0x1FF90] =	vst v38  }
0x1e: {  	s17 =	simm.s32 $0x3;
	s18 =	simm.s32 $0x0;
	s9 =	sor.u32 s8, s31;
	v41 =	vand.u32 $0xF, v58;
	[tilespmem:$0x1FFA0] =	vst v39;
	v15 =	vcombine.low v48, v8  }
0x1f: {  	s5 =	sadd.s32 $0x800, s7;
	s8 =	ssub.s32 $0x2, s8;
	s10 =	smul.u32 $0xC80, s9;
	v42 =	vand.u32 $0xF, v59;
	[tilespmem:$0x1FFC0] =	vst v41;
	v57 =	vcombine.low v8, v48  }
0x20: {  	s6 =	sadd.s32 $0x400, s7;
	s7 =	sadd.s32 $0x600, s7;
	s11 =	sshrl.u32 s8, $0x1;
	[tilespmem:$0x1FFD0] =	vst v42;
	v32 =	vand.u32 $0xF, v15  }
0x21: {  	s11 =	ssub.s32 s8, s11;
	s8 =	smul.u32 $0x19, s9;
	s10 =	sand.u32 $0x1FE00, s10;
	v40 =	vand.u32 $0xF, v57;
	[tilespmem:$0x1FF30] =	vst v32  }
0x22: {  	v23 =	vor.u32 $0x600, v60;
	s9 =	sadd.s32 s5, s10;
	s10 =	smax.u32 s11, $0x1;
	s11 =	simm.s32 $0x4220;
	v59 =	vor.u32 $0x400, v60;
	[tilespmem:$0x1FFB0] =	vst v40  }
.LBB2_1:
0x23: {  	[tilespmem:s11], [sflag:$0x1] =	stream.linear.gather [hbm4b:s9+s4], $0x1000, $0x38;
	[tilespmem:$0x16220] =	vst v63  }
0x24: {  	_ = 	snop  }
0x25: {  	[tilespmem:s4], [sflag:$0x5] =	stream.linear.gather [hbm4b:s6+s4], $0x100, $0x38;
	[tilespmem:$0x16220] =	vst v63  }
0x26: {  	_ =	swait.ge [sflag:s12], $0x100  }
0x27: {  	[sflag:s12] =	ssyncset.done $0x0  }
0x28: {  	[sflag:s12] =	ssyncadd.s32 $0xFFFFFF00  }
0x29: {  	[tilespmem:s13], [sflag:$0x5] =	stream.linear.gather [hbm4b:s7+s4], $0x100, $0x38;
	[tilespmem:$0x16220] =	vst v63  }
0x2a: {  	_ =	swait.ge [sflag:s12], $0x100  }
0x2b: {  	v0 =	vor.u32 s4, v26;
	[sflag:s12] =	ssyncset.done $0x0  }
0x2c: {  	v1 =	vmov s4;
	v2 =	vand.u32 $0x1F, v0;
	v0 =	vand.u32 v27, v0;
	[sflag:s12] =	ssyncadd.s32 $0xFFFFFF00  }
0x2d: {  	v1 =	vshrl.u32 v1, $0x5;
	v3 =	vshll.u32 v2, $0x3;
	[tilespmem:s14], [sflag:$0x5] =	stream.linear.gather [hbm4b:s0+s4], $0x20, $0x38;
	[tilespmem:$0x16220] =	vst v63  }
0x2e: {  	v4 =	vshll.u32 v1, $0x3;
	_ =	swait.ge [sflag:s12], $0x20  }
0x2f: {  	v5 =	vor.u32 $0x1, v4;
	[sflag:s12] =	ssyncset.done $0x0  }
0x30: {  	v6 =	vor.u32 $0x1, v3;
	[sflag:s12] =	ssyncadd.s32 $0xFFFFFFE0  }
0x31: {  	v7 =	vor.u32 $0x2, v4;
	v0 =	vld.idx.msk [tilespmem:v0+s14+$0x0], $0xffff  }
0x32: {  	v8 =	vor.u32 $0x2, v3;
	v9 =	vld.idx.msk [tilespmem:v3+s13+$0x0], $0xffff  }
0x33: {  	v10 =	vor.u32 $0x3, v4;
	v11 =	vld.idx.msk [tilespmem:v4+s4+$0x0], $0xffff  }
0x34: {  	v12 =	vor.u32 $0x3, v3;
	v5 =	vld.idx.msk [tilespmem:v5+s4+$0x0], $0xffff  }
0x35: {  	v13 =	vor.u32 $0x4, v4;
	v6 =	vld.idx.msk [tilespmem:v6+s13+$0x0], $0xffff  }
0x36: {  	v14 =	vor.u32 $0x4, v3;
	v7 =	vld.idx.msk [tilespmem:v7+s4+$0x0], $0xffff  }
0x37: {  	v16 =	vor.u32 $0x5, v4;
	v8 =	vld.idx.msk [tilespmem:v8+s13+$0x0], $0xffff  }
0x38: {  	v17 =	vor.u32 $0x5, v3;
	v10 =	vld.idx.msk [tilespmem:v10+s4+$0x0], $0xffff;
	v9 =	vmul.f32 v9, v11  }
0x39: {  	v60 =	vor.u32 $0x6, v4;
	v11 =	vld.idx.msk [tilespmem:v12+s13+$0x0], $0xffff  }
0x3a: {  	v25 =	vor.u32 $0x6, v3;
	v13 =	vld.idx.msk [tilespmem:v13+s4+$0x0], $0xffff;
	v5 =	vmul.f32 v6, v5;
	v0 =	vadd.f32 v9, v0  }
0x3b: {  	v3 =	vor.u32 $0x7, v3;
	v6 =	vld.idx.msk [tilespmem:v14+s13+$0x0], $0xffff  }
0x3c: {  	v4 =	vor.u32 $0x7, v4;
	v7 =	vmul.f32 v8, v7;
	v9 =	vld.idx.msk [tilespmem:v16+s4+$0x0], $0xffff;
	v0 =	vadd.f32 v5, v0  }
0x3d: {  	v5 =	vld.idx.msk [tilespmem:v17+s13+$0x0], $0xffff  }
0x3e: {  	v8 =	vmul.f32 v11, v10;
	v10 =	vld.idx.msk [tilespmem:v60+s4+$0x0], $0xffff;
	v0 =	vadd.f32 v7, v0  }
0x3f: {  	v7 =	vld.idx.msk [tilespmem:v25+s13+$0x0], $0xffff  }
0x40: {  	v3 =	vld.idx.msk [tilespmem:v3+s13+$0x0], $0xffff;
	v6 =	vmul.f32 v6, v13;
	v0 =	vadd.f32 v8, v0  }
0x41: {  	v4 =	vld.idx.msk [tilespmem:v4+s4+$0x0], $0xffff  }
0x42: {  	v5 =	vmul.f32 v5, v9;
	v0 =	vadd.f32 v6, v0  }
0x43: {  	v2 =	vshll.u32 v2, $0x9;
	v1 =	vshll.u32 v1, $0x4  }
0x44: {  	v1 =	vadd.s32 v1, v2;
	v2 =	vmul.f32 v7, v10;
	v0 =	vadd.f32 v5, v0  }
0x45: {  	v5 =	vor.u32 v26, v1  }
0x46: {  	v0 =	vadd.f32 v2, v0;
	v2 =	vmul.f32 v3, v4;
	v3 =	vor.u32 v28, v1  }
0x47: {  	v4 =	vor.u32 v29, v1  }
0x48: {  	v2 =	vadd.f32 v2, v0;
	v0 =	vor.u32 v30, v1  }
0x49: {  	v6 =	vor.u32 v31, v1  }
0x4a: {  	[tilespmem:v5+s15+$0x0] =	vst.idx.msk $0xffff, v2;
	v5 =	vor.u32 v32, v1  }
0x4b: {  	[tilespmem:v3+s15+$0x0] =	vst.idx.msk $0xffff, v2;
	v3 =	vor.u32 v33, v1  }
0x4c: {  	[tilespmem:v4+s15+$0x0] =	vst.idx.msk $0xffff, v2;
	v4 =	vor.u32 v34, v1  }
0x4d: {  	v61 =	vor.u32 v35, v1;
	[tilespmem:v0+s15+$0x0] =	vst.idx.msk $0xffff, v2  }
0x4e: {  	v62 =	vor.u32 v36, v1;
	v11 =	vor.u32 v39, v1;
	[tilespmem:v6+s15+$0x0] =	vst.idx.msk $0xffff, v2  }
0x4f: {  	v9 =	vor.u32 v37, v1;
	v10 =	vor.u32 v38, v1;
	[tilespmem:v5+s15+$0x0] =	vst.idx.msk $0xffff, v2  }
0x50: {  	s19 =	simm.s32 $0x10;
	v7 =	vor.u32 v40, v1;
	v0 =	vor.u32 v42, v1;
	[tilespmem:v3+s15+$0x0] =	vst.idx.msk $0xffff, v2  }
0x51: {  	v6 =	vor.u32 v41, v1;
	v5 =	vor.u32 s19, v26;
	v3 =	vmov s19;
	[tilespmem:v4+s15+$0x0] =	vst.idx.msk $0xffff, v2  }
0x52: {  	v63 =	vand.u32 $0x1F, v5;
	v8 =	vand.u32 v27, v5;
	v4 =	vshrl.u32 v3, $0x5;
	[tilespmem:v61+s15+$0x0] =	vst.idx.msk $0xffff, v2  }
0x53: {  	s19 =	simm.s32 $0x20;
	v3 =	vshll.u32 v63, $0x3;
	v5 =	vshll.u32 v63, $0x9;
	v1 =	vshll.u32 v4, $0x3;
	[tilespmem:v62+s15+$0x0] =	vst.idx.msk $0xffff, v2  }
.LBB2_2:
0x54: {  	p0 =	sne.s32 s19, $0x3F0;
	v4 =	vshll.u32 v4, $0x4;
	[tilespmem:v9+s15+$0x0] =	vst.idx.msk $0xffff, v2;
	s20 =	smov.u32 s19;
	s19 =	sadd.s32 $0x10, s19  }
0x55: {  	v9 =	vor.u32 $0x1, v1;
	v12 =	vor.u32 $0x1, v3;
	v4 =	vadd.s32 v4, v5;
	[tilespmem:v10+s15+$0x0] =	vst.idx.msk $0xffff, v2  }
0x56: {  	v5 =	vor.u32 v42, v4;
	[tilespmem:v11+s15+$0x0] =	vst.idx.msk $0xffff, v2  }
0x57: {  	[tilespmem:v7+s15+$0x0] =	vst.idx.msk $0xffff, v2  }
0x58: {  	v10 =	vor.u32 $0x2, v3;
	v7 =	vor.u32 $0x2, v1;
	[tilespmem:v6+s15+$0x0] =	vst.idx.msk $0xffff, v2  }
0x59: {  	[tilespmem:v0+s15+$0x0] =	vst.idx.msk $0xffff, v2;
	v0 =	vmov v5  }
0x5a: {  	v6 =	vor.u32 $0x3, v3;
	v5 =	vor.u32 $0x3, v1;
	v2 =	vld.idx.msk [tilespmem:v8+s14+$0x0], $0xffff  }
0x5b: {  	s21 =	simm.s32 $0x0;
	v8 =	vld.idx.msk [tilespmem:v3+s13+$0x0], $0xffff  }
0x5c: {  	v9 =	vld.idx.msk [tilespmem:v9+s21+$0x0], $0xffff  }
0x5d: {  	v13 =	vor.u32 $0x4, v1;
	v14 =	vor.u32 $0x4, v3;
	v11 =	vld.idx.msk [tilespmem:v1+s21+$0x0], $0xffff  }
0x5e: {  	v12 =	vld.idx.msk [tilespmem:v12+s13+$0x0], $0xffff  }
0x5f: {  	v7 =	vld.idx.msk [tilespmem:v7+s21+$0x0], $0xffff  }
0x60: {  	v16 =	vor.u32 $0x5, v1;
	v17 =	vor.u32 $0x5, v3;
	v10 =	vld.idx.msk [tilespmem:v10+s13+$0x0], $0xffff  }
0x61: {  	v5 =	vld.idx.msk [tilespmem:v5+s21+$0x0], $0xffff  }
0x62: {  	v6 =	vld.idx.msk [tilespmem:v6+s13+$0x0], $0xffff  }
0x63: {  	v25 =	vor.u32 $0x6, v3;
	v8 =	vmul.f32 v8, v11;
	v11 =	vld.idx.msk [tilespmem:v13+s21+$0x0], $0xffff;
	v13 =	vor.u32 $0x6, v1  }
0x64: {  	v14 =	vld.idx.msk [tilespmem:v14+s13+$0x0], $0xffff  }
0x65: {  	v3 =	vor.u32 $0x7, v3;
	v2 =	vadd.f32 v8, v2;
	v8 =	vmul.f32 v12, v9;
	v9 =	vld.idx.msk [tilespmem:v16+s21+$0x0], $0xffff  }
0x66: {  	v1 =	vor.u32 $0x7, v1;
	v7 =	vmul.f32 v10, v7;
	v10 =	vld.idx.msk [tilespmem:v17+s13+$0x0], $0xffff  }
0x67: {  	v2 =	vadd.f32 v8, v2  }
0x68: {  	v5 =	vmul.f32 v6, v5;
	v6 =	vld.idx.msk [tilespmem:v13+s21+$0x0], $0xffff  }
0x69: {  	v2 =	vadd.f32 v7, v2;
	v7 =	vld.idx.msk [tilespmem:v25+s13+$0x0], $0xffff  }
0x6a: {  	v8 =	vmul.f32 v14, v11;
	v3 =	vld.idx.msk [tilespmem:v3+s13+$0x0], $0xffff  }
0x6b: {  	v2 =	vadd.f32 v5, v2;
	v1 =	vld.idx.msk [tilespmem:v1+s21+$0x0], $0xffff  }
0x6c: {  	v5 =	vmul.f32 v10, v9  }
0x6d: {  	v2 =	vadd.f32 v8, v2;
	_ =	sdelay $0x1  }
0x6e: {  	v2 =	vadd.f32 v5, v2;
	v5 =	vmul.f32 v7, v6  }
0x6f: {  	v6 =	vor.u32 v26, v4  }
0x70: {  	v2 =	vadd.f32 v5, v2;
	v1 =	vmul.f32 v3, v1;
	v3 =	vor.u32 v28, v4  }
0x71: {  	v5 =	vor.u32 v29, v4  }
0x72: {  	v2 =	vadd.f32 v1, v2;
	v1 =	vor.u32 v30, v4  }
0x73: {  	v7 =	vor.u32 v31, v4  }
0x74: {  	[tilespmem:v6+s15+$0x0] =	vst.idx.msk $0xffff, v2;
	v6 =	vor.u32 v32, v4  }
0x75: {  	[tilespmem:v3+s15+$0x0] =	vst.idx.msk $0xffff, v2;
	v3 =	vor.u32 v33, v4  }
0x76: {  	[tilespmem:v5+s15+$0x0] =	vst.idx.msk $0xffff, v2;
	v5 =	vor.u32 v34, v4  }
0x77: {  	[tilespmem:v1+s15+$0x0] =	vst.idx.msk $0xffff, v2;
	v1 =	vor.u32 v35, v4  }
0x78: {  	v12 =	vor.u32 v36, v4;
	[tilespmem:v7+s15+$0x0] =	vst.idx.msk $0xffff, v2  }
.Ltmp0:
0x79: {  	v9 =	vor.u32 v37, v4;
	[tilespmem:v6+s15+$0x0] =	vst.idx.msk $0xffff, v2;
	v6 =	vor.u32 v41, v4;
	(pc) =	sbr.rel @p0 .LBB2_2-.Ltmp0, $4  }
0x7a: {  	v10 =	vor.u32 v38, v4;
	v7 =	vor.u32 v40, v4;
	[tilespmem:v3+s15+$0x0] =	vst.idx.msk $0xffff, v2  }
0x7b: {  	v11 =	vor.u32 v39, v4;
	v8 =	vor.u32 s20, v26;
	v3 =	vmov s20;
	[tilespmem:v5+s15+$0x0] =	vst.idx.msk $0xffff, v2  }
0x7c: {  	v4 =	vshrl.u32 v3, $0x5;
	v5 =	vand.u32 $0x1F, v8;
	v8 =	vand.u32 v27, v8;
	[tilespmem:v1+s15+$0x0] =	vst.idx.msk $0xffff, v2  }
0x7d: {  	v1 =	vshll.u32 v4, $0x3;
	v3 =	vshll.u32 v5, $0x3;
	v5 =	vshll.u32 v5, $0x9;
	[tilespmem:v12+s15+$0x0] =	vst.idx.msk $0xffff, v2  }
0x7e: {  	_ =	sdelay $0x3  }
0x7f: {  	[tilespmem:v9+s15+$0x0] =	vst.idx.msk $0xffff, v2  }
0x80: {  	[tilespmem:v10+s15+$0x0] =	vst.idx.msk $0xffff, v2  }
0x81: {  	[tilespmem:v11+s15+$0x0] =	vst.idx.msk $0xffff, v2  }
0x82: {  	[tilespmem:v7+s15+$0x0] =	vst.idx.msk $0xffff, v2  }
0x83: {  	v56 =	vor.u32 $0x1, v1;
	[tilespmem:v6+s15+$0x0] =	vst.idx.msk $0xffff, v2  }
0x84: {  	v57 =	vor.u32 $0x1, v3;
	[tilespmem:v0+s15+$0x0] =	vst.idx.msk $0xffff, v2  }
0x85: {  	v58 =	vor.u32 $0x2, v1;
	v2 =	vld.idx.msk [tilespmem:v8+s14+$0x0], $0xffff  }
0x86: {  	v60 =	vor.u32 $0x2, v3;
	v9 =	vld.idx.msk [tilespmem:v3+s13+$0x0], $0xffff  }
0x87: {  	v61 =	vor.u32 $0x3, v1;
	v11 =	vld.idx.msk [tilespmem:v1+s21+$0x0], $0xffff  }
0x88: {  	v12 =	vor.u32 $0x3, v3;
	v7 =	vld.idx.msk [tilespmem:v56+s21+$0x0], $0xffff  }
0x89: {  	v13 =	vor.u32 $0x4, v1;
	v6 =	vld.idx.msk [tilespmem:v57+s13+$0x0], $0xffff  }
0x8a: {  	v14 =	vor.u32 $0x4, v3;
	v0 =	vld.idx.msk [tilespmem:v58+s21+$0x0], $0xffff  }
0x8b: {  	v16 =	vor.u32 $0x5, v1;
	v8 =	vld.idx.msk [tilespmem:v60+s13+$0x0], $0xffff  }
0x8c: {  	v17 =	vor.u32 $0x5, v3;
	v10 =	vld.idx.msk [tilespmem:v61+s21+$0x0], $0xffff;
	v9 =	vmul.f32 v9, v11  }
0x8d: {  	v63 =	vor.u32 $0x6, v1;
	v62 =	vld.idx.msk [tilespmem:v12+s13+$0x0], $0xffff  }
0x8e: {  	v25 =	vor.u32 $0x6, v3;
	v13 =	vld.idx.msk [tilespmem:v13+s21+$0x0], $0xffff;
	v6 =	vmul.f32 v6, v7;
	v2 =	vadd.f32 v9, v2  }
0x8f: {  	v15 =	vor.u32 $0x7, v3;
	v14 =	vld.idx.msk [tilespmem:v14+s13+$0x0], $0xffff  }
0x90: {  	v44 =	vor.u32 $0x7, v1;
	v43 =	vld.idx.msk [tilespmem:v16+s21+$0x0], $0xffff;
	v0 =	vmul.f32 v8, v0;
	v2 =	vadd.f32 v6, v2  }
0x91: {  	v45 =	vld.idx.msk [tilespmem:v17+s13+$0x0], $0xffff  }
0x92: {  	v47 =	vld.idx.msk [tilespmem:v63+s21+$0x0], $0xffff;
	v46 =	vmul.f32 v62, v10;
	v0 =	vadd.f32 v0, v2  }
0x93: {  	v48 =	vld.idx.msk [tilespmem:v25+s13+$0x0], $0xffff  }
0x94: {  	v3 =	vld.idx.msk [tilespmem:v15+s13+$0x0], $0xffff;
	v7 =	vmul.f32 v14, v13;
	v0 =	vadd.f32 v46, v0  }
0x95: {  	v1 =	vld.idx.msk [tilespmem:v44+s21+$0x0], $0xffff  }
0x96: {  	v6 =	vmul.f32 v45, v43;
	v0 =	vadd.f32 v7, v0  }
0x97: {  	v4 =	vshll.u32 v4, $0x4  }
0x98: {  	v4 =	vadd.s32 v4, v5;
	v2 =	vmul.f32 v48, v47;
	v0 =	vadd.f32 v6, v0  }
0x99: {  	v5 =	vor.u32 v26, v4  }
0x9a: {  	v49 =	vor.u32 v28, v4;
	v1 =	vmul.f32 v3, v1;
	v0 =	vadd.f32 v2, v0  }
0x9b: {  	v50 =	vor.u32 v29, v4  }
0x9c: {  	v51 =	vor.u32 v30, v4;
	v0 =	vadd.f32 v1, v0  }
0x9d: {  	v52 =	vor.u32 v31, v4  }
0x9e: {  	v53 =	vor.u32 v32, v4;
	[tilespmem:v5+s15+$0x0] =	vst.idx.msk $0xffff, v0  }
0x9f: {  	v54 =	vor.u32 v33, v4;
	[tilespmem:v49+s15+$0x0] =	vst.idx.msk $0xffff, v0  }
0xa0: {  	v55 =	vor.u32 v34, v4;
	[tilespmem:v50+s15+$0x0] =	vst.idx.msk $0xffff, v0  }
0xa1: {  	v56 =	vor.u32 v35, v4;
	[tilespmem:v51+s15+$0x0] =	vst.idx.msk $0xffff, v0  }
0xa2: {  	v57 =	vor.u32 v36, v4;
	[tilespmem:v52+s15+$0x0] =	vst.idx.msk $0xffff, v0  }
0xa3: {  	v58 =	vor.u32 v37, v4;
	[tilespmem:v53+s15+$0x0] =	vst.idx.msk $0xffff, v0  }
0xa4: {  	v60 =	vor.u32 v38, v4;
	[tilespmem:v54+s15+$0x0] =	vst.idx.msk $0xffff, v0  }
0xa5: {  	v61 =	vor.u32 v39, v4;
	[tilespmem:v55+s15+$0x0] =	vst.idx.msk $0xffff, v0  }
0xa6: {  	v62 =	vor.u32 v40, v4;
	[tilespmem:v56+s15+$0x0] =	vst.idx.msk $0xffff, v0  }
0xa7: {  	v63 =	vor.u32 v41, v4;
	[tilespmem:v57+s15+$0x0] =	vst.idx.msk $0xffff, v0  }
0xa8: {  	v4 =	vor.u32 v42, v4;
	[tilespmem:v58+s15+$0x0] =	vst.idx.msk $0xffff, v0  }
0xa9: {  	[tilespmem:v60+s15+$0x0] =	vst.idx.msk $0xffff, v0  }
0xaa: {  	[tilespmem:v61+s15+$0x0] =	vst.idx.msk $0xffff, v0  }
0xab: {  	[tilespmem:v62+s15+$0x0] =	vst.idx.msk $0xffff, v0  }
0xac: {  	[tilespmem:v63+s15+$0x0] =	vst.idx.msk $0xffff, v0  }
0xad: {  	p0 =	por $0x0, $0x0;
	[tilespmem:v4+s15+$0x0] =	vst.idx.msk $0xffff, v0  }
.LBB2_4:
0xae: {  	s20 =	sand.u32 $0x1, s21;
	p2 =	seq.s32 s21, $0x18  }
.Ltmp1:
0xaf: {  	s19 =	simm.s32 $0x1;
	p1 =	seq.s32 s20, $0x0;
	(pc) =	sbr.rel @p2 .LBB2_7-.Ltmp1, $4  }
0xb0: {  	s19 =	simm.s32 @!p1 $0x2  }
0xb1: {  	_ =	swait.ge [sflag:s19], $0x1000  }
0xb2: {  	[sflag:s19] =	ssyncset.done $0x0  }
0xb3: {  	v25 =	vmov v18;
	s22 =	simm.s32 $0x3;
	v57 =	vld [tilespmem:$0x1FEB0];
	[sflag:s19] =	ssyncadd.s32 $0xFFFFF000;
	s19 =	sadd.s32 $0x1, s21  }
0xb4: {  	s22 =	sadd.s32 s8, s19  }
0xb5: {  	p2 =	slt.u32 s21, $0x2;
	s22 =	sshll.u32 s22, $0x7  }
.Ltmp2:
0xb6: {  	s22 =	sand.u32 $0x1FFFFE00, s22;
	(pc) =	sbr.rel @p2 .LBB2_8-.Ltmp2, $4  }
0xb7: {  	s23 =	simm.s32 @p1 $0x0;
	s24 =	simm.s32 @p1 $0x5220;
	s22 =	sadd.s32 s5, s22  }
0xb8: {  	[tilespmem:s24], [sflag:$0x2] =	stream.linear.gather @p1 [hbm4b:s22+s23], $0x1000, $0x38;
	[tilespmem:$0x16220] =	vst v63  }
0xb9: {  	s23 =	simm.s32 @!p1 $0x0;
	s24 =	simm.s32 @!p1 $0x4220  }
0xba: {  	[tilespmem:s24], [sflag:$0x1] =	stream.linear.gather @!p1 [hbm4b:s22+s23], $0x1000, $0x38;
	[tilespmem:$0x16220] =	vst v63  }
0xbb: {  	s22 =	simm.s32 $0x3  }
0xbc: {  	s22 =	simm.s32 @!p1 $0x4  }
.LBB2_7:
0xbd: {  	_ =	swait.ge [sflag:s22], $0x8000  }
0xbe: {  	[sflag:s22] =	ssyncset.done $0x0  }
0xbf: {  	[sflag:s22] =	ssyncadd.s32 $0xFFFF8000  }
.LBB2_8:
0xc0: {  	s22 =	simm.s32 $0x1  }
0xc1: {  	s22 =	simm.s32 @!p0 $0x0  }
0xc2: {  	s23 =	sshll.u32 s22, $0xC  }
0xc3: {  	s23 =	sor.u32 $0x4260, s23  }
0xc4: {  	v28 =	vmov s23;
	_ =	sdelay $0x3  }
0xc5: {  	s26 =	simm.s32 $0x0  }
0xc6: {  	v0 =	vld.idx.msk [tilespmem:v28+s26+$0xFFFFFFC0 ss:$0x1], $0xffff;
	_ =	sdelay $0x1  }
0xc7: {  	s21 =	sadd.s32 s8, s21  }
0xc8: {  	v18 =	vld [tilespmem:$0x1FED0];
	s21 =	sshll.u32 s21, $0xC  }
0xc9: {  	s24 =	sand.u32 $0x3000, s21  }
0xca: {  	v29 =	vor.u32 s24, v26;
	v0 =	vshll.u32 v0, $0x4  }
0xcb: {  	v1 =	vld.idx.msk [tilespmem:v28+s26+$0xFFFFFFD0 ss:$0x1], $0xffff;
	v0 =	vadd.s32 v0, v29  }
0xcc: {  	v4 =	vand.u32 $0xFFFFFFF8, v0  }
0xcd: {  	v0 =	vor.u32 v18, v4;
	_ =	sdelay $0x2  }
0xce: {  	v1 =	vshll.u32 v1, $0x4  }
0xcf: {  	v3 =	vld.idx.msk [tilespmem:v28+s26+$0xFFFFFFE0 ss:$0x1], $0xffff;
	v1 =	vadd.s32 v1, v29  }
0xd0: {  	v17 =	vand.u32 $0xFFFFFFF8, v1;
	v5 =	vld.idx.msk [tilespmem:v0+s15+$0x0], $0xffff  }
0xd1: {  	v2 =	vld.idx.msk [tilespmem:v28+s26+$0xFFFFFFF0 ss:$0x1], $0xffff;
	v6 =	vor.u32 v18, v17  }
0xd2: {  	v1 =	vld.idx.msk [tilespmem:v28+s26+$0x0 ss:$0x1], $0xffff  }
0xd3: {  	s22 =	sshll.u32 s22, $0xF;
	v7 =	vld.idx.msk [tilespmem:v28+s26+$0x10 ss:$0x1], $0xffff  }
0xd4: {  	s24 =	sor.u32 $0x6420, s22;
	v3 =	vshll.u32 v3, $0x4;
	v8 =	vld.idx.msk [tilespmem:v28+s26+$0x20 ss:$0x1], $0xffff  }
0xd5: {  	v3 =	vadd.s32 v3, v29;
	v9 =	vld.idx.msk [tilespmem:v28+s26+$0x30 ss:$0x1], $0xffff;
	[tilespmem:s24+$0xFFFFFE00] =	vst v5  }
0xd6: {  	v16 =	vand.u32 $0xFFFFFFF8, v3;
	v6 =	vld.idx.msk [tilespmem:v6+s15+$0x0], $0xffff  }
0xd7: {  	v3 =	vor.u32 v18, v16;
	_ =	sdelay $0x2  }
0xd8: {  	v2 =	vshll.u32 v2, $0x4  }
0xd9: {  	v2 =	vadd.s32 v2, v29;
	[tilespmem:s24+$0xFFFFFE10] =	vst v6  }
0xda: {  	v14 =	vand.u32 $0xFFFFFFF8, v2;
	v3 =	vld.idx.msk [tilespmem:v3+s15+$0x0], $0xffff  }
0xdb: {  	v2 =	vor.u32 v18, v14;
	_ =	sdelay $0x2  }
0xdc: {  	v1 =	vshll.u32 v1, $0x4  }
0xdd: {  	v1 =	vadd.s32 v1, v29;
	[tilespmem:s24+$0xFFFFFE20] =	vst v3  }
0xde: {  	v0 =	vand.u32 $0xFFFFFFF8, v1;
	v2 =	vld.idx.msk [tilespmem:v2+s15+$0x0], $0xffff  }
0xdf: {  	v1 =	vor.u32 v18, v0;
	_ =	sdelay $0x2  }
0xe0: {  	v3 =	vshll.u32 v7, $0x4  }
0xe1: {  	[tilespmem:s24+$0xFFFFFE30] =	vst v2;
	v2 =	vadd.s32 v3, v29  }
0xe2: {  	v1 =	vld.idx.msk [tilespmem:v1+s15+$0x0], $0xffff;
	v43 =	vand.u32 $0xFFFFFFF8, v2  }
0xe3: {  	v2 =	vor.u32 v18, v43;
	_ =	sdelay $0x2  }
0xe4: {  	v3 =	vshll.u32 v8, $0x4  }
0xe5: {  	[tilespmem:s24+$0xFFFFFE40] =	vst v1;
	v1 =	vadd.s32 v3, v29  }
0xe6: {  	v2 =	vld.idx.msk [tilespmem:v2+s15+$0x0], $0xffff;
	v37 =	vand.u32 $0xFFFFFFF8, v1  }
0xe7: {  	v1 =	vor.u32 v18, v37;
	_ =	sdelay $0x3  }
0xe8: {  	[tilespmem:s24+$0xFFFFFE50] =	vst v2  }
0xe9: {  	v1 =	vld.idx.msk [tilespmem:v1+s15+$0x0], $0xffff;
	_ =	sdelay $0x1  }
0xea: {  	v3 =	vshll.u32 v9, $0x4  }
0xeb: {  	v2 =	vadd.s32 v3, v29  }
0xec: {  	v56 =	vand.u32 $0xFFFFFFF8, v2  }
0xed: {  	v2 =	vor.u32 v18, v56;
	[tilespmem:s24+$0xFFFFFE60] =	vst v1  }
0xee: {  	v19 =	vld [tilespmem:$0x1FEA0];
	_ =	sdelay $0x3  }
0xef: {  	v1 =	vld.idx.msk [tilespmem:v2+s15+$0x0], $0xffff  }
0xf0: {  	v2 =	vadd.s32 v19, v4;
	_ =	sdelay $0x3  }
0xf1: {  	[tilespmem:s24+$0xFFFFFE70] =	vst v1  }
0xf2: {  	s25 =	simm.s32 $0x80;
	v1 =	vld.idx.msk [tilespmem:v2+s15+$0x0], $0xffff  }
0xf3: {  	v3 =	vadd.s32 v19, v17;
	v2 =	vld.idx.msk [tilespmem:v28+s25+$0xFFFFFFC0 ss:$0x1], $0xffff;
	_ =	sdelay $0x3  }
0xf4: {  	[tilespmem:s24+$0xFFFFFE80] =	vst v1  }
0xf5: {  	v2 =	vshll.u32 v2, $0x4;
	v1 =	vld.idx.msk [tilespmem:v3+s15+$0x0], $0xffff  }
0xf6: {  	v2 =	vadd.s32 v2, v29;
	v3 =	vld.idx.msk [tilespmem:v28+s25+$0xFFFFFFD0 ss:$0x1], $0xffff  }
0xf7: {  	v6 =	vadd.s32 v19, v16;
	v36 =	vand.u32 $0xFFFFFFF8, v2  }
0xf8: {  	v2 =	vor.u32 v18, v36;
	_ =	sdelay $0x1  }
0xf9: {  	v10 =	vld.idx.msk [tilespmem:v28+s25+$0x10 ss:$0x1], $0xffff  }
0xfa: {  	v8 =	vld.idx.msk [tilespmem:v28+s25+$0xFFFFFFE0 ss:$0x1], $0xffff;
	[tilespmem:s24+$0xFFFFFE90] =	vst v1;
	v1 =	vshll.u32 v3, $0x4  }
0xfb: {  	v3 =	vld.idx.msk [tilespmem:v6+s15+$0x0], $0xffff;
	v1 =	vadd.s32 v1, v29  }
0xfc: {  	v6 =	vadd.s32 v19, v14;
	v2 =	vld.idx.msk [tilespmem:v2+s15+$0x0], $0xffff;
	v13 =	vand.u32 $0xFFFFFFF8, v1  }
0xfd: {  	v11 =	vld.idx.msk [tilespmem:v28+s25+$0x20 ss:$0x1], $0xffff;
	v9 =	vor.u32 v18, v13  }
0xfe: {  	v12 =	vld.idx.msk [tilespmem:v28+s25+$0x30 ss:$0x1], $0xffff  }
0xff: {  	v7 =	vld.idx.msk [tilespmem:v28+s25+$0xFFFFFFF0 ss:$0x1], $0xffff  }
0x100: {  	s22 =	sadd.s32 $0x400, s24;
	v1 =	vld.idx.msk [tilespmem:v28+s25+$0x0 ss:$0x1], $0xffff;
	[tilespmem:s24+$0xFFFFFEA0] =	vst v3;
	v3 =	vshll.u32 v8, $0x4  }
0x101: {  	v6 =	vld.idx.msk [tilespmem:v6+s15+$0x0], $0xffff;
	[tilespmem:s22+$0xFFFFFE00] =	vst v2;
	v2 =	vadd.s32 v3, v29  }
0x102: {  	v8 =	vadd.s32 v19, v0;
	v3 =	vld.idx.msk [tilespmem:v9+s15+$0x0], $0xffff;
	v5 =	vand.u32 $0xFFFFFFF8, v2  }
0x103: {  	v2 =	vor.u32 v18, v5;
	_ =	sdelay $0x2  }
0x104: {  	[tilespmem:s24+$0xFFFFFEB0] =	vst v6;
	v6 =	vshll.u32 v7, $0x4  }
0x105: {  	v7 =	vld.idx.msk [tilespmem:v8+s15+$0x0], $0xffff;
	[tilespmem:s22+$0xFFFFFE10] =	vst v3;
	v3 =	vadd.s32 v6, v29  }
0x106: {  	v6 =	vadd.s32 v19, v43;
	v2 =	vld.idx.msk [tilespmem:v2+s15+$0x0], $0xffff;
	v24 =	vand.u32 $0xFFFFFFF8, v3  }
0x107: {  	v3 =	vor.u32 v18, v24;
	_ =	sdelay $0x2  }
0x108: {  	v1 =	vshll.u32 v1, $0x4;
	[tilespmem:s24+$0xFFFFFEC0] =	vst v7  }
0x109: {  	v1 =	vadd.s32 v1, v29;
	v6 =	vld.idx.msk [tilespmem:v6+s15+$0x0], $0xffff;
	[tilespmem:s22+$0xFFFFFE20] =	vst v2  }
0x10a: {  	v20 =	vand.u32 $0xFFFFFFF8, v1;
	v2 =	vld.idx.msk [tilespmem:v3+s15+$0x0], $0xffff;
	v3 =	vadd.s32 v19, v37  }
0x10b: {  	v1 =	vor.u32 v18, v20;
	_ =	sdelay $0x2  }
0x10c: {  	[tilespmem:s24+$0xFFFFFED0] =	vst v6;
	v6 =	vshll.u32 v10, $0x4  }
0x10d: {  	v3 =	vld.idx.msk [tilespmem:v3+s15+$0x0], $0xffff;
	[tilespmem:s22+$0xFFFFFE30] =	vst v2;
	v2 =	vadd.s32 v6, v29  }
0x10e: {  	v6 =	vadd.s32 v19, v56;
	v1 =	vld.idx.msk [tilespmem:v1+s15+$0x0], $0xffff;
	v32 =	vand.u32 $0xFFFFFFF8, v2  }
0x10f: {  	v2 =	vor.u32 v18, v32;
	_ =	sdelay $0x2  }
0x110: {  	[tilespmem:s24+$0xFFFFFEE0] =	vst v3;
	v3 =	vshll.u32 v11, $0x4  }
0x111: {  	v6 =	vld.idx.msk [tilespmem:v6+s15+$0x0], $0xffff;
	[tilespmem:s22+$0xFFFFFE40] =	vst v1;
	v1 =	vadd.s32 v3, v29  }
0x112: {  	v3 =	vadd.s32 v59, v4;
	v2 =	vld.idx.msk [tilespmem:v2+s15+$0x0], $0xffff;
	v35 =	vand.u32 $0xFFFFFFF8, v1  }
0x113: {  	v1 =	vor.u32 v18, v35;
	_ =	sdelay $0x2  }
0x114: {  	[tilespmem:s24+$0xFFFFFEF0] =	vst v6;
	v6 =	vshll.u32 v12, $0x4  }
0x115: {  	v3 =	vld.idx.msk [tilespmem:v3+s15+$0x0], $0xffff;
	[tilespmem:s22+$0xFFFFFE50] =	vst v2;
	v2 =	vadd.s32 v6, v29  }
0x116: {  	v6 =	vadd.s32 v59, v17;
	v1 =	vld.idx.msk [tilespmem:v1+s15+$0x0], $0xffff;
	v15 =	vand.u32 $0xFFFFFFF8, v2  }
0x117: {  	v2 =	vor.u32 v18, v15;
	_ =	sdelay $0x2  }
0x118: {  	[tilespmem:s24+$0xFFFFFF00] =	vst v3  }
0x119: {  	v3 =	vld.idx.msk [tilespmem:v6+s15+$0x0], $0xffff;
	[tilespmem:s22+$0xFFFFFE60] =	vst v1  }
0x11a: {  	v1 =	vld.idx.msk [tilespmem:v2+s15+$0x0], $0xffff;
	v2 =	vadd.s32 v59, v16  }
0x11b: {  	v6 =	vadd.s32 v19, v36;
	_ =	sdelay $0x2  }
0x11c: {  	[tilespmem:s24+$0xFFFFFF10] =	vst v3  }
0x11d: {  	v2 =	vld.idx.msk [tilespmem:v2+s15+$0x0], $0xffff;
	[tilespmem:s22+$0xFFFFFE70] =	vst v1  }
0x11e: {  	s26 =	simm.s32 $0x100;
	v3 =	vadd.s32 v59, v14;
	v1 =	vld.idx.msk [tilespmem:v6+s15+$0x0], $0xffff  }
0x11f: {  	v7 =	vadd.s32 v19, v13;
	v6 =	vld.idx.msk [tilespmem:v28+s26+$0xFFFFFFC0 ss:$0x1], $0xffff;
	_ =	sdelay $0x2  }
0x120: {  	[tilespmem:s24+$0xFFFFFF20] =	vst v2  }
0x121: {  	v2 =	vld.idx.msk [tilespmem:v3+s15+$0x0], $0xffff;
	[tilespmem:s22+$0xFFFFFE80] =	vst v1  }
0x122: {  	v3 =	vadd.s32 v59, v0;
	v6 =	vshll.u32 v6, $0x4;
	v1 =	vld.idx.msk [tilespmem:v7+s15+$0x0], $0xffff  }
0x123: {  	v6 =	vadd.s32 v6, v29;
	v7 =	vld.idx.msk [tilespmem:v28+s26+$0xFFFFFFD0 ss:$0x1], $0xffff  }
0x124: {  	v8 =	vadd.s32 v19, v5;
	v38 =	vand.u32 $0xFFFFFFF8, v6  }
0x125: {  	v10 =	vld.idx.msk [tilespmem:v28+s26+$0x0 ss:$0x1], $0xffff;
	v9 =	vor.u32 v18, v38  }
0x126: {  	v26 =	vmov v16;
	v16 =	vmov v13;
	v13 =	vld.idx.msk [tilespmem:v28+s26+$0x20 ss:$0x1], $0xffff;
	[tilespmem:s24+$0xFFFFFF30] =	vst v2  }
0x127: {  	v2 =	vld.idx.msk [tilespmem:v3+s15+$0x0], $0xffff  }
0x128: {  	v3 =	vld.idx.msk [tilespmem:v28+s26+$0xFFFFFFE0 ss:$0x1], $0xffff;
	[tilespmem:s22+$0xFFFFFE90] =	vst v1;
	v1 =	vadd.s32 v59, v43;
	v7 =	vshll.u32 v7, $0x4  }
0x129: {  	v8 =	vld.idx.msk [tilespmem:v8+s15+$0x0], $0xffff;
	v7 =	vadd.s32 v7, v29  }
0x12a: {  	v11 =	vadd.s32 v19, v24;
	v9 =	vld.idx.msk [tilespmem:v9+s15+$0x0], $0xffff;
	v21 =	vand.u32 $0xFFFFFFF8, v7  }
0x12b: {  	v6 =	vld.idx.msk [tilespmem:v28+s26+$0xFFFFFFF0 ss:$0x1], $0xffff;
	v12 =	vor.u32 v18, v21  }
0x12c: {  	v7 =	vld.idx.msk [tilespmem:v28+s26+$0x10 ss:$0x1], $0xffff;
	[tilespmem:s24+$0xFFFFFF40] =	vst v2  }
0x12d: {  	v1 =	vld.idx.msk [tilespmem:v1+s15+$0x0], $0xffff  }
0x12e: {  	s23 =	sadd.s32 $0x400, s22;
	v2 =	vld.idx.msk [tilespmem:v28+s26+$0x30 ss:$0x1], $0xffff;
	v3 =	vshll.u32 v3, $0x4;
	[tilespmem:s22+$0xFFFFFEA0] =	vst v8;
	v8 =	vadd.s32 v59, v37  }
0x12f: {  	v3 =	vadd.s32 v3, v29;
	v11 =	vld.idx.msk [tilespmem:v11+s15+$0x0], $0xffff;
	[tilespmem:s23+$0xFFFFFE00] =	vst v9  }
0x130: {  	v54 =	vand.u32 $0xFFFFFFF8, v3;
	v9 =	vld.idx.msk [tilespmem:v12+s15+$0x0], $0xffff;
	v12 =	vadd.s32 v19, v20  }
0x131: {  	v3 =	vor.u32 v18, v54  }
0x132: {  	[tilespmem:s24+$0xFFFFFF50] =	vst v1  }
0x133: {  	v1 =	vld.idx.msk [tilespmem:v8+s15+$0x0], $0xffff  }
0x134: {  	v6 =	vshll.u32 v6, $0x4;
	[tilespmem:s22+$0xFFFFFEB0] =	vst v11;
	v8 =	vadd.s32 v59, v56  }
0x135: {  	v6 =	vadd.s32 v6, v29;
	v11 =	vld.idx.msk [tilespmem:v12+s15+$0x0], $0xffff;
	[tilespmem:s23+$0xFFFFFE10] =	vst v9  }
0x136: {  	v62 =	vand.u32 $0xFFFFFFF8, v6;
	v9 =	vadd.s32 v19, v32;
	v3 =	vld.idx.msk [tilespmem:v3+s15+$0x0], $0xffff  }
0x137: {  	v6 =	vor.u32 v18, v62  }
0x138: {  	[tilespmem:s24+$0xFFFFFF60] =	vst v1  }
0x139: {  	v1 =	vld.idx.msk [tilespmem:v8+s15+$0x0], $0xffff  }
0x13a: {  	v10 =	vshll.u32 v10, $0x4;
	[tilespmem:s22+$0xFFFFFEC0] =	vst v11;
	v8 =	vadd.s32 v23, v4  }
0x13b: {  	v9 =	vld.idx.msk [tilespmem:v9+s15+$0x0], $0xffff;
	[tilespmem:s23+$0xFFFFFE20] =	vst v3;
	v3 =	vadd.s32 v10, v29  }
0x13c: {  	v10 =	vadd.s32 v19, v35;
	v6 =	vld.idx.msk [tilespmem:v6+s15+$0x0], $0xffff;
	v44 =	vand.u32 $0xFFFFFFF8, v3  }
0x13d: {  	v3 =	vor.u32 v18, v44  }
0x13e: {  	[tilespmem:s24+$0xFFFFFF70] =	vst v1  }
0x13f: {  	v27 =	vmov v17;
	v1 =	vld.idx.msk [tilespmem:v8+s15+$0x0], $0xffff  }
0x140: {  	v7 =	vshll.u32 v7, $0x4;
	[tilespmem:s22+$0xFFFFFED0] =	vst v9;
	v8 =	vadd.s32 v23, v27  }
0x141: {  	v9 =	vld.idx.msk [tilespmem:v10+s15+$0x0], $0xffff;
	[tilespmem:s23+$0xFFFFFE30] =	vst v6;
	v6 =	vadd.s32 v7, v29  }
0x142: {  	v7 =	vadd.s32 v19, v15;
	v3 =	vld.idx.msk [tilespmem:v3+s15+$0x0], $0xffff;
	v33 =	vand.u32 $0xFFFFFFF8, v6  }
0x143: {  	v6 =	vor.u32 v18, v33  }
0x144: {  	[tilespmem:s24+$0xFFFFFF80] =	vst v1  }
0x145: {  	v1 =	vld.idx.msk [tilespmem:v8+s15+$0x0], $0xffff  }
0x146: {  	[tilespmem:s22+$0xFFFFFEE0] =	vst v9;
	v8 =	vadd.s32 v23, v26;
	v9 =	vshll.u32 v13, $0x4  }
0x147: {  	v7 =	vld.idx.msk [tilespmem:v7+s15+$0x0], $0xffff;
	[tilespmem:s23+$0xFFFFFE40] =	vst v3;
	v3 =	vadd.s32 v9, v29  }
0x148: {  	v9 =	vadd.s32 v59, v36;
	v6 =	vld.idx.msk [tilespmem:v6+s15+$0x0], $0xffff;
	v53 =	vand.u32 $0xFFFFFFF8, v3  }
0x149: {  	v3 =	vor.u32 v18, v53  }
0x14a: {  	[tilespmem:s24+$0xFFFFFF90] =	vst v1  }
0x14b: {  	v17 =	vmov v14;
	v1 =	vld.idx.msk [tilespmem:v8+s15+$0x0], $0xffff  }
0x14c: {  	v2 =	vshll.u32 v2, $0x4;
	[tilespmem:s22+$0xFFFFFEF0] =	vst v7;
	v7 =	vadd.s32 v23, v17  }
0x14d: {  	v2 =	vadd.s32 v2, v29;
	v8 =	vld.idx.msk [tilespmem:v9+s15+$0x0], $0xffff;
	[tilespmem:s23+$0xFFFFFE50] =	vst v6  }
0x14e: {  	v47 =	vand.u32 $0xFFFFFFF8, v2;
	v6 =	vadd.s32 v59, v16;
	v3 =	vld.idx.msk [tilespmem:v3+s15+$0x0], $0xffff  }
0x14f: {  	v2 =	vor.u32 v18, v47  }
0x150: {  	[tilespmem:s24+$0xFFFFFFA0] =	vst v1  }
0x151: {  	v1 =	vld.idx.msk [tilespmem:v7+s15+$0x0], $0xffff  }
0x152: {  	[tilespmem:s22+$0xFFFFFF00] =	vst v8;
	v7 =	vadd.s32 v23, v0  }
0x153: {  	v14 =	vmov v5;
	v6 =	vld.idx.msk [tilespmem:v6+s15+$0x0], $0xffff;
	[tilespmem:s23+$0xFFFFFE60] =	vst v3  }
0x154: {  	v3 =	vadd.s32 v59, v14;
	v2 =	vld.idx.msk [tilespmem:v2+s15+$0x0], $0xffff  }
0x155: {  	v8 =	vadd.s32 v19, v38  }
0x156: {  	[tilespmem:s24+$0xFFFFFFB0] =	vst v1  }
0x157: {  	v1 =	vld.idx.msk [tilespmem:v7+s15+$0x0], $0xffff  }
0x158: {  	[tilespmem:s22+$0xFFFFFF10] =	vst v6;
	v6 =	vadd.s32 v23, v43  }
0x159: {  	v3 =	vld.idx.msk [tilespmem:v3+s15+$0x0], $0xffff;
	[tilespmem:s23+$0xFFFFFE70] =	vst v2  }
0x15a: {  	s25 =	simm.s32 $0x180;
	v2 =	vld.idx.msk [tilespmem:v8+s15+$0x0], $0xffff  }
0x15b: {  	v7 =	vadd.s32 v59, v24;
	v8 =	vld.idx.msk [tilespmem:v28+s25+$0xFFFFFFC0 ss:$0x1], $0xffff  }
0x15c: {  	v9 =	vadd.s32 v19, v21;
	[tilespmem:s24+$0xFFFFFFC0] =	vst v1  }
0x15d: {  	v1 =	vld.idx.msk [tilespmem:v6+s15+$0x0], $0xffff  }
0x15e: {  	v11 =	vld.idx.msk [tilespmem:v28+s25+$0x0 ss:$0x1], $0xffff;
	[tilespmem:s22+$0xFFFFFF20] =	vst v3;
	v3 =	vadd.s32 v23, v37  }
0x15f: {  	v10 =	vld.idx.msk [tilespmem:v28+s25+$0xFFFFFFD0 ss:$0x1], $0xffff  }
0x160: {  	v7 =	vld.idx.msk [tilespmem:v7+s15+$0x0], $0xffff;
	[tilespmem:s23+$0xFFFFFE80] =	vst v2;
	v8 =	vshll.u32 v8, $0x4  }
0x161: {  	v2 =	vld.idx.msk [tilespmem:v9+s15+$0x0], $0xffff;
	v9 =	vadd.s32 v59, v20;
	v8 =	vadd.s32 v8, v29  }
0x162: {  	v39 =	vmovc v26;
	v12 =	vadd.s32 v19, v54;
	v26 =	vmov v14;
	v14 =	vld.idx.msk [tilespmem:v28+s25+$0xFFFFFFE0 ss:$0x1], $0xffff;
	v50 =	vand.u32 $0xFFFFFFF8, v8;
	[tilespmem:s24+$0xFFFFFFD0] =	vst v1  }
0x163: {  	v1 =	vld.idx.msk [tilespmem:v3+s15+$0x0], $0xffff;
	v3 =	vor.u32 v18, v50  }
0x164: {  	v13 =	vadd.s32 v23, v56;
	v6 =	vld.idx.msk [tilespmem:v28+s25+$0xFFFFFFF0 ss:$0x1], $0xffff  }
0x165: {  	v8 =	vld.idx.msk [tilespmem:v28+s25+$0x10 ss:$0x1], $0xffff;
	[tilespmem:s22+$0xFFFFFF30] =	vst v7  }
0x166: {  	v7 =	vld.idx.msk [tilespmem:v9+s15+$0x0], $0xffff;
	[tilespmem:s23+$0xFFFFFE90] =	vst v2  }
0x167: {  	v2 =	vshll.u32 v10, $0x4;
	v10 =	vadd.s32 v59, v32;
	v9 =	vld.idx.msk [tilespmem:v12+s15+$0x0], $0xffff  }
0x168: {  	v2 =	vadd.s32 v2, v29;
	v12 =	vadd.s32 v19, v62;
	v3 =	vld.idx.msk [tilespmem:v3+s15+$0x0], $0xffff;
	[tilespmem:s24+$0xFFFFFFE0] =	vst v1  }
0x169: {  	v49 =	vand.u32 $0xFFFFFFF8, v2;
	v1 =	vld.idx.msk [tilespmem:v13+s15+$0x0], $0xffff  }
0x16a: {  	v2 =	vor.u32 v18, v49;
	v13 =	vld.idx.msk [tilespmem:v28+s25+$0x20 ss:$0x1], $0xffff;
	[tilespmem:$0x1FD00] =	vst v4  }
0x16b: {  	v51 =	vmov v17;
	v30 =	vmov v16;
	v16 =	vadd.s32 v57, v4;
	v17 =	vld.idx.msk [tilespmem:v28+s25+$0x30 ss:$0x1], $0xffff;
	[tilespmem:s22+$0xFFFFFF40] =	vst v7  }
0x16c: {  	[tilespmem:s23+$0xFFFFFEA0] =	vst v9;
	v7 =	vld.idx.msk [tilespmem:v10+s15+$0x0], $0xffff  }
0x16d: {  	s25 =	sadd.s32 $0x400, s23;
	v9 =	vshll.u32 v14, $0x4;
	v10 =	vld.idx.msk [tilespmem:v12+s15+$0x0], $0xffff;
	v12 =	vadd.s32 v59, v35  }
0x16e: {  	[tilespmem:s25+$0xFFFFFE00] =	vst v3;
	v3 =	vadd.s32 v9, v29;
	v9 =	vadd.s32 v19, v44  }
0x16f: {  	v41 =	vmov v27;
	v2 =	vld.idx.msk [tilespmem:v2+s15+$0x0], $0xffff;
	[tilespmem:s24+$0xFFFFFFF0] =	vst v1;
	v34 =	vand.u32 $0xFFFFFFF8, v3  }
0x170: {  	v1 =	vld.idx.msk [tilespmem:v16+s15+$0x0], $0xffff;
	v3 =	vor.u32 v18, v34;
	[tilespmem:$0x1FD10] =	vst v41  }
0x171: {  	v14 =	vadd.s32 v57, v27;
	[tilespmem:s22+$0xFFFFFF50] =	vst v7  }
0x172: {  	[tilespmem:s23+$0xFFFFFEB0] =	vst v10;
	v7 =	vld.idx.msk [tilespmem:v12+s15+$0x0], $0xffff  }
0x173: {  	v6 =	vshll.u32 v6, $0x4;
	v10 =	vadd.s32 v59, v15;
	v9 =	vld.idx.msk [tilespmem:v9+s15+$0x0], $0xffff;
	[tilespmem:$0x1FD20] =	vst v15  }
0x174: {  	[tilespmem:s25+$0xFFFFFE10] =	vst v2;
	v2 =	vadd.s32 v6, v29;
	v6 =	vadd.s32 v19, v33  }
0x175: {  	v3 =	vld.idx.msk [tilespmem:v3+s15+$0x0], $0xffff;
	[tilespmem:s24+$0x0] =	vst v1;
	v58 =	vand.u32 $0xFFFFFFF8, v2  }
0x176: {  	v1 =	vld.idx.msk [tilespmem:v14+s15+$0x0], $0xffff;
	v2 =	vor.u32 v18, v58  }
0x177: {  	v12 =	vadd.s32 v57, v39;
	[tilespmem:s22+$0xFFFFFF60] =	vst v7  }
0x178: {  	v7 =	vld.idx.msk [tilespmem:v10+s15+$0x0], $0xffff;
	[tilespmem:s23+$0xFFFFFEC0] =	vst v9  }
0x179: {  	v9 =	vshll.u32 v11, $0x4;
	v10 =	vadd.s32 v23, v36;
	v6 =	vld.idx.msk [tilespmem:v6+s15+$0x0], $0xffff  }
0x17a: {  	[tilespmem:s25+$0xFFFFFE20] =	vst v3;
	v3 =	vadd.s32 v9, v29;
	v9 =	vadd.s32 v19, v53  }
0x17b: {  	v5 =	vmovc v0;
	v0 =	vmov v4;
	v4 =	vmov v15;
	v2 =	vld.idx.msk [tilespmem:v2+s15+$0x0], $0xffff;
	[tilespmem:s24+$0x10] =	vst v1;
	v15 =	vand.u32 $0xFFFFFFF8, v3  }
0x17c: {  	v1 =	vld.idx.msk [tilespmem:v12+s15+$0x0], $0xffff;
	v3 =	vor.u32 v18, v15  }
0x17d: {  	v11 =	vadd.s32 v57, v51;
	[tilespmem:s22+$0xFFFFFF70] =	vst v7  }
0x17e: {  	v7 =	vld.idx.msk [tilespmem:v10+s15+$0x0], $0xffff;
	[tilespmem:s23+$0xFFFFFED0] =	vst v6  }
0x17f: {  	v6 =	vshll.u32 v8, $0x4;
	v8 =	vld.idx.msk [tilespmem:v9+s15+$0x0], $0xffff;
	v9 =	vadd.s32 v23, v30  }
0x180: {  	[tilespmem:s25+$0xFFFFFE30] =	vst v2;
	v2 =	vadd.s32 v6, v29  }
0x181: {  	v6 =	vadd.s32 v19, v47;
	v3 =	vld.idx.msk [tilespmem:v3+s15+$0x0], $0xffff;
	[tilespmem:s24+$0x20] =	vst v1;
	v45 =	vand.u32 $0xFFFFFFF8, v2  }
0x182: {  	v1 =	vld.idx.msk [tilespmem:v11+s15+$0x0], $0xffff;
	v2 =	vor.u32 v18, v45  }
0x183: {  	v10 =	vadd.s32 v57, v5;
	[tilespmem:s22+$0xFFFFFF80] =	vst v7  }
0x184: {  	v7 =	vld.idx.msk [tilespmem:v9+s15+$0x0], $0xffff  }
0x185: {  	[tilespmem:s23+$0xFFFFFEE0] =	vst v8;
	v8 =	vshll.u32 v13, $0x4;
	v9 =	vadd.s32 v23, v26  }
0x186: {  	v6 =	vld.idx.msk [tilespmem:v6+s15+$0x0], $0xffff;
	[tilespmem:s25+$0xFFFFFE40] =	vst v3;
	v3 =	vadd.s32 v8, v29  }
0x187: {  	v8 =	vadd.s32 v59, v38;
	v2 =	vld.idx.msk [tilespmem:v2+s15+$0x0], $0xffff;
	[tilespmem:s24+$0x30] =	vst v1;
	v52 =	vand.u32 $0xFFFFFFF8, v3  }
0x188: {  	v1 =	vld.idx.msk [tilespmem:v10+s15+$0x0], $0xffff;
	v3 =	vor.u32 v18, v52  }
0x189: {  	v10 =	vadd.s32 v57, v43;
	[tilespmem:s22+$0xFFFFFF90] =	vst v7  }
0x18a: {  	v7 =	vld.idx.msk [tilespmem:v9+s15+$0x0], $0xffff  }
0x18b: {  	[tilespmem:s23+$0xFFFFFEF0] =	vst v6;
	v6 =	vshll.u32 v17, $0x4;
	v9 =	vadd.s32 v23, v24  }
0x18c: {  	v8 =	vld.idx.msk [tilespmem:v8+s15+$0x0], $0xffff;
	[tilespmem:s25+$0xFFFFFE50] =	vst v2;
	v2 =	vadd.s32 v6, v29  }
0x18d: {  	v6 =	vadd.s32 v59, v21;
	v3 =	vld.idx.msk [tilespmem:v3+s15+$0x0], $0xffff;
	[tilespmem:s24+$0x40] =	vst v1;
	v46 =	vand.u32 $0xFFFFFFF8, v2  }
0x18e: {  	v1 =	vld.idx.msk [tilespmem:v10+s15+$0x0], $0xffff;
	v2 =	vor.u32 v18, v46  }
0x18f: {  	v10 =	vadd.s32 v57, v37;
	[tilespmem:s22+$0xFFFFFFA0] =	vst v7  }
0x190: {  	v7 =	vld.idx.msk [tilespmem:v9+s15+$0x0], $0xffff  }
0x191: {  	[tilespmem:s23+$0xFFFFFF00] =	vst v8;
	v8 =	vadd.s32 v23, v20  }
0x192: {  	v6 =	vld.idx.msk [tilespmem:v6+s15+$0x0], $0xffff;
	[tilespmem:s25+$0xFFFFFE60] =	vst v3  }
0x193: {  	v3 =	vadd.s32 v59, v54;
	v2 =	vld.idx.msk [tilespmem:v2+s15+$0x0], $0xffff;
	[tilespmem:s24+$0x50] =	vst v1  }
0x194: {  	s26 =	simm.s32 $0x200;
	v9 =	vadd.s32 v19, v50;
	v1 =	vld.idx.msk [tilespmem:v10+s15+$0x0], $0xffff  }
0x195: {  	v16 =	vld.idx.msk [tilespmem:v28+s26+$0x20 ss:$0x1], $0xffff;
	v11 =	vadd.s32 v57, v56;
	[tilespmem:s22+$0xFFFFFFB0] =	vst v7  }
0x196: {  	v7 =	vld.idx.msk [tilespmem:v8+s15+$0x0], $0xffff  }
0x197: {  	v14 =	vld.idx.msk [tilespmem:v28+s26+$0x10 ss:$0x1], $0xffff;
	[tilespmem:s23+$0xFFFFFF10] =	vst v6;
	v6 =	vadd.s32 v23, v32  }
0x198: {  	v3 =	vld.idx.msk [tilespmem:v3+s15+$0x0], $0xffff;
	[tilespmem:s25+$0xFFFFFE70] =	vst v2  }
0x199: {  	v8 =	vadd.s32 v59, v62;
	v2 =	vld.idx.msk [tilespmem:v9+s15+$0x0], $0xffff;
	[tilespmem:s24+$0x60] =	vst v1  }
0x19a: {  	v9 =	vadd.s32 v19, v49;
	v1 =	vld.idx.msk [tilespmem:v11+s15+$0x0], $0xffff  }
0x19b: {  	v11 =	vld.idx.msk [tilespmem:v28+s26+$0xFFFFFFC0 ss:$0x1], $0xffff;
	[tilespmem:s22+$0xFFFFFFC0] =	vst v7  }
0x19c: {  	v13 =	vadd.s32 v25, v0;
	v6 =	vld.idx.msk [tilespmem:v6+s15+$0x0], $0xffff  }
0x19d: {  	v12 =	vld.idx.msk [tilespmem:v28+s26+$0x0 ss:$0x1], $0xffff;
	v7 =	vadd.s32 v23, v35;
	[tilespmem:s23+$0xFFFFFF20] =	vst v3  }
0x19e: {  	v3 =	vld.idx.msk [tilespmem:v8+s15+$0x0], $0xffff;
	[tilespmem:s25+$0xFFFFFE80] =	vst v2  }
0x19f: {  	v2 =	vld.idx.msk [tilespmem:v9+s15+$0x0], $0xffff;
	[tilespmem:s24+$0x70] =	vst v1;
	v1 =	vadd.s32 v59, v44  }
0x1a0: {  	v8 =	vshll.u32 v11, $0x4;
	v11 =	vld.idx.msk [tilespmem:v28+s26+$0xFFFFFFD0 ss:$0x1], $0xffff  }
0x1a1: {  	v22 =	vmov v27;
	v9 =	vld.idx.msk [tilespmem:v13+s15+$0x0], $0xffff;
	v8 =	vadd.s32 v8, v29;
	v13 =	vadd.s32 v19, v34;
	[tilespmem:s22+$0xFFFFFFD0] =	vst v6  }
0x1a2: {  	v48 =	vmov v30;
	v30 =	vand.u32 $0xFFFFFFF8, v8;
	v6 =	vadd.s32 v25, v22;
	v7 =	vld.idx.msk [tilespmem:v7+s15+$0x0], $0xffff  }
0x1a3: {  	v17 =	vld.idx.msk [tilespmem:v28+s26+$0xFFFFFFE0 ss:$0x1], $0xffff;
	v8 =	vor.u32 v18, v30;
	[tilespmem:s23+$0xFFFFFF30] =	vst v3  }
0x1a4: {  	v3 =	vadd.s32 v23, v4;
	v1 =	vld.idx.msk [tilespmem:v1+s15+$0x0], $0xffff  }
0x1a5: {  	v10 =	vld.idx.msk [tilespmem:v28+s26+$0xFFFFFFF0 ss:$0x1], $0xffff;
	[tilespmem:s25+$0xFFFFFE90] =	vst v2  }
0x1a6: {  	v2 =	vld.idx.msk [tilespmem:v13+s15+$0x0], $0xffff;
	v13 =	vadd.s32 v59, v33;
	[tilespmem:s24+$0x80] =	vst v9  }
0x1a7: {  	v9 =	vshll.u32 v11, $0x4;
	v11 =	vadd.s32 v19, v58;
	v6 =	vld.idx.msk [tilespmem:v6+s15+$0x0], $0xffff;
	[tilespmem:s22+$0xFFFFFFE0] =	vst v7  }
0x1a8: {  	v8 =	vld.idx.msk [tilespmem:v8+s15+$0x0], $0xffff;
	[tilespmem:$0x1FDF0] =	vst v39  }
0x1a9: {  	v40 =	vmov v36;
	v9 =	vadd.s32 v9, v29;
	v3 =	vld.idx.msk [tilespmem:v3+s15+$0x0], $0xffff;
	[tilespmem:s23+$0xFFFFFF40] =	vst v1  }
0x1aa: {  	v60 =	vmov v25;
	v36 =	vand.u32 $0xFFFFFFF8, v9;
	v7 =	vadd.s32 v25, v39;
	v25 =	vld.idx.msk [tilespmem:v28+s26+$0x30 ss:$0x1], $0xffff;
	[tilespmem:$0x1FE20] =	vst v40  }
0x1ab: {  	v9 =	vor.u32 v18, v36;
	v13 =	vld.idx.msk [tilespmem:v13+s15+$0x0], $0xffff;
	[tilespmem:s25+$0xFFFFFEA0] =	vst v2  }
0x1ac: {  	v2 =	vld.idx.msk [tilespmem:v11+s15+$0x0], $0xffff;
	[tilespmem:$0x1FE30] =	vst v53  }
0x1ad: {  	v1 =	vadd.s32 v57, v40;
	s26 =	sadd.s32 $0x400, s25;
	[tilespmem:s24+$0x90] =	vst v6  }
0x1ae: {  	v11 =	vadd.s32 v59, v53;
	[tilespmem:s26+$0xFFFFFE00] =	vst v8  }
0x1af: {  	v8 =	vadd.s32 v19, v15;
	v7 =	vld.idx.msk [tilespmem:v7+s15+$0x0], $0xffff;
	[tilespmem:s22+$0xFFFFFFF0] =	vst v3  }
0x1b0: {  	v6 =	vshll.u32 v17, $0x4;
	v9 =	vld.idx.msk [tilespmem:v9+s15+$0x0], $0xffff;
	[tilespmem:$0x1FE40] =	vst v51  }
0x1b1: {  	v6 =	vadd.s32 v6, v29;
	[tilespmem:s23+$0xFFFFFF50] =	vst v13  }
0x1b2: {  	v27 =	vmovc v5;
	v5 =	vmov v44;
	v3 =	vadd.s32 v60, v51;
	v44 =	vand.u32 $0xFFFFFFF8, v6;
	v1 =	vld.idx.msk [tilespmem:v1+s15+$0x0], $0xffff;
	[tilespmem:$0x1FE50] =	vst v48  }
0x1b3: {  	v6 =	vor.u32 v18, v44;
	v11 =	vld.idx.msk [tilespmem:v11+s15+$0x0], $0xffff;
	[tilespmem:s25+$0xFFFFFEB0] =	vst v2  }
0x1b4: {  	v2 =	vld.idx.msk [tilespmem:v8+s15+$0x0], $0xffff;
	[tilespmem:$0x1FE70] =	vst v47  }
0x1b5: {  	v13 =	vadd.s32 v57, v48;
	[tilespmem:s24+$0xA0] =	vst v7  }
0x1b6: {  	[tilespmem:s26+$0xFFFFFE10] =	vst v9  }
0x1b7: {  	v8 =	vadd.s32 v59, v47;
	v7 =	vshll.u32 v10, $0x4;
	v3 =	vld.idx.msk [tilespmem:v3+s15+$0x0], $0xffff;
	[tilespmem:s22+$0x0] =	vst v1  }
0x1b8: {  	v9 =	vadd.s32 v19, v45;
	v7 =	vadd.s32 v7, v29;
	v6 =	vld.idx.msk [tilespmem:v6+s15+$0x0], $0xffff;
	[tilespmem:$0x1FE80] =	vst v27  }
0x1b9: {  	v61 =	vmovc v47;
	v41 =	vmov v26;
	v1 =	vadd.s32 v60, v27;
	v47 =	vand.u32 $0xFFFFFFF8, v7;
	[tilespmem:s23+$0xFFFFFF60] =	vst v11  }
0x1ba: {  	s28 =	simm.s32 $0x280;
	v7 =	vld.idx.msk [tilespmem:v13+s15+$0x0], $0xffff;
	v10 =	vor.u32 v18, v47;
	[tilespmem:$0x1FE90] =	vst v41  }
0x1bb: {  	v11 =	vadd.s32 v57, v41;
	v4 =	vld.idx.msk [tilespmem:v28+s28+$0xFFFFFFF0 ss:$0x1], $0xffff  }
0x1bc: {  	v8 =	vld.idx.msk [tilespmem:v8+s15+$0x0], $0xffff;
	[tilespmem:s25+$0xFFFFFEC0] =	vst v2  }
0x1bd: {  	v13 =	vadd.s32 v23, v38;
	v2 =	vshll.u32 v12, $0x4;
	v9 =	vld.idx.msk [tilespmem:v9+s15+$0x0], $0xffff;
	[tilespmem:s24+$0xB0] =	vst v3  }
0x1be: {  	[tilespmem:s26+$0xFFFFFE20] =	vst v6;
	v2 =	vadd.s32 v2, v29;
	v3 =	vadd.s32 v19, v52;
	v1 =	vld.idx.msk [tilespmem:v1+s15+$0x0], $0xffff  }
0x1bf: {  	v2 =	vand.u32 $0xFFFFFFF8, v2;
	v6 =	vld.idx.msk [tilespmem:v10+s15+$0x0], $0xffff;
	[tilespmem:s22+$0x10] =	vst v7;
	v7 =	vadd.s32 v60, v43  }
0x1c0: {  	v10 =	vld.idx.msk [tilespmem:v11+s15+$0x0], $0xffff;
	v11 =	vor.u32 v18, v2;
	[tilespmem:$0x1FD60] =	vst v4  }
0x1c1: {  	[tilespmem:s23+$0xFFFFFF70] =	vst v8;
	v8 =	vadd.s32 v57, v24  }
0x1c2: {  	[tilespmem:s25+$0xFFFFFED0] =	vst v9;
	v12 =	vld.idx.msk [tilespmem:v13+s15+$0x0], $0xffff  }
0x1c3: {  	v9 =	vld.idx.msk [tilespmem:v3+s15+$0x0], $0xffff;
	v13 =	vadd.s32 v23, v21;
	[tilespmem:s24+$0xC0] =	vst v1;
	v1 =	vshll.u32 v14, $0x4  }
0x1c4: {  	[tilespmem:s26+$0xFFFFFE30] =	vst v6;
	v6 =	vld.idx.msk [tilespmem:v7+s15+$0x0], $0xffff;
	v1 =	vadd.s32 v1, v29;
	v7 =	vadd.s32 v19, v46  }
0x1c5: {  	v42 =	vmov v51;
	v11 =	vld.idx.msk [tilespmem:v11+s15+$0x0], $0xffff;
	[tilespmem:s22+$0x20] =	vst v10;
	v51 =	vand.u32 $0xFFFFFFF8, v1;
	v1 =	vadd.s32 v60, v37  }
0x1c6: {  	v10 =	vor.u32 v18, v51;
	v8 =	vld.idx.msk [tilespmem:v8+s15+$0x0], $0xffff  }
0x1c7: {  	[tilespmem:s23+$0xFFFFFF80] =	vst v12;
	v12 =	vadd.s32 v57, v20  }
0x1c8: {  	[tilespmem:s25+$0xFFFFFEE0] =	vst v9;
	v13 =	vld.idx.msk [tilespmem:v13+s15+$0x0], $0xffff  }
0x1c9: {  	v7 =	vld.idx.msk [tilespmem:v7+s15+$0x0], $0xffff;
	[tilespmem:s24+$0xD0] =	vst v6;
	v6 =	vshll.u32 v16, $0x4  }
0x1ca: {  	v14 =	vadd.s32 v23, v54;
	[tilespmem:s26+$0xFFFFFE40] =	vst v11;
	v1 =	vld.idx.msk [tilespmem:v1+s15+$0x0], $0xffff;
	v6 =	vadd.s32 v6, v29  }
0x1cb: {  	v22 =	vmov v53;
	v10 =	vld.idx.msk [tilespmem:v10+s15+$0x0], $0xffff;
	v53 =	vand.u32 $0xFFFFFFF8, v6;
	v6 =	vadd.s32 v60, v56;
	[tilespmem:s22+$0x30] =	vst v8  }
0x1cc: {  	v8 =	vld.idx.msk [tilespmem:v12+s15+$0x0], $0xffff  }
0x1cd: {  	v3 =	vld.idx.msk [tilespmem:v28+s28+$0x0 ss:$0x1], $0xffff;
	[tilespmem:s23+$0xFFFFFF90] =	vst v13  }
0x1ce: {  	v9 =	vld.idx.msk [tilespmem:v28+s28+$0x10 ss:$0x1], $0xffff;
	[tilespmem:s25+$0xFFFFFEF0] =	vst v7  }
0x1cf: {  	v11 =	vadd.s32 v59, v50;
	v14 =	vld.idx.msk [tilespmem:v14+s15+$0x0], $0xffff;
	[tilespmem:s24+$0xE0] =	vst v1  }
0x1d0: {  	v12 =	vor.u32 v18, v53;
	[tilespmem:s26+$0xFFFFFE50] =	vst v10;
	v6 =	vld.idx.msk [tilespmem:v6+s15+$0x0], $0xffff  }
0x1d1: {  	v13 =	vadd.s32 v57, v32;
	[tilespmem:s22+$0x40] =	vst v8;
	v8 =	vld.idx.msk [tilespmem:v28+s28+$0x20 ss:$0x1], $0xffff  }
0x1d2: {  	v26 =	vmov v39;
	v39 =	vld [tilespmem:$0x1FEC0]  }
0x1d3: {  	v1 =	vshll.u32 v25, $0x4;
	v4 =	vld [tilespmem:$0x1FD00]  }
0x1d4: {  	v7 =	vld.idx.msk [tilespmem:v11+s15+$0x0], $0xffff;
	v11 =	vadd.s32 v23, v62;
	v1 =	vadd.s32 v1, v29  }
0x1d5: {  	v55 =	vmov v41;
	v10 =	vadd.s32 v59, v49;
	v41 =	vand.u32 $0xFFFFFFF8, v1;
	v12 =	vld.idx.msk [tilespmem:v12+s15+$0x0], $0xffff  }
0x1d6: {  	v16 =	vor.u32 v18, v41;
	v13 =	vld.idx.msk [tilespmem:v13+s15+$0x0], $0xffff;
	[tilespmem:$0x1FDB0] =	vst v8  }
0x1d7: {  	[tilespmem:s23+$0xFFFFFFA0] =	vst v14  }
0x1d8: {  	v1 =	vadd.s32 v39, v4;
	[tilespmem:s24+$0xF0] =	vst v6;
	v6 =	vld.idx.msk [tilespmem:v28+s28+$0x30 ss:$0x1], $0xffff  }
0x1d9: {  	v14 =	vadd.s32 v57, v35;
	[tilespmem:s25+$0xFFFFFF00] =	vst v7;
	v11 =	vld.idx.msk [tilespmem:v11+s15+$0x0], $0xffff  }
0x1da: {  	[tilespmem:s26+$0xFFFFFE60] =	vst v12;
	v7 =	vld.idx.msk [tilespmem:v10+s15+$0x0], $0xffff  }
0x1db: {  	[tilespmem:s22+$0x50] =	vst v13;
	v16 =	vld.idx.msk [tilespmem:v16+s15+$0x0], $0xffff  }
0x1dc: {  	v8 =	vmov v5;
	v10 =	vadd.s32 v23, v5;
	v5 =	vld [tilespmem:$0x1FD10]  }
0x1dd: {  	v1 =	vld.idx.msk [tilespmem:v1+s15+$0x0], $0xffff  }
0x1de: {  	v14 =	vld.idx.msk [tilespmem:v14+s15+$0x0], $0xffff;
	[tilespmem:$0x1FDE0] =	vst v6  }
0x1df: {  	v12 =	vadd.s32 v59, v34;
	[tilespmem:s23+$0xFFFFFFB0] =	vst v11  }
0x1e0: {  	v6 =	vld [tilespmem:$0x1FD20]  }
0x1e1: {  	v13 =	vadd.s32 v39, v5  }
0x1e2: {  	v17 =	vadd.s32 v19, v30  }
0x1e3: {  	v10 =	vld.idx.msk [tilespmem:v10+s15+$0x0], $0xffff;
	[tilespmem:s25+$0xFFFFFF10] =	vst v7  }
0x1e4: {  	v7 =	vld.idx.msk [tilespmem:v12+s15+$0x0], $0xffff;
	v12 =	vadd.s32 v23, v33  }
0x1e5: {  	[tilespmem:s24+$0x100] =	vst v1;
	v11 =	vadd.s32 v57, v6  }
0x1e6: {  	[tilespmem:s26+$0xFFFFFE70] =	vst v16;
	v1 =	vld.idx.msk [tilespmem:v13+s15+$0x0], $0xffff;
	v13 =	vadd.s32 v59, v58  }
0x1e7: {  	v16 =	vld.idx.msk [tilespmem:v17+s15+$0x0], $0xffff;
	[tilespmem:s22+$0x60] =	vst v14;
	v14 =	vadd.s32 v39, v26  }
0x1e8: {  	v25 =	vld.idx.msk [tilespmem:v28+s28+$0xFFFFFFC0 ss:$0x1], $0xffff;
	v17 =	vadd.s32 v19, v36;
	[tilespmem:s23+$0xFFFFFFC0] =	vst v10  }
0x1e9: {  	v12 =	vld.idx.msk [tilespmem:v12+s15+$0x0], $0xffff  }
0x1ea: {  	[tilespmem:s25+$0xFFFFFF20] =	vst v7;
	v11 =	vld.idx.msk [tilespmem:v11+s15+$0x0], $0xffff  }
0x1eb: {  	v10 =	vadd.s32 v60, v40;
	v7 =	vld.idx.msk [tilespmem:v13+s15+$0x0], $0xffff;
	[tilespmem:s24+$0x110] =	vst v1  }
0x1ec: {  	[tilespmem:s26+$0xFFFFFE80] =	vst v16;
	v16 =	vadd.s32 v59, v15;
	v13 =	vld.idx.msk [tilespmem:v14+s15+$0x0], $0xffff  }
0x1ed: {  	v1 =	vadd.s32 v23, v22;
	v14 =	vld.idx.msk [tilespmem:v17+s15+$0x0], $0xffff  }
0x1ee: {  	v17 =	vadd.s32 v39, v42;
	[tilespmem:s23+$0xFFFFFFD0] =	vst v12  }
0x1ef: {  	v26 =	vadd.s32 v19, v44;
	[tilespmem:s22+$0x70] =	vst v11;
	v11 =	vshll.u32 v25, $0x4;
	v25 =	vld.idx.msk [tilespmem:v28+s28+$0xFFFFFFD0 ss:$0x1], $0xffff  }
0x1f0: {  	v0 =	vmov v48;
	[tilespmem:s25+$0xFFFFFF30] =	vst v7;
	v10 =	vld.idx.msk [tilespmem:v10+s15+$0x0], $0xffff;
	v11 =	vadd.s32 v11, v29  }
0x1f1: {  	v7 =	vld.idx.msk [tilespmem:v16+s15+$0x0], $0xffff;
	[tilespmem:s24+$0x120] =	vst v13;
	v42 =	vand.u32 $0xFFFFFFF8, v11;
	v11 =	vadd.s32 v60, v0  }
0x1f2: {  	v1 =	vld.idx.msk [tilespmem:v1+s15+$0x0], $0xffff;
	[tilespmem:s26+$0xFFFFFE90] =	vst v14;
	v14 =	vadd.s32 v59, v45  }
0x1f3: {  	v13 =	vld.idx.msk [tilespmem:v17+s15+$0x0], $0xffff;
	v12 =	vor.u32 v18, v42  }
0x1f4: {  	v63 =	vmov v27;
	v16 =	vadd.s32 v23, v61;
	v17 =	vld.idx.msk [tilespmem:v26+s15+$0x0], $0xffff  }
0x1f5: {  	v27 =	vld.idx.msk [tilespmem:v28+s28+$0xFFFFFFE0 ss:$0x1], $0xffff;
	[tilespmem:s22+$0x80] =	vst v10;
	v10 =	vshll.u32 v25, $0x4;
	v25 =	vadd.s32 v39, v63  }
0x1f6: {  	[tilespmem:s25+$0xFFFFFF40] =	vst v7;
	v11 =	vld.idx.msk [tilespmem:v11+s15+$0x0], $0xffff  }
0x1f7: {  	v26 =	vadd.s32 v19, v47;
	[tilespmem:s23+$0xFFFFFFE0] =	vst v1;
	v7 =	vld.idx.msk [tilespmem:v14+s15+$0x0], $0xffff;
	v10 =	vadd.s32 v10, v29  }
0x1f8: {  	v1 =	vadd.s32 v60, v55;
	[tilespmem:s24+$0x130] =	vst v13;
	v12 =	vld.idx.msk [tilespmem:v12+s15+$0x0], $0xffff;
	v61 =	vand.u32 $0xFFFFFFF8, v10  }
0x1f9: {  	[tilespmem:s26+$0xFFFFFEA0] =	vst v17;
	v10 =	vld.idx.msk [tilespmem:v16+s15+$0x0], $0xffff;
	v16 =	vor.u32 v18, v61  }
0x1fa: {  	v14 =	vadd.s32 v57, v38;
	v13 =	vld.idx.msk [tilespmem:v25+s15+$0x0], $0xffff;
	[tilespmem:$0x1FD30] =	vst v52  }
0x1fb: {  	v17 =	vadd.s32 v59, v52;
	[tilespmem:s22+$0x90] =	vst v11  }
0x1fc: {  	s30 =	sadd.s32 $0x400, s26;
	v25 =	vld.idx.msk [tilespmem:v26+s15+$0x0], $0xffff;
	v11 =	vshll.u32 v27, $0x4;
	v26 =	vadd.s32 v39, v43;
	[tilespmem:$0x1FD40] =	vst v43  }
0x1fd: {  	[tilespmem:s30+$0xFFFFFE00] =	vst v12;
	v12 =	vld.idx.msk [tilespmem:v1+s15+$0x0], $0xffff;
	v1 =	vadd.s32 v11, v29;
	v11 =	vadd.s32 v19, v2  }
0x1fe: {  	[tilespmem:s23+$0xFFFFFFF0] =	vst v10;
	v16 =	vld.idx.msk [tilespmem:v16+s15+$0x0], $0xffff  }
0x1ff: {  	[tilespmem:s25+$0xFFFFFF50] =	vst v7;
	v14 =	vld.idx.msk [tilespmem:v14+s15+$0x0], $0xffff  }
0x200: {  	v17 =	vld.idx.msk [tilespmem:v17+s15+$0x0], $0xffff;
	[tilespmem:s24+$0x140] =	vst v13  }
0x201: {  	[tilespmem:s26+$0xFFFFFEB0] =	vst v25;
	v13 =	vld.idx.msk [tilespmem:v26+s15+$0x0], $0xffff  }
0x202: {  	v11 =	vld.idx.msk [tilespmem:v11+s15+$0x0], $0xffff;
	[tilespmem:$0x1FD50] =	vst v46  }
0x203: {  	[tilespmem:s22+$0xA0] =	vst v12  }
0x204: {  	v0 =	vld [tilespmem:$0x1FD60]  }
0x205: {  	v10 =	vadd.s32 v60, v24;
	_ =	sdelay $0x3  }
0x206: {  	v40 =	vmov v2;
	v1 =	vand.u32 $0xFFFFFFF8, v1;
	[tilespmem:s30+$0xFFFFFE10] =	vst v16;
	v2 =	vshll.u32 v0, $0x4  }
0x207: {  	s29 =	simm.s32 $0x300;
	v27 =	vor.u32 v18, v1;
	v10 =	vld.idx.msk [tilespmem:v10+s15+$0x0], $0xffff;
	[tilespmem:$0x1FD70] =	vst v37;
	v2 =	vadd.s32 v2, v29  }
0x208: {  	v7 =	vadd.s32 v57, v21;
	v48 =	vmov v1;
	v1 =	vand.u32 $0xFFFFFFF8, v2;
	v2 =	vld.idx.msk [tilespmem:v28+s29+$0xFFFFFFF0 ss:$0x1], $0xffff;
	_ =	sdelay $0x1  }
0x209: {  	v25 =	vadd.s32 v59, v46  }
0x20a: {  	v12 =	vadd.s32 v39, v37  }
0x20b: {  	v26 =	vadd.s32 v19, v51;
	v16 =	vld.idx.msk [tilespmem:v27+s15+$0x0], $0xffff;
	[tilespmem:s23+$0x0] =	vst v14  }
0x20c: {  	v27 =	vadd.s32 v60, v20;
	v14 =	vld.idx.msk [tilespmem:v7+s15+$0x0], $0xffff;
	[tilespmem:$0x1FD80] =	vst v2  }
0x20d: {  	v55 =	vmovc v38;
	v38 =	vmov v24;
	v24 =	vmov v1;
	v1 =	vor.u32 v18, v1;
	[tilespmem:s25+$0xFFFFFF60] =	vst v17  }
0x20e: {  	[tilespmem:s24+$0x150] =	vst v13;
	v17 =	vld.idx.msk [tilespmem:v25+s15+$0x0], $0xffff  }
0x20f: {  	[tilespmem:s26+$0xFFFFFEC0] =	vst v11;
	v11 =	vld.idx.msk [tilespmem:v12+s15+$0x0], $0xffff  }
0x210: {  	[tilespmem:s22+$0xB0] =	vst v10;
	v12 =	vld.idx.msk [tilespmem:v26+s15+$0x0], $0xffff  }
0x211: {  	[tilespmem:s30+$0xFFFFFE20] =	vst v16;
	v10 =	vld.idx.msk [tilespmem:v27+s15+$0x0], $0xffff  }
0x212: {  	v27 =	vld.idx.msk [tilespmem:v1+s15+$0x0], $0xffff;
	[tilespmem:$0x1FD90] =	vst v53  }
0x213: {  	v25 =	vadd.s32 v57, v54;
	[tilespmem:s23+$0x10] =	vst v14  }
0x214: {  	[tilespmem:s25+$0xFFFFFF70] =	vst v17  }
0x215: {  	[tilespmem:s24+$0x160] =	vst v11  }
0x216: {  	v26 =	vadd.s32 v23, v50;
	[tilespmem:s26+$0xFFFFFED0] =	vst v12  }
0x217: {  	v3 =	vshll.u32 v3, $0x4;
	v16 =	vadd.s32 v39, v56;
	v13 =	vld.idx.msk [tilespmem:v28+s29+$0x0 ss:$0x1], $0xffff;
	[tilespmem:s22+$0xC0] =	vst v10  }
0x218: {  	v3 =	vadd.s32 v3, v29;
	v2 =	vadd.s32 v19, v53;
	v14 =	vld.idx.msk [tilespmem:v25+s15+$0x0], $0xffff;
	[tilespmem:s30+$0xFFFFFE30] =	vst v27  }
0x219: {  	v1 =	vand.u32 $0xFFFFFFF8, v3;
	v25 =	vadd.s32 v60, v32;
	v22 =	vld [tilespmem:$0x1FFF0]  }
0x21a: {  	v43 =	vmov v56;
	v56 =	vmov v1;
	v17 =	vor.u32 v18, v1;
	v1 =	vld.idx.msk [tilespmem:v28+s29+$0x10 ss:$0x1], $0xffff  }
0x21b: {  	v11 =	vadd.s32 v57, v62;
	v26 =	vld.idx.msk [tilespmem:v26+s15+$0x0], $0xffff  }
0x21c: {  	v12 =	vld.idx.msk [tilespmem:v16+s15+$0x0], $0xffff  }
0x21d: {  	v16 =	vld.idx.msk [tilespmem:v2+s15+$0x0], $0xffff;
	v2 =	vadd.s32 v23, v49  }
0x21e: {  	v9 =	vshll.u32 v9, $0x4;
	v10 =	vld.idx.msk [tilespmem:v25+s15+$0x0], $0xffff;
	v25 =	vadd.s32 v22, v4  }
0x21f: {  	v27 =	vadd.s32 v19, v41;
	[tilespmem:s23+$0x20] =	vst v14;
	v4 =	vadd.s32 v9, v29;
	v9 =	vld.idx.msk [tilespmem:v17+s15+$0x0], $0xffff  }
0x220: {  	v11 =	vld.idx.msk [tilespmem:v11+s15+$0x0], $0xffff;
	[tilespmem:$0x1FDA0] =	vst v1  }
0x221: {  	v14 =	vadd.s32 v60, v35;
	v4 =	vand.u32 $0xFFFFFFF8, v4;
	[tilespmem:s25+$0xFFFFFF80] =	vst v26  }
0x222: {  	[tilespmem:s24+$0x170] =	vst v12;
	v26 =	vor.u32 v18, v4;
	v2 =	vld.idx.msk [tilespmem:v2+s15+$0x0], $0xffff  }
0x223: {  	[tilespmem:s26+$0xFFFFFEE0] =	vst v16;
	v16 =	vld.idx.msk [tilespmem:v25+s15+$0x0], $0xffff  }
0x224: {  	[tilespmem:s22+$0xD0] =	vst v10;
	v25 =	vld.idx.msk [tilespmem:v27+s15+$0x0], $0xffff  }
0x225: {  	v0 =	vld [tilespmem:$0x1FDB0]  }
0x226: {  	[tilespmem:s30+$0xFFFFFE40] =	vst v9;
	v9 =	vld.idx.msk [tilespmem:v14+s15+$0x0], $0xffff  }
0x227: {  	v14 =	vld.idx.msk [tilespmem:v26+s15+$0x0], $0xffff;
	[tilespmem:$0x1FDC0] =	vst v30  }
0x228: {  	v12 =	vadd.s32 v57, v8;
	v1 =	vld.idx.msk [tilespmem:v28+s29+$0x20 ss:$0x1], $0xffff;
	_ =	sdelay $0x3  }
0x229: {  	v27 =	vadd.s32 v23, v34;
	[tilespmem:s23+$0x30] =	vst v11  }
0x22a: {  	v11 =	vld.idx.msk [tilespmem:v12+s15+$0x0], $0xffff;
	[tilespmem:$0x1FDD0] =	vst v1  }
0x22b: {  	v3 =	vmovc v49;
	v49 =	vmov v8;
	v10 =	vadd.s32 v22, v5;
	v8 =	vshll.u32 v0, $0x4;
	[tilespmem:s25+$0xFFFFFF90] =	vst v2  }
0x22c: {  	v26 =	vadd.s32 v59, v30;
	v0 =	vadd.s32 v8, v29;
	[tilespmem:s24+$0x180] =	vst v16  }
0x22d: {  	v12 =	vadd.s32 v60, v6;
	v0 =	vand.u32 $0xFFFFFFF8, v0;
	[tilespmem:s26+$0xFFFFFEF0] =	vst v25  }
0x22e: {  	v1 =	vor.u32 v18, v0;
	[tilespmem:s22+$0xE0] =	vst v9;
	v27 =	vld.idx.msk [tilespmem:v27+s15+$0x0], $0xffff  }
0x22f: {  	v60 =	vmov v0;
	v0 =	vld [tilespmem:$0x1FDE0]  }
0x230: {  	v10 =	vld.idx.msk [tilespmem:v10+s15+$0x0], $0xffff  }
0x231: {  	v25 =	vld.idx.msk [tilespmem:v26+s15+$0x0], $0xffff;
	[tilespmem:s30+$0xFFFFFE50] =	vst v14  }
0x232: {  	v9 =	vld.idx.msk [tilespmem:v12+s15+$0x0], $0xffff;
	[tilespmem:$0x1FE00] =	vst v29  }
0x233: {  	v14 =	vld.idx.msk [tilespmem:v1+s15+$0x0], $0xffff;
	[tilespmem:$0x1FE10] =	vst v36  }
0x234: {  	v53 =	vmovc v34;
	v34 =	vmov v6;
	v16 =	vadd.s32 v57, v33;
	v6 =	vshll.u32 v0, $0x4;
	v0 =	vld [tilespmem:$0x1FDF0];
	[tilespmem:s23+$0x40] =	vst v11  }
0x235: {  	v1 =	vld [tilespmem:$0x1FE20];
	_ =	sdelay $0x2  }
0x236: {  	v26 =	vadd.s32 v23, v58;
	[tilespmem:s25+$0xFFFFFFA0] =	vst v27  }
0x237: {  	v37 =	vmov v20;
	v20 =	vmov v4;
	v4 =	vadd.s32 v59, v36;
	v11 =	vld.idx.msk [tilespmem:v16+s15+$0x0], $0xffff;
	[tilespmem:s24+$0x190] =	vst v10  }
0x238: {  	v7 =	vmov v41;
	v41 =	vmov v1;
	v16 =	vadd.s32 v39, v1;
	v1 =	vld [tilespmem:$0x1FE30]  }
0x239: {  	v12 =	vadd.s32 v22, v0  }
0x23a: {  	v0 =	vadd.s32 v6, v29;
	v6 =	vld.idx.msk [tilespmem:v28+s29+$0x30 ss:$0x1], $0xffff;
	[tilespmem:s26+$0xFFFFFF00] =	vst v25  }
0x23b: {  	v29 =	vld.idx.msk [tilespmem:v26+s15+$0x0], $0xffff;
	v0 =	vand.u32 $0xFFFFFFF8, v0;
	[tilespmem:s22+$0xF0] =	vst v9  }
0x23c: {  	[tilespmem:s30+$0xFFFFFE60] =	vst v14;
	v27 =	vor.u32 v18, v0;
	v17 =	vld.idx.msk [tilespmem:v4+s15+$0x0], $0xffff  }
0x23d: {  	v5 =	vmov v0;
	v0 =	vld [tilespmem:$0x1FE40];
	v10 =	vadd.s32 v57, v1  }
0x23e: {  	v12 =	vld.idx.msk [tilespmem:v12+s15+$0x0], $0xffff  }
0x23f: {  	[tilespmem:s23+$0x50] =	vst v11;
	v25 =	vld.idx.msk [tilespmem:v16+s15+$0x0], $0xffff  }
0x240: {  	v46 =	vmov v1;
	v1 =	vld [tilespmem:$0x1FE50]  }
0x241: {  	v27 =	vld.idx.msk [tilespmem:v27+s15+$0x0], $0xffff  }
0x242: {  	v14 =	vadd.s32 v22, v0;
	v0 =	vld.idx.msk [tilespmem:v10+s15+$0x0], $0xffff;
	[tilespmem:$0x1FE60] =	vst v28  }
0x243: {  	v4 =	vadd.s32 v23, v15;
	[tilespmem:s25+$0xFFFFFFB0] =	vst v29  }
0x244: {  	[tilespmem:s24+$0x1A0] =	vst v12  }
0x245: {  	v9 =	vadd.s32 v39, v1;
	v1 =	vld [tilespmem:$0x1FE70];
	[tilespmem:s26+$0xFFFFFF10] =	vst v17  }
0x246: {  	[tilespmem:s22+$0x100] =	vst v25  }
0x247: {  	v30 =	vadd.s32 v59, v44;
	v26 =	vld.idx.msk [tilespmem:v28+s29+$0xFFFFFFE0 ss:$0x1], $0xffff;
	[tilespmem:s30+$0xFFFFFE70] =	vst v27  }
0x248: {  	v10 =	vld.idx.msk [tilespmem:v4+s15+$0x0], $0xffff;
	[tilespmem:s23+$0x60] =	vst v0  }
0x249: {  	v29 =	vadd.s32 v19, v42;
	v0 =	vld [tilespmem:$0x1FE80]  }
0x24a: {  	v8 =	vld [tilespmem:$0x1FE90];
	v11 =	vadd.s32 v57, v1  }
0x24b: {  	v16 =	vld.idx.msk [tilespmem:v14+s15+$0x0], $0xffff  }
0x24c: {  	v52 =	vmov v21;
	v21 =	vmov v51;
	v28 =	vld.idx.msk [tilespmem:v30+s15+$0x0], $0xffff  }
0x24d: {  	v51 =	vmovc v54;
	v54 =	vmovc v50;
	v50 =	vmov v62;
	v62 =	vmov v40;
	v2 =	vmov v58;
	v12 =	vld.idx.msk [tilespmem:v9+s15+$0x0], $0xffff  }
0x24e: {  	v36 =	vmovc v44;
	v44 =	vmov v42;
	v25 =	vadd.s32 v23, v45;
	v30 =	vld.idx.msk [tilespmem:v29+s15+$0x0], $0xffff;
	v29 =	vadd.s32 v59, v47  }
0x24f: {  	s31 =	simm.s32 $0xE00;
	s28 =	smov.u32 s30;
	v42 =	vmovc v1;
	v1 =	vmov v45;
	v14 =	vadd.s32 v22, v0;
	v9 =	vld.idx.msk [tilespmem:v11+s15+$0x0], $0xffff;
	v11 =	vadd.s32 v39, v8  }
.LBB2_9:
0x250: {  	v17 =	vld [tilespmem:$0x1FE60];
	_ =	sdelay $0x1  }
0x251: {  	v18 =	vld [tilespmem:$0x1FEA0];
	_ =	sdelay $0x3  }
0x252: {  	v8 =	vmov v47;
	v47 =	vld [tilespmem:$0x1FD30]  }
0x253: {  	[tilespmem:$0x1FCE0] =	vst v61;
	v31 =	vadd.s32 v18, v61;
	v61 =	vld [tilespmem:$0x1FFE0]  }
0x254: {  	v27 =	vld.idx.msk [tilespmem:v17+s29+$0xFFFFFFC0 ss:$0x1], $0xffff;
	[tilespmem:s25+$0xFFFFFFC0] =	vst v10  }
0x255: {  	v10 =	vld.idx.msk [tilespmem:v25+s15+$0x0], $0xffff;
	[tilespmem:s24+$0x1B0] =	vst v16  }
0x256: {  	v22 =	vld [tilespmem:$0x1FFF0];
	[tilespmem:s26+$0xFFFFFF20] =	vst v28  }
0x257: {  	v14 =	vld.idx.msk [tilespmem:v14+s15+$0x0], $0xffff  }
0x258: {  	v16 =	vld.idx.msk [tilespmem:v29+s15+$0x0], $0xffff  }
0x259: {  	[tilespmem:s22+$0x110] =	vst v12;
	v12 =	vld [tilespmem:$0x1FD40]  }
0x25a: {  	v19 =	vmov v59;
	v25 =	vadd.s32 v61, v55;
	[tilespmem:s30+$0xFFFFFE80] =	vst v30;
	v30 =	vadd.s32 v59, v62;
	v59 =	vld [tilespmem:$0x1FE00]  }
0x25b: {  	v40 =	vmov v15;
	v15 =	vld [tilespmem:$0x1FED0];
	v28 =	vadd.s32 v23, v47  }
0x25c: {  	v11 =	vld.idx.msk [tilespmem:v11+s15+$0x0], $0xffff  }
0x25d: {  	v29 =	vld.idx.msk [tilespmem:v31+s15+$0x0], $0xffff;
	[tilespmem:s23+$0x70] =	vst v9  }
0x25e: {  	v31 =	vld.idx.msk [tilespmem:v17+s29+$0xFFFFFFD0 ss:$0x1], $0xffff;
	v4 =	vshll.u32 v27, $0x4;
	v12 =	vadd.s32 v22, v12  }
0x25f: {  	v25 =	vld.idx.msk [tilespmem:v25+s15+$0x0], $0xffff;
	v4 =	vadd.s32 v4, v59;
	[tilespmem:s25+$0xFFFFFFD0] =	vst v10  }
0x260: {  	v27 =	vadd.s32 v39, v38;
	v9 =	vand.u32 $0xFFFFFFF8, v4;
	v4 =	vld.idx.msk [tilespmem:v28+s15+$0x0], $0xffff;
	[tilespmem:s24+$0x1C0] =	vst v14  }
0x261: {  	v57 =	vmov v32;
	v45 =	vld [tilespmem:$0x1FD50];
	v32 =	vadd.s32 v18, v48;
	[tilespmem:s26+$0xFFFFFF30] =	vst v16  }
0x262: {  	v10 =	vadd.s32 v61, v52;
	v16 =	vld.idx.msk [tilespmem:v30+s15+$0x0], $0xffff  }
0x263: {  	v12 =	vld.idx.msk [tilespmem:v12+s15+$0x0], $0xffff;
	[tilespmem:s22+$0x120] =	vst v11  }
0x264: {  	v0 =	vmov v1;
	v1 =	vld [tilespmem:$0x1FD70];
	[tilespmem:s30+$0xFFFFFE90] =	vst v29  }
0x265: {  	v11 =	vld.idx.msk [tilespmem:v27+s15+$0x0], $0xffff  }
0x266: {  	v29 =	vld.idx.msk [tilespmem:v32+s15+$0x0], $0xffff;
	[tilespmem:s23+$0x80] =	vst v25  }
0x267: {  	v14 =	vor.u32 v15, v9;
	v25 =	vld.idx.msk [tilespmem:v10+s15+$0x0], $0xffff  }
0x268: {  	v28 =	vadd.s32 v23, v45;
	v10 =	vld [tilespmem:$0x1FEC0]  }
0x269: {  	v27 =	vadd.s32 v22, v1;
	v1 =	vld [tilespmem:$0x1FD90]  }
0x26a: {  	v63 =	vmov v62;
	v62 =	vmov v21  }
0x26b: {  	[tilespmem:$0x1FCF0] =	vst v0;
	v39 =	vmov v23;
	v23 =	vld [tilespmem:$0x1FEB0];
	v30 =	vadd.s32 v19, v62;
	v0 =	vshll.u32 v31, $0x4  }
0x26c: {  	v0 =	vadd.s32 v0, v59;
	v14 =	vld.idx.msk [tilespmem:v14+s15+$0x0], $0xffff;
	[tilespmem:s25+$0xFFFFFFE0] =	vst v4  }
0x26d: {  	v31 =	vadd.s32 v10, v37;
	v10 =	vand.u32 $0xFFFFFFF8, v0;
	v0 =	vld.idx.msk [tilespmem:v28+s15+$0x0], $0xffff;
	[tilespmem:s24+$0x1D0] =	vst v12  }
0x26e: {  	v21 =	vmov v1;
	v1 =	vmov v60;
	v60 =	vadd.s32 v18, v24;
	[tilespmem:s26+$0xFFFFFF40] =	vst v16  }
0x26f: {  	v16 =	vld.idx.msk [tilespmem:v27+s15+$0x0], $0xffff  }
0x270: {  	v4 =	vadd.s32 v61, v51;
	v27 =	vld.idx.msk [tilespmem:v30+s15+$0x0], $0xffff;
	[tilespmem:s22+$0x130] =	vst v11  }
0x271: {  	v12 =	vor.u32 v15, v10;
	[tilespmem:s30+$0xFFFFFEA0] =	vst v29;
	v11 =	vld [tilespmem:$0x1FEC0]  }
0x272: {  	v28 =	vadd.s32 v23, v54;
	v29 =	vld.idx.msk [tilespmem:v31+s15+$0x0], $0xffff  }
0x273: {  	s30 =	sadd.s32 $0x400, s30;
	v31 =	vld.idx.msk [tilespmem:v60+s15+$0x0], $0xffff;
	[tilespmem:s23+$0x90] =	vst v25  }
0x274: {  	v58 =	vmov v33;
	v30 =	vadd.s32 v22, v43;
	[tilespmem:s30+$0xFFFFFE00] =	vst v14  }
0x275: {  	v33 =	vmovc v20;
	v20 =	vmovc v35;
	v35 =	vmov v46;
	v46 =	vmov v47;
	v47 =	vadd.s32 v19, v21;
	v4 =	vld.idx.msk [tilespmem:v4+s15+$0x0], $0xffff  }
0x276: {  	v12 =	vld.idx.msk [tilespmem:v12+s15+$0x0], $0xffff;
	[tilespmem:s25+$0xFFFFFFF0] =	vst v0  }
0x277: {  	v14 =	vadd.s32 v11, v57;
	v0 =	vld.idx.msk [tilespmem:v28+s15+$0x0], $0xffff;
	[tilespmem:s24+$0x1E0] =	vst v16  }
0x278: {  	v60 =	vmov v5;
	v5 =	vshll.u32 v26, $0x4;
	v25 =	vadd.s32 v18, v56;
	[tilespmem:s26+$0xFFFFFF50] =	vst v27  }
0x279: {  	[tilespmem:$0x1FD30] =	vst v21;
	v5 =	vadd.s32 v5, v59;
	v26 =	vld.idx.msk [tilespmem:v30+s15+$0x0], $0xffff  }
0x27a: {  	v11 =	vand.u32 $0xFFFFFFF8, v5;
	v5 =	vadd.s32 v61, v50;
	v27 =	vld.idx.msk [tilespmem:v47+s15+$0x0], $0xffff;
	[tilespmem:s22+$0x140] =	vst v29  }
0x27b: {  	v21 =	vmov v7;
	v7 =	vld [tilespmem:$0x1FEC0];
	v16 =	vor.u32 v15, v11;
	[tilespmem:s28+$0xFFFFFEB0] =	vst v31  }
0x27c: {  	v28 =	vadd.s32 v23, v3;
	v14 =	vld.idx.msk [tilespmem:v14+s15+$0x0], $0xffff  }
0x27d: {  	v25 =	vld.idx.msk [tilespmem:v25+s15+$0x0], $0xffff;
	[tilespmem:s23+$0xA0] =	vst v4  }
0x27e: {  	v29 =	vadd.s32 v19, v21;
	v4 =	vld [tilespmem:$0x1FD80];
	[tilespmem:s30+$0xFFFFFE10] =	vst v12  }
0x27f: {  	[tilespmem:$0x1FD50] =	vst v21;
	v5 =	vld.idx.msk [tilespmem:v5+s15+$0x0], $0xffff  }
0x280: {  	v30 =	vadd.s32 v7, v20;
	v16 =	vld.idx.msk [tilespmem:v16+s15+$0x0], $0xffff;
	[tilespmem:s25+$0x0] =	vst v0  }
0x281: {  	s29 =	sshra.s32 s31, $0x2;
	v31 =	vadd.s32 v18, v33;
	v0 =	vld.idx.msk [tilespmem:v28+s15+$0x0], $0xffff;
	[tilespmem:s24+$0x1F0] =	vst v26  }
0x282: {  	s24 =	smov.u32 s22;
	s22 =	smov.u32 s23;
	v7 =	vld.idx.msk [tilespmem:v17+s29+$0xFFFFFFF0 ss:$0x1], $0xffff;
	[tilespmem:s26+$0xFFFFFF60] =	vst v27  }
0x283: {  	s23 =	smov.u32 s25;
	s25 =	smov.u32 s26;
	s26 =	smov.u32 s28;
	v28 =	vld.idx.msk [tilespmem:v29+s15+$0x0], $0xffff;
	[tilespmem:s24+$0x150] =	vst v14  }
0x284: {  	v21 =	vmov v33;
	v33 =	vld [tilespmem:$0x1FDC0];
	v4 =	vshll.u32 v4, $0x4;
	[tilespmem:s26+$0xFFFFFEC0] =	vst v25  }
0x285: {  	v4 =	vadd.s32 v4, v59;
	v14 =	vld.idx.msk [tilespmem:v30+s15+$0x0], $0xffff  }
0x286: {  	v25 =	vld.idx.msk [tilespmem:v31+s15+$0x0], $0xffff;
	v12 =	vand.u32 $0xFFFFFFF8, v4;
	v4 =	vadd.s32 v61, v49  }
0x287: {  	[tilespmem:s22+$0xB0] =	vst v5;
	v5 =	vshll.u32 v13, $0x4;
	v13 =	vld [tilespmem:$0x1FEC0];
	v26 =	vor.u32 v15, v12  }
0x288: {  	v29 =	vadd.s32 v23, v53  }
0x289: {  	v43 =	vmovc v34;
	v34 =	vmov v42;
	v42 =	vmov v45;
	v5 =	vadd.s32 v5, v59  }
0x28a: {  	v45 =	vmovc v58;
	v30 =	vadd.s32 v39, v33;
	[tilespmem:s30+$0xFFFFFE20] =	vst v16;
	v27 =	vand.u32 $0xFFFFFFF8, v5;
	v5 =	vadd.s32 v61, v58;
	v58 =	vld [tilespmem:$0x1FE10]  }
0x28b: {  	v4 =	vld.idx.msk [tilespmem:v4+s15+$0x0], $0xffff  }
0x28c: {  	v16 =	vadd.s32 v13, v43;
	v26 =	vld.idx.msk [tilespmem:v26+s15+$0x0], $0xffff;
	[tilespmem:s23+$0x10] =	vst v0  }
0x28d: {  	v31 =	vadd.s32 v18, v1;
	v0 =	vld.idx.msk [tilespmem:v29+s15+$0x0], $0xffff  }
0x28e: {  	v13 =	vld.idx.msk [tilespmem:v17+s29+$0x0 ss:$0x1], $0xffff;
	[tilespmem:s25+$0xFFFFFF70] =	vst v28  }
0x28f: {  	v28 =	vld.idx.msk [tilespmem:v30+s15+$0x0], $0xffff;
	[tilespmem:s24+$0x160] =	vst v14  }
0x290: {  	v29 =	vor.u32 v15, v27;
	[tilespmem:s26+$0xFFFFFED0] =	vst v25  }
0x291: {  	[tilespmem:$0x1FD90] =	vst v1;
	v30 =	vadd.s32 v23, v2;
	v14 =	vld.idx.msk [tilespmem:v16+s15+$0x0], $0xffff  }
0x292: {  	v16 =	vld.idx.msk [tilespmem:v31+s15+$0x0], $0xffff;
	[tilespmem:s22+$0xC0] =	vst v4  }
0x293: {  	v1 =	vld [tilespmem:$0x1FDA0];
	v25 =	vadd.s32 v39, v58;
	[tilespmem:s30+$0xFFFFFE30] =	vst v26  }
0x294: {  	v5 =	vld.idx.msk [tilespmem:v5+s15+$0x0], $0xffff  }
0x295: {  	v31 =	vadd.s32 v18, v60;
	v29 =	vld.idx.msk [tilespmem:v29+s15+$0x0], $0xffff;
	[tilespmem:s23+$0x20] =	vst v0  }
0x296: {  	v26 =	vadd.s32 v22, v41;
	v0 =	vld.idx.msk [tilespmem:v30+s15+$0x0], $0xffff  }
0x297: {  	v41 =	vmovc v55;
	v55 =	vmov v54;
	v54 =	vmov v33;
	v33 =	vmov v9;
	v9 =	vld.idx.msk [tilespmem:v17+s29+$0x10 ss:$0x1], $0xffff;
	[tilespmem:s25+$0xFFFFFF80] =	vst v28  }
0x298: {  	v25 =	vld.idx.msk [tilespmem:v25+s15+$0x0], $0xffff;
	[tilespmem:s24+$0x170] =	vst v14  }
0x299: {  	v4 =	vshll.u32 v1, $0x4;
	[tilespmem:s26+$0xFFFFFEE0] =	vst v16  }
0x29a: {  	v1 =	vmov v44;
	v4 =	vadd.s32 v4, v59;
	v16 =	vld.idx.msk [tilespmem:v31+s15+$0x0], $0xffff  }
0x29b: {  	[tilespmem:$0x1FDC0] =	vst v1;
	v4 =	vand.u32 $0xFFFFFFF8, v4;
	v30 =	vadd.s32 v61, v35;
	v31 =	vadd.s32 v19, v1;
	v1 =	vld [tilespmem:$0x1FCE0]  }
0x29c: {  	v14 =	vld.idx.msk [tilespmem:v26+s15+$0x0], $0xffff;
	[tilespmem:$0x1FDA0] =	vst v9;
	v9 =	vor.u32 v15, v4  }
0x29d: {  	[tilespmem:s22+$0xD0] =	vst v5;
	v5 =	vld [tilespmem:$0x1FDD0]  }
0x29e: {  	[tilespmem:$0x1FD70] =	vst v20  }
0x29f: {  	v20 =	vmov v4;
	v28 =	vadd.s32 v23, v40;
	[tilespmem:s30+$0xFFFFFE40] =	vst v29;
	v4 =	vld [tilespmem:$0x1FE50]  }
0x2a0: {  	[tilespmem:$0x1FD40] =	vst v57;
	v26 =	vadd.s32 v39, v36;
	v29 =	vld.idx.msk [tilespmem:v30+s15+$0x0], $0xffff  }
0x2a1: {  	v57 =	vmov v56;
	v9 =	vld.idx.msk [tilespmem:v9+s15+$0x0], $0xffff;
	[tilespmem:s23+$0x30] =	vst v0  }
0x2a2: {  	v56 =	vmovc v52;
	v52 =	vmovc v3;
	v3 =	vmov v58;
	v58 =	vmov v1;
	v5 =	vshll.u32 v5, $0x4;
	v1 =	vld.idx.msk [tilespmem:v17+s29+$0x20 ss:$0x1], $0xffff  }
0x2a3: {  	v5 =	vadd.s32 v5, v59  }
0x2a4: {  	v30 =	vadd.s32 v22, v4;
	v0 =	vand.u32 $0xFFFFFFF8, v5;
	v5 =	vld.idx.msk [tilespmem:v28+s15+$0x0], $0xffff;
	[tilespmem:s25+$0xFFFFFF90] =	vst v25  }
0x2a5: {  	v25 =	vld.idx.msk [tilespmem:v26+s15+$0x0], $0xffff;
	[tilespmem:s24+$0x180] =	vst v14  }
0x2a6: {  	v4 =	vld [tilespmem:$0x1FCF0];
	v28 =	vadd.s32 v61, v34;
	[tilespmem:s26+$0xFFFFFEF0] =	vst v16  }
0x2a7: {  	[tilespmem:$0x1FDD0] =	vst v1;
	v1 =	vld [tilespmem:$0x1FE90]  }
0x2a8: {  	v16 =	vld.idx.msk [tilespmem:v31+s15+$0x0], $0xffff  }
0x2a9: {  	v14 =	vld.idx.msk [tilespmem:v30+s15+$0x0], $0xffff;
	[tilespmem:s22+$0xE0] =	vst v29  }
0x2aa: {  	v6 =	vshll.u32 v6, $0x4;
	v61 =	vmov v10;
	v10 =	vor.u32 v15, v0;
	[tilespmem:s30+$0xFFFFFE50] =	vst v9  }
0x2ab: {  	v6 =	vadd.s32 v6, v59;
	v26 =	vadd.s32 v23, v4;
	v9 =	vld.idx.msk [tilespmem:v28+s15+$0x0], $0xffff  }
0x2ac: {  	v28 =	vadd.s32 v22, v1;
	v1 =	vand.u32 $0xFFFFFFF8, v6;
	v6 =	vld [tilespmem:$0x1FEC0]  }
0x2ad: {  	v30 =	vadd.s32 v39, v8;
	_ =	sdelay $0x1  }
0x2ae: {  	v10 =	vld.idx.msk [tilespmem:v10+s15+$0x0], $0xffff;
	[tilespmem:s23+$0x40] =	vst v5  }
0x2af: {  	v29 =	vadd.s32 v19, v58;
	v26 =	vld.idx.msk [tilespmem:v26+s15+$0x0], $0xffff  }
0x2b0: {  	v31 =	vadd.s32 v6, v41;
	v6 =	vld.idx.msk [tilespmem:v17+s29+$0x30 ss:$0x1], $0xffff;
	[tilespmem:s25+$0xFFFFFFA0] =	vst v25  }
0x2b1: {  	v59 =	vmov v48;
	v48 =	vmov v11;
	v11 =	vor.u32 v15, v1;
	v25 =	vld.idx.msk [tilespmem:v30+s15+$0x0], $0xffff;
	[tilespmem:s24+$0x190] =	vst v14  }
0x2b2: {  	[tilespmem:s26+$0xFFFFFF00] =	vst v16  }
0x2b3: {  	v30 =	vadd.s32 v23, v46;
	v14 =	vld.idx.msk [tilespmem:v28+s15+$0x0], $0xffff  }
0x2b4: {  	v16 =	vld.idx.msk [tilespmem:v29+s15+$0x0], $0xffff;
	[tilespmem:s22+$0xF0] =	vst v9  }
0x2b5: {  	v28 =	vadd.s32 v39, v63;
	[tilespmem:s30+$0xFFFFFE60] =	vst v10;
	v10 =	vld [tilespmem:$0x1FEC0]  }
0x2b6: {  	v11 =	vld.idx.msk [tilespmem:v11+s15+$0x0], $0xffff  }
0x2b7: {  	v29 =	vadd.s32 v22, v38;
	v9 =	vld.idx.msk [tilespmem:v31+s15+$0x0], $0xffff;
	[tilespmem:s23+$0x50] =	vst v26  }
0x2b8: {  	v31 =	vadd.s32 v19, v59;
	v32 =	vld.idx.msk [tilespmem:v30+s15+$0x0], $0xffff  }
0x2b9: {  	v26 =	vld.idx.msk [tilespmem:v17+s29+$0xFFFFFFE0 ss:$0x1], $0xffff;
	[tilespmem:s25+$0xFFFFFFB0] =	vst v25  }
0x2ba: {  	v47 =	vmov v24;
	v24 =	vmov v12;
	v12 =	vadd.s32 v10, v56;
	v10 =	vld.idx.msk [tilespmem:v28+s15+$0x0], $0xffff;
	[tilespmem:s24+$0x1A0] =	vst v14  }
0x2bb: {  	[tilespmem:s26+$0xFFFFFF10] =	vst v16  }
0x2bc: {  	[tilespmem:$0x1FD80] =	vst v7;
	v30 =	vadd.s32 v18, v33;
	v16 =	vld.idx.msk [tilespmem:v29+s15+$0x0], $0xffff  }
0x2bd: {  	[tilespmem:$0x1FE50] =	vst v56;
	v28 =	vld.idx.msk [tilespmem:v31+s15+$0x0], $0xffff  }
0x2be: {  	p1 =	sne.s32 s31, $0x3E00;
	v7 =	vmov v60;
	v44 =	vmov v33;
	v33 =	vadd.s32 v23, v42;
	[tilespmem:s30+$0xFFFFFE70] =	vst v11;
	v11 =	vld [tilespmem:$0x1FEC0]  }
.Ltmp3:
0x2bf: {  	[tilespmem:$0x1FE10] =	vst v58;
	v60 =	vmovc v0;
	v0 =	vmovc v51;
	v51 =	vmov v53;
	v53 =	vmov v36;
	v36 =	vmov v59;
	(pc) =	sbr.rel @p1 .LBB2_9-.Ltmp3, $4  }
0x2c0: {  	v5 =	vmovc v1;
	v15 =	vmovc v63;
	v1 =	vmov v62;
	v23 =	vmov v39;
	v25 =	vadd.s32 v39, v62;
	v39 =	vld [tilespmem:$0x1FEC0];
	[tilespmem:s22+$0x100] =	vst v9  }
0x2c1: {  	[tilespmem:$0x1FE90] =	vst v0;
	v38 =	vmovc v50;
	v50 =	vmovc v2;
	v2 =	vmov v8;
	v59 =	vmov v19;
	v62 =	vmov v57;
	v30 =	vld.idx.msk [tilespmem:v30+s15+$0x0], $0xffff  }
0x2c2: {  	v14 =	vadd.s32 v22, v37;
	v37 =	vmovc v49;
	v49 =	vmov v40;
	v56 =	vmov v27;
	v12 =	vld.idx.msk [tilespmem:v12+s15+$0x0], $0xffff;
	[tilespmem:s23+$0x60] =	vst v32  }
0x2c3: {  	s31 =	sadd.s32 $0x200, s31;
	s28 =	smov.u32 s30;
	v29 =	vadd.s32 v19, v47;
	v32 =	vmovc v45;
	v9 =	vld.idx.msk [tilespmem:v33+s15+$0x0], $0xffff;
	v33 =	vmov v4;
	v11 =	vadd.s32 v11, v0  }
0x2c4: {  	v17 =	vld [tilespmem:$0x1FE60];
	_ =	sdelay $0x7  }
0x2c5: {  	v27 =	vld.idx.msk [tilespmem:v17+s29+$0xFFFFFFC0 ss:$0x1], $0xffff  }
0x2c6: {  	v0 =	vld [tilespmem:$0x1FE00];
	_ =	sdelay $0x1  }
0x2c7: {  	v18 =	vld [tilespmem:$0x1FED0];
	_ =	sdelay $0x1  }
0x2c8: {  	v27 =	vshll.u32 v27, $0x4  }
0x2c9: {  	v31 =	vld.idx.msk [tilespmem:v17+s29+$0xFFFFFFD0 ss:$0x1], $0xffff;
	v27 =	vadd.s32 v27, v0  }
0x2ca: {  	v4 =	vmov v61;
	v61 =	vand.u32 $0xFFFFFFF8, v27  }
0x2cb: {  	v27 =	vor.u32 v18, v61;
	_ =	sdelay $0x2  }
0x2cc: {  	v31 =	vshll.u32 v31, $0x4  }
0x2cd: {  	v31 =	vadd.s32 v31, v0  }
0x2ce: {  	v58 =	vand.u32 $0xFFFFFFF8, v31;
	v27 =	vld.idx.msk [tilespmem:v27+s15+$0x0], $0xffff  }
0x2cf: {  	v31 =	vor.u32 v18, v58;
	_ =	sdelay $0x2  }
0x2d0: {  	s31 =	sadd.s32 $0x400, s30  }
0x2d1: {  	v26 =	vshll.u32 v26, $0x4;
	[tilespmem:s31+$0xFFFFFE00] =	vst v27  }
0x2d2: {  	v26 =	vadd.s32 v26, v0;
	v27 =	vld.idx.msk [tilespmem:v31+s15+$0x0], $0xffff  }
0x2d3: {  	v57 =	vand.u32 $0xFFFFFFF8, v26;
	v8 =	vld [tilespmem:$0x1FD80]  }
0x2d4: {  	v26 =	vor.u32 v18, v57;
	_ =	sdelay $0x3  }
0x2d5: {  	v22 =	vshll.u32 v8, $0x4;
	[tilespmem:s31+$0xFFFFFE10] =	vst v27  }
0x2d6: {  	v22 =	vadd.s32 v22, v0;
	v26 =	vld.idx.msk [tilespmem:v26+s15+$0x0], $0xffff  }
0x2d7: {  	v63 =	vand.u32 $0xFFFFFFF8, v22  }
0x2d8: {  	v27 =	vor.u32 v18, v63;
	_ =	sdelay $0x2  }
0x2d9: {  	[tilespmem:s31+$0xFFFFFE20] =	vst v26  }
0x2da: {  	v13 =	vshll.u32 v13, $0x4;
	v40 =	vld [tilespmem:$0x1FDA0]  }
0x2db: {  	v13 =	vadd.s32 v13, v0;
	v26 =	vld.idx.msk [tilespmem:v27+s15+$0x0], $0xffff  }
0x2dc: {  	v31 =	vand.u32 $0xFFFFFFF8, v13  }
0x2dd: {  	v27 =	vor.u32 v18, v31;
	_ =	sdelay $0x2  }
0x2de: {  	v17 =	vshll.u32 v40, $0x4;
	[tilespmem:s31+$0xFFFFFE30] =	vst v26  }
0x2df: {  	v17 =	vadd.s32 v17, v0;
	v45 =	vld [tilespmem:$0x1FDD0]  }
0x2e0: {  	v26 =	vld.idx.msk [tilespmem:v27+s15+$0x0], $0xffff;
	v17 =	vand.u32 $0xFFFFFFF8, v17  }
0x2e1: {  	v27 =	vor.u32 v18, v17;
	_ =	sdelay $0x2  }
0x2e2: {  	v8 =	vshll.u32 v45, $0x4  }
0x2e3: {  	[tilespmem:s31+$0xFFFFFE40] =	vst v26;
	v8 =	vadd.s32 v8, v0  }
0x2e4: {  	v26 =	vld.idx.msk [tilespmem:v27+s15+$0x0], $0xffff;
	v22 =	vand.u32 $0xFFFFFFF8, v8  }
0x2e5: {  	v8 =	vor.u32 v18, v22;
	_ =	sdelay $0x3  }
0x2e6: {  	[tilespmem:s31+$0xFFFFFE50] =	vst v26  }
0x2e7: {  	v8 =	vld.idx.msk [tilespmem:v8+s15+$0x0], $0xffff;
	_ =	sdelay $0x1  }
0x2e8: {  	v6 =	vshll.u32 v6, $0x4  }
0x2e9: {  	v6 =	vadd.s32 v6, v0  }
0x2ea: {  	v13 =	vand.u32 $0xFFFFFFF8, v6  }
0x2eb: {  	v6 =	vor.u32 v18, v13;
	[tilespmem:s31+$0xFFFFFE60] =	vst v8  }
0x2ec: {  	v18 =	vld [tilespmem:$0x1FEA0];
	_ =	sdelay $0x3  }
0x2ed: {  	v6 =	vld.idx.msk [tilespmem:v6+s15+$0x0], $0xffff  }
0x2ee: {  	v0 =	vadd.s32 v18, v61;
	_ =	sdelay $0x3  }
0x2ef: {  	[tilespmem:s31+$0xFFFFFE70] =	vst v6;
	v40 =	vadd.s32 v18, v4  }
0x2f0: {  	v8 =	vld.idx.msk [tilespmem:v0+s15+$0x0], $0xffff  }
0x2f1: {  	v26 =	vadd.s32 v18, v58;
	_ =	sdelay $0x1  }
0x2f2: {  	[tilespmem:s30+$0xFFFFFE80] =	vst v30  }
0x2f3: {  	v6 =	vld.idx.msk [tilespmem:v40+s15+$0x0], $0xffff  }
0x2f4: {  	v45 =	vadd.s32 v18, v48;
	[tilespmem:s31+$0xFFFFFE80] =	vst v8  }
0x2f5: {  	v26 =	vld.idx.msk [tilespmem:v26+s15+$0x0], $0xffff  }
0x2f6: {  	v27 =	vadd.s32 v18, v57;
	_ =	sdelay $0x1  }
0x2f7: {  	[tilespmem:s30+$0xFFFFFE90] =	vst v6  }
0x2f8: {  	v6 =	vld.idx.msk [tilespmem:v45+s15+$0x0], $0xffff  }
0x2f9: {  	v19 =	vmov v48;
	v48 =	vadd.s32 v18, v24;
	[tilespmem:s31+$0xFFFFFE90] =	vst v26  }
0x2fa: {  	v26 =	vld.idx.msk [tilespmem:v27+s15+$0x0], $0xffff  }
0x2fb: {  	v27 =	vadd.s32 v18, v63;
	_ =	sdelay $0x1  }
0x2fc: {  	[tilespmem:s30+$0xFFFFFEA0] =	vst v6  }
0x2fd: {  	v6 =	vld.idx.msk [tilespmem:v48+s15+$0x0], $0xffff  }
0x2fe: {  	v0 =	vadd.s32 v18, v56;
	[tilespmem:s31+$0xFFFFFEA0] =	vst v26  }
0x2ff: {  	v26 =	vld.idx.msk [tilespmem:v27+s15+$0x0], $0xffff  }
0x300: {  	v27 =	vadd.s32 v18, v31;
	_ =	sdelay $0x1  }
0x301: {  	[tilespmem:s28+$0xFFFFFEB0] =	vst v6  }
0x302: {  	v6 =	vld.idx.msk [tilespmem:v0+s15+$0x0], $0xffff  }
0x303: {  	v40 =	vadd.s32 v18, v20;
	[tilespmem:s31+$0xFFFFFEB0] =	vst v26  }
0x304: {  	v26 =	vld.idx.msk [tilespmem:v27+s15+$0x0], $0xffff  }
0x305: {  	v27 =	vadd.s32 v18, v17;
	_ =	sdelay $0x1  }
0x306: {  	[tilespmem:s28+$0xFFFFFEC0] =	vst v6  }
0x307: {  	v6 =	vld.idx.msk [tilespmem:v40+s15+$0x0], $0xffff  }
0x308: {  	v45 =	vadd.s32 v18, v60;
	[tilespmem:s31+$0xFFFFFEC0] =	vst v26  }
0x309: {  	v26 =	vld.idx.msk [tilespmem:v27+s15+$0x0], $0xffff  }
0x30a: {  	v27 =	vadd.s32 v18, v22;
	_ =	sdelay $0x1  }
0x30b: {  	[tilespmem:s28+$0xFFFFFED0] =	vst v6  }
0x30c: {  	v6 =	vld.idx.msk [tilespmem:v45+s15+$0x0], $0xffff  }
0x30d: {  	v48 =	vadd.s32 v18, v5;
	[tilespmem:s31+$0xFFFFFED0] =	vst v26  }
0x30e: {  	v26 =	vld.idx.msk [tilespmem:v27+s15+$0x0], $0xffff  }
0x30f: {  	v27 =	vadd.s32 v18, v13;
	_ =	sdelay $0x1  }
0x310: {  	[tilespmem:s28+$0xFFFFFEE0] =	vst v6  }
0x311: {  	v6 =	vld.idx.msk [tilespmem:v48+s15+$0x0], $0xffff  }
0x312: {  	v0 =	vadd.s32 v59, v44;
	[tilespmem:s31+$0xFFFFFEE0] =	vst v26  }
0x313: {  	v26 =	vld.idx.msk [tilespmem:v27+s15+$0x0], $0xffff  }
0x314: {  	v27 =	vadd.s32 v59, v61  }
0x315: {  	[tilespmem:$0x1FCD0] =	vst v61  }
0x316: {  	[tilespmem:s28+$0xFFFFFEF0] =	vst v6  }
0x317: {  	v6 =	vld.idx.msk [tilespmem:v0+s15+$0x0], $0xffff  }
0x318: {  	v40 =	vmov v44;
	v44 =	vadd.s32 v59, v4;
	[tilespmem:s31+$0xFFFFFEF0] =	vst v26  }
0x319: {  	v26 =	vld.idx.msk [tilespmem:v27+s15+$0x0], $0xffff  }
0x31a: {  	v27 =	vadd.s32 v59, v58;
	_ =	sdelay $0x1  }
0x31b: {  	[tilespmem:s28+$0xFFFFFF00] =	vst v6  }
0x31c: {  	v6 =	vld.idx.msk [tilespmem:v44+s15+$0x0], $0xffff  }
0x31d: {  	v0 =	vmov v58;
	v58 =	vadd.s32 v59, v19;
	[tilespmem:s31+$0xFFFFFF00] =	vst v26  }
0x31e: {  	v26 =	vld.idx.msk [tilespmem:v27+s15+$0x0], $0xffff  }
0x31f: {  	v27 =	vadd.s32 v59, v57;
	_ =	sdelay $0x1  }
0x320: {  	[tilespmem:s28+$0xFFFFFF10] =	vst v6  }
0x321: {  	v30 =	vmov v24;
	v6 =	vld.idx.msk [tilespmem:v58+s15+$0x0], $0xffff  }
0x322: {  	v45 =	vmov v5;
	v5 =	vmov v61;
	v61 =	vadd.s32 v59, v30;
	[tilespmem:s31+$0xFFFFFF10] =	vst v26  }
0x323: {  	v26 =	vld.idx.msk [tilespmem:v27+s15+$0x0], $0xffff;
	_ =	sdelay $0x1  }
0x324: {  	[tilespmem:s26+$0xFFFFFF20] =	vst v28;
	v27 =	vadd.s32 v59, v63  }
0x325: {  	v28 =	vld.idx.msk [tilespmem:v29+s15+$0x0], $0xffff;
	[tilespmem:s28+$0xFFFFFF20] =	vst v6  }
0x326: {  	v24 =	vmov v56;
	v44 =	vmov v63;
	v63 =	vadd.s32 v59, v62;
	v8 =	vld.idx.msk [tilespmem:v61+s15+$0x0], $0xffff  }
0x327: {  	[tilespmem:s31+$0xFFFFFF20] =	vst v26;
	v26 =	vadd.s32 v59, v24;
	_ =	sdelay $0x1  }
0x328: {  	v56 =	vmov v31;
	v27 =	vld.idx.msk [tilespmem:v27+s15+$0x0], $0xffff  }
0x329: {  	v29 =	vadd.s32 v59, v56;
	[tilespmem:s26+$0xFFFFFF30] =	vst v28  }
0x32a: {  	v6 =	vld.idx.msk [tilespmem:v63+s15+$0x0], $0xffff;
	[tilespmem:s28+$0xFFFFFF30] =	vst v8  }
0x32b: {  	v26 =	vld.idx.msk [tilespmem:v26+s15+$0x0], $0xffff;
	_ =	sdelay $0x1  }
0x32c: {  	[tilespmem:s31+$0xFFFFFF30] =	vst v27  }
0x32d: {  	v28 =	vld.idx.msk [tilespmem:v29+s15+$0x0], $0xffff;
	[tilespmem:$0x1FC50] =	vst v17  }
0x32e: {  	v27 =	vadd.s32 v59, v20;
	[tilespmem:s26+$0xFFFFFF40] =	vst v6  }
0x32f: {  	v31 =	vmov v57;
	v57 =	vadd.s32 v59, v21;
	[tilespmem:s28+$0xFFFFFF40] =	vst v26  }
0x330: {  	v48 =	vmovc v4;
	v4 =	vmov v19;
	v19 =	vmov v17;
	v29 =	vadd.s32 v59, v17;
	v17 =	vld [tilespmem:$0x1FD90];
	_ =	sdelay $0x2  }
0x331: {  	v26 =	vld.idx.msk [tilespmem:v27+s15+$0x0], $0xffff  }
0x332: {  	v6 =	vld.idx.msk [tilespmem:v57+s15+$0x0], $0xffff;
	v27 =	vadd.s32 v59, v60  }
0x333: {  	v58 =	vadd.s32 v59, v17;
	_ =	sdelay $0x1  }
0x334: {  	[tilespmem:s31+$0xFFFFFF40] =	vst v28  }
0x335: {  	v28 =	vld.idx.msk [tilespmem:v29+s15+$0x0], $0xffff;
	[tilespmem:s28+$0xFFFFFF50] =	vst v26  }
0x336: {  	v29 =	vadd.s32 v59, v22;
	[tilespmem:s26+$0xFFFFFF50] =	vst v6;
	v26 =	vld.idx.msk [tilespmem:v27+s15+$0x0], $0xffff  }
0x337: {  	v27 =	vadd.s32 v59, v45;
	v6 =	vld.idx.msk [tilespmem:v58+s15+$0x0], $0xffff  }
0x338: {  	v63 =	vadd.s32 v59, v7;
	_ =	sdelay $0x1  }
0x339: {  	[tilespmem:s31+$0xFFFFFF50] =	vst v28  }
0x33a: {  	v28 =	vld.idx.msk [tilespmem:v29+s15+$0x0], $0xffff;
	[tilespmem:s28+$0xFFFFFF60] =	vst v26  }
0x33b: {  	v26 =	vld.idx.msk [tilespmem:v27+s15+$0x0], $0xffff;
	[tilespmem:s26+$0xFFFFFF60] =	vst v6  }
0x33c: {  	v6 =	vld.idx.msk [tilespmem:v63+s15+$0x0], $0xffff  }
0x33d: {  	v57 =	vmov v13;
	v29 =	vadd.s32 v59, v13;
	v13 =	vld [tilespmem:$0x1FDC0];
	_ =	sdelay $0x1  }
0x33e: {  	[tilespmem:s31+$0xFFFFFF60] =	vst v28  }
0x33f: {  	[tilespmem:$0x1FC60] =	vst v40  }
0x340: {  	[tilespmem:s28+$0xFFFFFF70] =	vst v26  }
0x341: {  	v63 =	vadd.s32 v23, v13;
	[tilespmem:s26+$0xFFFFFF70] =	vst v6  }
0x342: {  	v58 =	vld [tilespmem:$0x1FE10]  }
0x343: {  	v27 =	vadd.s32 v23, v40  }
0x344: {  	v28 =	vld.idx.msk [tilespmem:v29+s15+$0x0], $0xffff  }
0x345: {  	v29 =	vadd.s32 v23, v5  }
0x346: {  	v6 =	vld.idx.msk [tilespmem:v63+s15+$0x0], $0xffff  }
0x347: {  	v61 =	vmovc v22;
	v22 =	vmov v7;
	v7 =	vmov v45;
	v45 =	vadd.s32 v23, v58  }
0x348: {  	v26 =	vld.idx.msk [tilespmem:v27+s15+$0x0], $0xffff  }
0x349: {  	[tilespmem:s31+$0xFFFFFF70] =	vst v28  }
0x34a: {  	v28 =	vld.idx.msk [tilespmem:v29+s15+$0x0], $0xffff;
	[tilespmem:$0x1FC70] =	vst v0  }
0x34b: {  	v27 =	vadd.s32 v23, v48;
	[tilespmem:s26+$0xFFFFFF80] =	vst v6  }
0x34c: {  	v29 =	vadd.s32 v23, v0;
	v6 =	vld.idx.msk [tilespmem:v45+s15+$0x0], $0xffff  }
0x34d: {  	v63 =	vmov v0;
	v0 =	vadd.s32 v23, v36;
	[tilespmem:s28+$0xFFFFFF80] =	vst v26  }
0x34e: {  	[tilespmem:$0x1FC80] =	vst v36  }
0x34f: {  	[tilespmem:s31+$0xFFFFFF80] =	vst v28  }
0x350: {  	v26 =	vld.idx.msk [tilespmem:v27+s15+$0x0], $0xffff;
	[tilespmem:$0x1FC90] =	vst v4  }
0x351: {  	v27 =	vadd.s32 v23, v4;
	v28 =	vld.idx.msk [tilespmem:v29+s15+$0x0], $0xffff;
	[tilespmem:s26+$0xFFFFFF90] =	vst v6  }
0x352: {  	v29 =	vadd.s32 v23, v31;
	v6 =	vld.idx.msk [tilespmem:v0+s15+$0x0], $0xffff  }
0x353: {  	v45 =	vadd.s32 v23, v47;
	_ =	sdelay $0x1  }
0x354: {  	[tilespmem:s28+$0xFFFFFF90] =	vst v26  }
0x355: {  	v26 =	vld.idx.msk [tilespmem:v27+s15+$0x0], $0xffff;
	[tilespmem:s31+$0xFFFFFF90] =	vst v28  }
0x356: {  	v27 =	vadd.s32 v23, v30;
	v28 =	vld.idx.msk [tilespmem:v29+s15+$0x0], $0xffff;
	[tilespmem:s26+$0xFFFFFFA0] =	vst v6  }
0x357: {  	v29 =	vadd.s32 v23, v44;
	v6 =	vld.idx.msk [tilespmem:v45+s15+$0x0], $0xffff  }
0x358: {  	v0 =	vadd.s32 v23, v62;
	_ =	sdelay $0x1  }
0x359: {  	[tilespmem:s28+$0xFFFFFFA0] =	vst v26  }
0x35a: {  	v26 =	vld.idx.msk [tilespmem:v27+s15+$0x0], $0xffff;
	[tilespmem:s31+$0xFFFFFFA0] =	vst v28  }
0x35b: {  	v27 =	vadd.s32 v23, v24;
	v28 =	vld.idx.msk [tilespmem:v29+s15+$0x0], $0xffff;
	[tilespmem:s26+$0xFFFFFFB0] =	vst v6  }
0x35c: {  	v29 =	vadd.s32 v23, v56;
	v6 =	vld.idx.msk [tilespmem:v0+s15+$0x0], $0xffff;
	_ =	sdelay $0x1  }
0x35d: {  	[tilespmem:s25+$0xFFFFFFC0] =	vst v10  }
0x35e: {  	[tilespmem:s28+$0xFFFFFFB0] =	vst v26  }
0x35f: {  	v5 =	vmov v36;
	v36 =	vadd.s32 v23, v21;
	v26 =	vld.idx.msk [tilespmem:v27+s15+$0x0], $0xffff;
	[tilespmem:s31+$0xFFFFFFB0] =	vst v28  }
0x360: {  	v28 =	vld.idx.msk [tilespmem:v29+s15+$0x0], $0xffff;
	[tilespmem:s26+$0xFFFFFFC0] =	vst v6  }
0x361: {  	v29 =	vadd.s32 v23, v19;
	v19 =	vld [tilespmem:$0x1FD30]  }
0x362: {  	v27 =	vadd.s32 v23, v20;
	_ =	sdelay $0x1  }
0x363: {  	v8 =	vld.idx.msk [tilespmem:v36+s15+$0x0], $0xffff  }
0x364: {  	v10 =	vld.idx.msk [tilespmem:v25+s15+$0x0], $0xffff;
	v25 =	vadd.s32 v23, v17  }
0x365: {  	[tilespmem:s28+$0xFFFFFFC0] =	vst v26;
	v45 =	vadd.s32 v23, v19  }
0x366: {  	v26 =	vld.idx.msk [tilespmem:v27+s15+$0x0], $0xffff  }
0x367: {  	[tilespmem:s31+$0xFFFFFFC0] =	vst v28  }
0x368: {  	v28 =	vld.idx.msk [tilespmem:v29+s15+$0x0], $0xffff;
	[tilespmem:s26+$0xFFFFFFD0] =	vst v8  }
0x369: {  	[tilespmem:s25+$0xFFFFFFD0] =	vst v10;
	v27 =	vadd.s32 v23, v60;
	v10 =	vld.idx.msk [tilespmem:v25+s15+$0x0], $0xffff  }
0x36a: {  	v29 =	vadd.s32 v23, v61;
	v6 =	vld.idx.msk [tilespmem:v45+s15+$0x0], $0xffff  }
0x36b: {  	v45 =	vld [tilespmem:$0x1FD50];
	[tilespmem:s28+$0xFFFFFFD0] =	vst v26  }
0x36c: {  	[tilespmem:$0x1FCA0] =	vst v22  }
0x36d: {  	[tilespmem:s31+$0xFFFFFFD0] =	vst v28  }
0x36e: {  	v26 =	vld.idx.msk [tilespmem:v27+s15+$0x0], $0xffff;
	[tilespmem:s26+$0xFFFFFFE0] =	vst v10  }
0x36f: {  	v25 =	vadd.s32 v23, v22;
	v28 =	vld.idx.msk [tilespmem:v29+s15+$0x0], $0xffff;
	[tilespmem:s25+$0xFFFFFFE0] =	vst v6  }
0x370: {  	v36 =	vmov v7;
	v27 =	vadd.s32 v23, v7;
	v7 =	vld [tilespmem:$0x1FEB0]  }
0x371: {  	v8 =	vadd.s32 v23, v45;
	_ =	sdelay $0x1  }
0x372: {  	[tilespmem:s28+$0xFFFFFFE0] =	vst v26  }
0x373: {  	v29 =	vadd.s32 v23, v57;
	v10 =	vld.idx.msk [tilespmem:v25+s15+$0x0], $0xffff;
	[tilespmem:s31+$0xFFFFFFE0] =	vst v28  }
0x374: {  	v25 =	vadd.s32 v7, v13;
	v13 =	vld [tilespmem:$0x1FCD0]  }
0x375: {  	v6 =	vld.idx.msk [tilespmem:v8+s15+$0x0], $0xffff  }
0x376: {  	v0 =	vmov v22;
	v22 =	vmov v57;
	v57 =	vadd.s32 v7, v54  }
0x377: {  	v26 =	vld.idx.msk [tilespmem:v27+s15+$0x0], $0xffff  }
0x378: {  	v28 =	vld.idx.msk [tilespmem:v29+s15+$0x0], $0xffff;
	v27 =	vadd.s32 v7, v40  }
0x379: {  	[tilespmem:s26+$0xFFFFFFF0] =	vst v10;
	v29 =	vadd.s32 v7, v13  }
0x37a: {  	[tilespmem:s25+$0xFFFFFFF0] =	vst v6  }
0x37b: {  	v6 =	vld.idx.msk [tilespmem:v57+s15+$0x0], $0xffff;
	[tilespmem:$0x1FCB0] =	vst v3  }
0x37c: {  	v57 =	vadd.s32 v7, v3;
	v10 =	vld.idx.msk [tilespmem:v25+s15+$0x0], $0xffff;
	[tilespmem:s28+$0xFFFFFFF0] =	vst v26  }
0x37d: {  	v25 =	vadd.s32 v7, v58;
	[tilespmem:s31+$0xFFFFFFF0] =	vst v28;
	v26 =	vld.idx.msk [tilespmem:v27+s15+$0x0], $0xffff  }
0x37e: {  	v27 =	vadd.s32 v7, v48;
	v28 =	vld.idx.msk [tilespmem:v29+s15+$0x0], $0xffff  }
0x37f: {  	v29 =	vadd.s32 v7, v63  }
0x380: {  	[tilespmem:s25+$0x0] =	vst v6  }
0x381: {  	v6 =	vld.idx.msk [tilespmem:v57+s15+$0x0], $0xffff;
	[tilespmem:s26+$0x0] =	vst v10  }
0x382: {  	v40 =	vadd.s32 v7, v53;
	v10 =	vld.idx.msk [tilespmem:v25+s15+$0x0], $0xffff;
	[tilespmem:s28+$0x0] =	vst v26  }
0x383: {  	v25 =	vadd.s32 v7, v5;
	v26 =	vld.idx.msk [tilespmem:v27+s15+$0x0], $0xffff;
	[tilespmem:s31+$0x0] =	vst v28  }
0x384: {  	v27 =	vadd.s32 v7, v4;
	v28 =	vld.idx.msk [tilespmem:v29+s15+$0x0], $0xffff  }
0x385: {  	v29 =	vadd.s32 v7, v31  }
0x386: {  	[tilespmem:s25+$0x10] =	vst v6  }
0x387: {  	v6 =	vld.idx.msk [tilespmem:v40+s15+$0x0], $0xffff;
	[tilespmem:s26+$0x10] =	vst v10  }
0x388: {  	v57 =	vadd.s32 v7, v2;
	v10 =	vld.idx.msk [tilespmem:v25+s15+$0x0], $0xffff;
	[tilespmem:s28+$0x10] =	vst v26  }
0x389: {  	v25 =	vadd.s32 v7, v47;
	v26 =	vld.idx.msk [tilespmem:v27+s15+$0x0], $0xffff;
	[tilespmem:s31+$0x10] =	vst v28  }
0x38a: {  	v27 =	vadd.s32 v7, v30;
	v28 =	vld.idx.msk [tilespmem:v29+s15+$0x0], $0xffff  }
0x38b: {  	v29 =	vadd.s32 v7, v44  }
0x38c: {  	[tilespmem:s25+$0x20] =	vst v6  }
0x38d: {  	v6 =	vld.idx.msk [tilespmem:v57+s15+$0x0], $0xffff;
	[tilespmem:s26+$0x20] =	vst v10  }
0x38e: {  	v10 =	vld.idx.msk [tilespmem:v25+s15+$0x0], $0xffff;
	[tilespmem:s28+$0x20] =	vst v26  }
0x38f: {  	v26 =	vld.idx.msk [tilespmem:v27+s15+$0x0], $0xffff;
	[tilespmem:s31+$0x20] =	vst v28  }
0x390: {  	v63 =	vadd.s32 v7, v15;
	v28 =	vld.idx.msk [tilespmem:v29+s15+$0x0], $0xffff;
	_ =	sdelay $0x1  }
0x391: {  	v25 =	vadd.s32 v7, v62;
	[tilespmem:s25+$0x30] =	vst v6  }
0x392: {  	[tilespmem:s26+$0x30] =	vst v10  }
0x393: {  	v27 =	vadd.s32 v7, v24;
	[tilespmem:s28+$0x30] =	vst v26  }
0x394: {  	v29 =	vadd.s32 v7, v56;
	v6 =	vld.idx.msk [tilespmem:v63+s15+$0x0], $0xffff;
	[tilespmem:s31+$0x30] =	vst v28  }
0x395: {  	v4 =	vadd.s32 v7, v1;
	v40 =	vmov v24;
	v24 =	vmov v1;
	v1 =	vld [tilespmem:$0x1FC50]  }
0x396: {  	v10 =	vld.idx.msk [tilespmem:v25+s15+$0x0], $0xffff  }
0x397: {  	v25 =	vadd.s32 v7, v21  }
0x398: {  	v26 =	vld.idx.msk [tilespmem:v27+s15+$0x0], $0xffff  }
0x399: {  	v27 =	vadd.s32 v7, v20;
	v28 =	vld.idx.msk [tilespmem:v29+s15+$0x0], $0xffff;
	[tilespmem:s25+$0x40] =	vst v6  }
0x39a: {  	v6 =	vld.idx.msk [tilespmem:v4+s15+$0x0], $0xffff;
	v29 =	vadd.s32 v7, v1  }
0x39b: {  	[tilespmem:s26+$0x40] =	vst v10;
	v4 =	vadd.s32 v7, v19  }
0x39c: {  	v10 =	vld.idx.msk [tilespmem:v25+s15+$0x0], $0xffff  }
0x39d: {  	[tilespmem:s28+$0x40] =	vst v26;
	v25 =	vadd.s32 v7, v17  }
0x39e: {  	v26 =	vld.idx.msk [tilespmem:v27+s15+$0x0], $0xffff;
	[tilespmem:s31+$0x40] =	vst v28  }
0x39f: {  	v27 =	vadd.s32 v7, v60;
	[tilespmem:s25+$0x50] =	vst v6;
	v28 =	vld.idx.msk [tilespmem:v29+s15+$0x0], $0xffff  }
0x3a0: {  	v6 =	vld.idx.msk [tilespmem:v4+s15+$0x0], $0xffff;
	v29 =	vadd.s32 v7, v61  }
0x3a1: {  	[tilespmem:s26+$0x50] =	vst v10  }
0x3a2: {  	v10 =	vld.idx.msk [tilespmem:v25+s15+$0x0], $0xffff  }
0x3a3: {  	v57 =	vmovc v21;
	v21 =	vmov v17;
	v17 =	vmov v61;
	[tilespmem:s28+$0x50] =	vst v26;
	v61 =	vadd.s32 v7, v45  }
0x3a4: {  	v26 =	vld.idx.msk [tilespmem:v27+s15+$0x0], $0xffff;
	[tilespmem:s31+$0x50] =	vst v28  }
0x3a5: {  	[tilespmem:s25+$0x60] =	vst v6;
	v28 =	vld.idx.msk [tilespmem:v29+s15+$0x0], $0xffff  }
0x3a6: {  	v18 =	vld [tilespmem:$0x1FFE0]  }
0x3a7: {  	[tilespmem:s26+$0x60] =	vst v10  }
0x3a8: {  	v25 =	vadd.s32 v7, v0;
	v8 =	vld.idx.msk [tilespmem:v61+s15+$0x0], $0xffff;
	[tilespmem:$0x1FCC0] =	vst v54  }
0x3a9: {  	v27 =	vadd.s32 v7, v36;
	[tilespmem:s28+$0x60] =	vst v26  }
0x3aa: {  	v29 =	vadd.s32 v7, v22;
	v7 =	vld [tilespmem:$0x1FDC0];
	[tilespmem:s31+$0x60] =	vst v28  }
0x3ab: {  	v6 =	vadd.s32 v18, v55;
	v4 =	vld [tilespmem:$0x1FC60];
	_ =	sdelay $0x1  }
0x3ac: {  	v25 =	vld.idx.msk [tilespmem:v25+s15+$0x0], $0xffff  }
0x3ad: {  	v63 =	vmov v20;
	v20 =	vmov v36;
	v27 =	vld.idx.msk [tilespmem:v27+s15+$0x0], $0xffff;
	v36 =	vadd.s32 v18, v54  }
0x3ae: {  	v29 =	vld.idx.msk [tilespmem:v29+s15+$0x0], $0xffff;
	[tilespmem:s23+$0x70] =	vst v9;
	v26 =	vadd.s32 v18, v7  }
0x3af: {  	v6 =	vld.idx.msk [tilespmem:v6+s15+$0x0], $0xffff;
	v28 =	vadd.s32 v18, v4  }
0x3b0: {  	[tilespmem:s25+$0x70] =	vst v8  }
0x3b1: {  	v0 =	vadd.s32 v18, v13;
	[tilespmem:s26+$0x70] =	vst v25  }
0x3b2: {  	[tilespmem:s28+$0x70] =	vst v27;
	v10 =	vld.idx.msk [tilespmem:v36+s15+$0x0], $0xffff  }
0x3b3: {  	[tilespmem:s31+$0x70] =	vst v29;
	v26 =	vld.idx.msk [tilespmem:v26+s15+$0x0], $0xffff  }
0x3b4: {  	[tilespmem:s23+$0x80] =	vst v6;
	v28 =	vld.idx.msk [tilespmem:v28+s15+$0x0], $0xffff  }
0x3b5: {  	v36 =	vld [tilespmem:$0x1FC70]  }
0x3b6: {  	v61 =	vmov v13;
	v13 =	vadd.s32 v18, v52;
	v9 =	vld.idx.msk [tilespmem:v0+s15+$0x0], $0xffff  }
0x3b7: {  	[tilespmem:s25+$0x80] =	vst v10  }
0x3b8: {  	v25 =	vadd.s32 v18, v3;
	[tilespmem:s26+$0x80] =	vst v26  }
0x3b9: {  	v27 =	vadd.s32 v18, v58;
	[tilespmem:s28+$0x80] =	vst v28  }
0x3ba: {  	v5 =	vmov v30;
	v30 =	vmov v19;
	v58 =	vadd.s32 v18, v36;
	v19 =	vld [tilespmem:$0x1FC80]  }
0x3bb: {  	v29 =	vadd.s32 v18, v48;
	v8 =	vld.idx.msk [tilespmem:v13+s15+$0x0], $0xffff;
	[tilespmem:s31+$0x80] =	vst v9  }
0x3bc: {  	v13 =	vadd.s32 v18, v51;
	v3 =	vld [tilespmem:$0x1FC90]  }
0x3bd: {  	v25 =	vld.idx.msk [tilespmem:v25+s15+$0x0], $0xffff  }
0x3be: {  	v26 =	vadd.s32 v18, v53;
	v27 =	vld.idx.msk [tilespmem:v27+s15+$0x0], $0xffff  }
0x3bf: {  	v6 =	vld.idx.msk [tilespmem:v58+s15+$0x0], $0xffff;
	v28 =	vadd.s32 v18, v19  }
0x3c0: {  	v29 =	vld.idx.msk [tilespmem:v29+s15+$0x0], $0xffff;
	[tilespmem:s23+$0x90] =	vst v8;
	v58 =	vadd.s32 v18, v31  }
0x3c1: {  	v10 =	vld.idx.msk [tilespmem:v13+s15+$0x0], $0xffff;
	v0 =	vadd.s32 v18, v3  }
0x3c2: {  	[tilespmem:s25+$0x90] =	vst v25;
	v25 =	vadd.s32 v18, v50  }
0x3c3: {  	v26 =	vld.idx.msk [tilespmem:v26+s15+$0x0], $0xffff;
	[tilespmem:s26+$0x90] =	vst v27  }
0x3c4: {  	v27 =	vadd.s32 v18, v2;
	[tilespmem:s31+$0x90] =	vst v6;
	v28 =	vld.idx.msk [tilespmem:v28+s15+$0x0], $0xffff  }
0x3c5: {  	[tilespmem:s28+$0x90] =	vst v29;
	v29 =	vadd.s32 v18, v47;
	v8 =	vld.idx.msk [tilespmem:v58+s15+$0x0], $0xffff  }
0x3c6: {  	v13 =	vmov v2;
	v2 =	vadd.s32 v18, v44;
	[tilespmem:s23+$0xA0] =	vst v10;
	v9 =	vld.idx.msk [tilespmem:v0+s15+$0x0], $0xffff  }
0x3c7: {  	v25 =	vld.idx.msk [tilespmem:v25+s15+$0x0], $0xffff;
	v0 =	vadd.s32 v18, v5  }
0x3c8: {  	[tilespmem:s25+$0xA0] =	vst v26  }
0x3c9: {  	v26 =	vadd.s32 v18, v49;
	v27 =	vld.idx.msk [tilespmem:v27+s15+$0x0], $0xffff;
	[tilespmem:s26+$0xA0] =	vst v28  }
0x3ca: {  	v28 =	vadd.s32 v18, v15;
	[tilespmem:s31+$0xA0] =	vst v8;
	v29 =	vld.idx.msk [tilespmem:v29+s15+$0x0], $0xffff  }
0x3cb: {  	v58 =	vadd.s32 v18, v62;
	[tilespmem:s28+$0xA0] =	vst v9;
	v10 =	vld.idx.msk [tilespmem:v2+s15+$0x0], $0xffff  }
0x3cc: {  	[tilespmem:s23+$0xB0] =	vst v25;
	v25 =	vadd.s32 v18, v56;
	v6 =	vld.idx.msk [tilespmem:v0+s15+$0x0], $0xffff  }
0x3cd: {  	v8 =	vadd.s32 v18, v40  }
0x3ce: {  	[tilespmem:s25+$0xB0] =	vst v27;
	v26 =	vld.idx.msk [tilespmem:v26+s15+$0x0], $0xffff  }
0x3cf: {  	v28 =	vld.idx.msk [tilespmem:v28+s15+$0x0], $0xffff;
	[tilespmem:s26+$0xB0] =	vst v29  }
0x3d0: {  	v27 =	vadd.s32 v18, v33;
	[tilespmem:s31+$0xB0] =	vst v10;
	v9 =	vld.idx.msk [tilespmem:v58+s15+$0x0], $0xffff  }
0x3d1: {  	[tilespmem:s28+$0xB0] =	vst v6;
	v6 =	vadd.s32 v18, v24;
	v25 =	vld.idx.msk [tilespmem:v25+s15+$0x0], $0xffff  }
0x3d2: {  	[tilespmem:s24+$0x1B0] =	vst v16;
	v58 =	vadd.s32 v18, v57;
	v8 =	vld.idx.msk [tilespmem:v8+s15+$0x0], $0xffff  }
0x3d3: {  	[tilespmem:s23+$0xC0] =	vst v26;
	v26 =	vadd.s32 v18, v1  }
0x3d4: {  	v16 =	vadd.s32 v18, v63;
	[tilespmem:s25+$0xC0] =	vst v28  }
0x3d5: {  	v27 =	vld.idx.msk [tilespmem:v27+s15+$0x0], $0xffff;
	[tilespmem:s26+$0xC0] =	vst v9  }
0x3d6: {  	v0 =	vmov v1;
	v1 =	vadd.s32 v18, v46;
	v6 =	vld.idx.msk [tilespmem:v6+s15+$0x0], $0xffff;
	[tilespmem:s31+$0xC0] =	vst v25  }
0x3d7: {  	[tilespmem:s28+$0xC0] =	vst v8;
	v8 =	vadd.s32 v18, v30;
	v10 =	vld.idx.msk [tilespmem:v58+s15+$0x0], $0xffff  }
0x3d8: {  	v26 =	vld.idx.msk [tilespmem:v26+s15+$0x0], $0xffff  }
0x3d9: {  	[tilespmem:s22+$0x110] =	vst v12;
	v16 =	vld.idx.msk [tilespmem:v16+s15+$0x0], $0xffff  }
0x3da: {  	v14 =	vld.idx.msk [tilespmem:v14+s15+$0x0], $0xffff;
	[tilespmem:s23+$0xD0] =	vst v27  }
0x3db: {  	v1 =	vld.idx.msk [tilespmem:v1+s15+$0x0], $0xffff;
	v25 =	vadd.s32 v18, v21;
	[tilespmem:s25+$0xD0] =	vst v6  }
0x3dc: {  	v58 =	vadd.s32 v18, v60;
	[tilespmem:s26+$0xD0] =	vst v10;
	v8 =	vld.idx.msk [tilespmem:v8+s15+$0x0], $0xffff  }
0x3dd: {  	[tilespmem:s31+$0xD0] =	vst v26  }
0x3de: {  	[tilespmem:s28+$0xD0] =	vst v16  }
0x3df: {  	v2 =	vmov v24;
	v27 =	vadd.s32 v18, v17;
	v24 =	vld [tilespmem:$0x1FCA0];
	[tilespmem:s24+$0x1C0] =	vst v14  }
0x3e0: {  	v9 =	vadd.s32 v18, v42;
	v16 =	vld.idx.msk [tilespmem:v25+s15+$0x0], $0xffff;
	[tilespmem:s23+$0xE0] =	vst v1  }
0x3e1: {  	v10 =	vadd.s32 v18, v45;
	v12 =	vld.idx.msk [tilespmem:v58+s15+$0x0], $0xffff;
	[tilespmem:s25+$0xE0] =	vst v8  }
0x3e2: {  	v8 =	vld [tilespmem:$0x1FD40]  }
0x3e3: {  	v28 =	vmov v22;
	v6 =	vadd.s32 v18, v22;
	v58 =	vadd.s32 v18, v20;
	v22 =	vld [tilespmem:$0x1FFF0]  }
0x3e4: {  	v26 =	vld.idx.msk [tilespmem:v27+s15+$0x0], $0xffff;
	v25 =	vadd.s32 v18, v24  }
0x3e5: {  	v9 =	vld.idx.msk [tilespmem:v9+s15+$0x0], $0xffff  }
0x3e6: {  	[tilespmem:s26+$0xE0] =	vst v16;
	v16 =	vadd.s32 v39, v55;
	v10 =	vld.idx.msk [tilespmem:v10+s15+$0x0], $0xffff  }
0x3e7: {  	v54 =	vadd.s32 v39, v54;
	v11 =	vld.idx.msk [tilespmem:v11+s15+$0x0], $0xffff;
	[tilespmem:s28+$0xE0] =	vst v12  }
0x3e8: {  	v29 =	vmov v45;
	v14 =	vld.idx.msk [tilespmem:v58+s15+$0x0], $0xffff;
	v45 =	vadd.s32 v22, v8  }
0x3e9: {  	[tilespmem:s31+$0xE0] =	vst v26;
	v58 =	vadd.s32 v39, v4;
	v25 =	vld.idx.msk [tilespmem:v25+s15+$0x0], $0xffff  }
0x3ea: {  	v6 =	vld.idx.msk [tilespmem:v6+s15+$0x0], $0xffff;
	[tilespmem:s23+$0xF0] =	vst v9  }
0x3eb: {  	[tilespmem:s25+$0xF0] =	vst v10;
	v16 =	vld.idx.msk [tilespmem:v16+s15+$0x0], $0xffff  }
0x3ec: {  	v26 =	vadd.s32 v39, v7;
	[tilespmem:s22+$0x120] =	vst v11;
	v12 =	vld.idx.msk [tilespmem:v54+s15+$0x0], $0xffff  }
0x3ed: {  	v61 =	vadd.s32 v39, v61;
	[tilespmem:s28+$0xF0] =	vst v14;
	v8 =	vld.idx.msk [tilespmem:v45+s15+$0x0], $0xffff  }
0x3ee: {  	v11 =	vld.idx.msk [tilespmem:v58+s15+$0x0], $0xffff;
	[tilespmem:s26+$0xF0] =	vst v25  }
0x3ef: {  	v45 =	vld [tilespmem:$0x1FCB0];
	[tilespmem:s31+$0xF0] =	vst v6  }
0x3f0: {  	v25 =	vadd.s32 v39, v52;
	v54 =	vld [tilespmem:$0x1FE10];
	[tilespmem:s23+$0x100] =	vst v16  }
0x3f1: {  	v58 =	vadd.s32 v39, v48;
	v26 =	vld.idx.msk [tilespmem:v26+s15+$0x0], $0xffff;
	[tilespmem:s25+$0x100] =	vst v12  }
0x3f2: {  	v1 =	vadd.s32 v39, v38;
	v9 =	vld.idx.msk [tilespmem:v61+s15+$0x0], $0xffff;
	[tilespmem:s24+$0x1D0] =	vst v8  }
0x3f3: {  	v16 =	vadd.s32 v39, v36;
	v61 =	vld [tilespmem:$0x1FD70]  }
0x3f4: {  	v14 =	vadd.s32 v39, v45  }
0x3f5: {  	v25 =	vld.idx.msk [tilespmem:v25+s15+$0x0], $0xffff;
	[tilespmem:s28+$0x100] =	vst v11;
	v6 =	vadd.s32 v39, v54  }
0x3f6: {  	[tilespmem:s26+$0x100] =	vst v26;
	v26 =	vadd.s32 v39, v51;
	v8 =	vld.idx.msk [tilespmem:v58+s15+$0x0], $0xffff  }
0x3f7: {  	v10 =	vld.idx.msk [tilespmem:v1+s15+$0x0], $0xffff;
	v58 =	vadd.s32 v39, v3;
	[tilespmem:s31+$0x100] =	vst v9  }
0x3f8: {  	v16 =	vld.idx.msk [tilespmem:v16+s15+$0x0], $0xffff;
	v1 =	vadd.s32 v22, v61  }
0x3f9: {  	v14 =	vld.idx.msk [tilespmem:v14+s15+$0x0], $0xffff  }
0x3fa: {  	v11 =	vadd.s32 v39, v53;
	[tilespmem:s23+$0x110] =	vst v25;
	v6 =	vld.idx.msk [tilespmem:v6+s15+$0x0], $0xffff  }
0x3fb: {  	v9 =	vadd.s32 v39, v19;
	v26 =	vld.idx.msk [tilespmem:v26+s15+$0x0], $0xffff;
	[tilespmem:s28+$0x110] =	vst v8  }
0x3fc: {  	[tilespmem:s22+$0x130] =	vst v10;
	v25 =	vadd.s32 v39, v31;
	v10 =	vld.idx.msk [tilespmem:v58+s15+$0x0], $0xffff  }
0x3fd: {  	v12 =	vld.idx.msk [tilespmem:v1+s15+$0x0], $0xffff;
	v1 =	vadd.s32 v39, v37  }
0x3fe: {  	v58 =	vadd.s32 v39, v5;
	[tilespmem:s25+$0x110] =	vst v14  }
0x3ff: {  	[tilespmem:s26+$0x110] =	vst v6;
	v6 =	vadd.s32 v39, v50;
	v11 =	vld.idx.msk [tilespmem:v11+s15+$0x0], $0xffff  }
0x400: {  	v8 =	vadd.s32 v39, v13;
	[tilespmem:s31+$0x110] =	vst v16;
	v9 =	vld.idx.msk [tilespmem:v9+s15+$0x0], $0xffff  }
0x401: {  	v16 =	vadd.s32 v39, v47;
	v25 =	vld.idx.msk [tilespmem:v25+s15+$0x0], $0xffff;
	[tilespmem:s23+$0x120] =	vst v26  }
0x402: {  	v26 =	vadd.s32 v39, v44;
	[tilespmem:s28+$0x120] =	vst v10;
	v14 =	vld.idx.msk [tilespmem:v1+s15+$0x0], $0xffff  }
0x403: {  	[tilespmem:s24+$0x1E0] =	vst v12;
	v1 =	vadd.s32 v22, v43;
	v12 =	vld.idx.msk [tilespmem:v58+s15+$0x0], $0xffff  }
0x404: {  	v58 =	vadd.s32 v39, v40;
	[tilespmem:s25+$0x120] =	vst v11;
	v6 =	vld.idx.msk [tilespmem:v6+s15+$0x0], $0xffff  }
0x405: {  	[tilespmem:s26+$0x120] =	vst v9;
	v9 =	vadd.s32 v39, v49;
	v8 =	vld.idx.msk [tilespmem:v8+s15+$0x0], $0xffff  }
0x406: {  	v43 =	vadd.s32 v39, v15;
	[tilespmem:s31+$0x120] =	vst v25;
	v16 =	vld.idx.msk [tilespmem:v16+s15+$0x0], $0xffff  }
0x407: {  	v25 =	vadd.s32 v39, v62;
	v26 =	vld.idx.msk [tilespmem:v26+s15+$0x0], $0xffff;
	[tilespmem:s22+$0x140] =	vst v14  }
0x408: {  	v11 =	vld.idx.msk [tilespmem:v1+s15+$0x0], $0xffff;
	v1 =	vadd.s32 v39, v32;
	[tilespmem:s28+$0x130] =	vst v12  }
0x409: {  	v14 =	vld.idx.msk [tilespmem:v58+s15+$0x0], $0xffff;
	[tilespmem:s23+$0x130] =	vst v6;
	v6 =	vadd.s32 v39, v56  }
0x40a: {  	v58 =	vadd.s32 v39, v63;
	[tilespmem:s25+$0x130] =	vst v8;
	v9 =	vld.idx.msk [tilespmem:v9+s15+$0x0], $0xffff  }
0x40b: {  	[tilespmem:s26+$0x130] =	vst v16;
	v16 =	vadd.s32 v39, v33;
	v10 =	vld.idx.msk [tilespmem:v43+s15+$0x0], $0xffff  }
0x40c: {  	[tilespmem:s31+$0x130] =	vst v26;
	v43 =	vadd.s32 v39, v2;
	v25 =	vld.idx.msk [tilespmem:v25+s15+$0x0], $0xffff  }
0x40d: {  	v26 =	vadd.s32 v39, v57;
	[tilespmem:s24+$0x1F0] =	vst v11;
	v8 =	vld.idx.msk [tilespmem:v1+s15+$0x0], $0xffff  }
0x40e: {  	v1 =	vadd.s32 v39, v35;
	[tilespmem:s28+$0x140] =	vst v14;
	v6 =	vld.idx.msk [tilespmem:v6+s15+$0x0], $0xffff  }
0x40f: {  	v11 =	vld.idx.msk [tilespmem:v58+s15+$0x0], $0xffff;
	[tilespmem:s23+$0x140] =	vst v9;
	v9 =	vadd.s32 v39, v0  }
0x410: {  	v58 =	vadd.s32 v39, v60;
	[tilespmem:s25+$0x140] =	vst v10;
	v16 =	vld.idx.msk [tilespmem:v16+s15+$0x0], $0xffff  }
0x411: {  	[tilespmem:s26+$0x140] =	vst v25;
	v25 =	vadd.s32 v39, v46;
	v12 =	vld.idx.msk [tilespmem:v43+s15+$0x0], $0xffff  }
0x412: {  	v61 =	vmovc v31;
	v31 =	vmov v13;
	v13 =	vmov v2;
	v2 =	vadd.s32 v39, v30;
	[tilespmem:s22+$0x150] =	vst v8;
	v26 =	vld.idx.msk [tilespmem:v26+s15+$0x0], $0xffff  }
0x413: {  	v43 =	vadd.s32 v39, v21;
	v10 =	vld.idx.msk [tilespmem:v1+s15+$0x0], $0xffff;
	[tilespmem:s31+$0x140] =	vst v6  }
0x414: {  	[tilespmem:s28+$0x150] =	vst v11;
	v9 =	vld.idx.msk [tilespmem:v9+s15+$0x0], $0xffff  }
0x415: {  	v1 =	vadd.s32 v39, v34;
	v8 =	vld.idx.msk [tilespmem:v58+s15+$0x0], $0xffff;
	[tilespmem:s23+$0x150] =	vst v16  }
0x416: {  	v16 =	vadd.s32 v39, v17;
	[tilespmem:s25+$0x150] =	vst v12;
	v25 =	vld.idx.msk [tilespmem:v25+s15+$0x0], $0xffff  }
0x417: {  	[tilespmem:s26+$0x150] =	vst v26;
	v26 =	vadd.s32 v39, v42;
	v14 =	vld.idx.msk [tilespmem:v2+s15+$0x0], $0xffff  }
0x418: {  	v2 =	vadd.s32 v39, v29;
	[tilespmem:s22+$0x160] =	vst v10;
	v6 =	vld.idx.msk [tilespmem:v43+s15+$0x0], $0xffff  }
0x419: {  	[tilespmem:s31+$0x150] =	vst v9  }
0x41a: {  	v12 =	vld.idx.msk [tilespmem:v1+s15+$0x0], $0xffff;
	[tilespmem:s28+$0x160] =	vst v8  }
0x41b: {  	v9 =	vadd.s32 v39, v24;
	v16 =	vld.idx.msk [tilespmem:v16+s15+$0x0], $0xffff;
	[tilespmem:s23+$0x160] =	vst v25  }
0x41c: {  	v58 =	vadd.s32 v22, v41;
	[tilespmem:s25+$0x160] =	vst v14;
	v26 =	vld.idx.msk [tilespmem:v26+s15+$0x0], $0xffff  }
0x41d: {  	[tilespmem:s26+$0x160] =	vst v6;
	v11 =	vld.idx.msk [tilespmem:v2+s15+$0x0], $0xffff  }
0x41e: {  	v43 =	vadd.s32 v39, v20;
	v25 =	vadd.s32 v39, v28;
	v39 =	vld [tilespmem:$0x1FCC0]  }
0x41f: {  	[tilespmem:s22+$0x170] =	vst v12  }
0x420: {  	v6 =	vadd.s32 v22, v55;
	v9 =	vld.idx.msk [tilespmem:v9+s15+$0x0], $0xffff;
	[tilespmem:s31+$0x160] =	vst v16  }
0x421: {  	v14 =	vld.idx.msk [tilespmem:v58+s15+$0x0], $0xffff;
	[tilespmem:s23+$0x170] =	vst v26  }
0x422: {  	v55 =	vld [tilespmem:$0x1FCD0];
	[tilespmem:s25+$0x170] =	vst v11  }
0x423: {  	v41 =	vadd.s32 v22, v39;
	v58 =	vld [tilespmem:$0x1FE50]  }
0x424: {  	v10 =	vld.idx.msk [tilespmem:v43+s15+$0x0], $0xffff;
	v16 =	vadd.s32 v22, v7  }
0x425: {  	v43 =	vadd.s32 v22, v4;
	v6 =	vld.idx.msk [tilespmem:v6+s15+$0x0], $0xffff  }
0x426: {  	v25 =	vld.idx.msk [tilespmem:v25+s15+$0x0], $0xffff;
	v39 =	vadd.s32 v22, v52  }
0x427: {  	v26 =	vadd.s32 v22, v55  }
0x428: {  	[tilespmem:s26+$0x170] =	vst v9;
	v2 =	vadd.s32 v22, v58;
	v8 =	vld.idx.msk [tilespmem:v41+s15+$0x0], $0xffff  }
0x429: {  	[tilespmem:s28+$0x170] =	vst v10;
	v16 =	vld.idx.msk [tilespmem:v16+s15+$0x0], $0xffff  }
0x42a: {  	v12 =	vld.idx.msk [tilespmem:v43+s15+$0x0], $0xffff;
	[tilespmem:s23+$0x180] =	vst v6;
	v41 =	vadd.s32 v22, v45  }
0x42b: {  	[tilespmem:s31+$0x170] =	vst v25;
	v25 =	vadd.s32 v22, v54;
	v9 =	vld.idx.msk [tilespmem:v39+s15+$0x0], $0xffff  }
0x42c: {  	[tilespmem:s22+$0x180] =	vst v14;
	v43 =	vadd.s32 v22, v48;
	v26 =	vld.idx.msk [tilespmem:v26+s15+$0x0], $0xffff  }
0x42d: {  	v45 =	vld.idx.msk [tilespmem:v2+s15+$0x0], $0xffff;
	[tilespmem:s25+$0x180] =	vst v8  }
0x42e: {  	v48 =	vadd.s32 v22, v36;
	v52 =	vld [tilespmem:$0x1FE90]  }
0x42f: {  	[tilespmem:s26+$0x180] =	vst v16;
	v16 =	vadd.s32 v22, v51;
	v10 =	vld.idx.msk [tilespmem:v41+s15+$0x0], $0xffff  }
0x430: {  	v55 =	vadd.s32 v22, v53;
	[tilespmem:s28+$0x180] =	vst v12;
	v25 =	vld.idx.msk [tilespmem:v25+s15+$0x0], $0xffff  }
0x431: {  	v14 =	vld.idx.msk [tilespmem:v43+s15+$0x0], $0xffff;
	[tilespmem:s31+$0x180] =	vst v26;
	v26 =	vadd.s32 v22, v19  }
0x432: {  	v58 =	vadd.s32 v22, v3;
	[tilespmem:s23+$0x190] =	vst v9  }
0x433: {  	[tilespmem:s22+$0x190] =	vst v45;
	v36 =	vld.idx.msk [tilespmem:v48+s15+$0x0], $0xffff;
	v54 =	vadd.s32 v22, v52  }
0x434: {  	v39 =	vadd.s32 v22, v61;
	[tilespmem:s25+$0x190] =	vst v10;
	v43 =	vld.idx.msk [tilespmem:v16+s15+$0x0], $0xffff  }
0x435: {  	v16 =	vadd.s32 v22, v50;
	[tilespmem:s26+$0x190] =	vst v25;
	v12 =	vld.idx.msk [tilespmem:v55+s15+$0x0], $0xffff  }
0x436: {  	v45 =	vadd.s32 v22, v31;
	[tilespmem:s28+$0x190] =	vst v14;
	v25 =	vld.idx.msk [tilespmem:v26+s15+$0x0], $0xffff  }
0x437: {  	v47 =	vadd.s32 v22, v47;
	v1 =	vld.idx.msk [tilespmem:v58+s15+$0x0], $0xffff  }
0x438: {  	v48 =	vadd.s32 v22, v5;
	[tilespmem:s31+$0x190] =	vst v36;
	v8 =	vld.idx.msk [tilespmem:v54+s15+$0x0], $0xffff  }
0x439: {  	v41 =	vadd.s32 v22, v38;
	v50 =	vld.idx.msk [tilespmem:v39+s15+$0x0], $0xffff;
	[tilespmem:s23+$0x1A0] =	vst v43  }
0x43a: {  	v52 =	vadd.s32 v22, v44;
	[tilespmem:s25+$0x1A0] =	vst v12;
	v11 =	vld.idx.msk [tilespmem:v16+s15+$0x0], $0xffff  }
0x43b: {  	v54 =	vadd.s32 v22, v49;
	v14 =	vld.idx.msk [tilespmem:v45+s15+$0x0], $0xffff;
	[tilespmem:s26+$0x1A0] =	vst v25  }
0x43c: {  	v55 =	vadd.s32 v22, v15;
	[tilespmem:s28+$0x1A0] =	vst v1;
	v6 =	vld.idx.msk [tilespmem:v47+s15+$0x0], $0xffff  }
0x43d: {  	v58 =	vadd.s32 v22, v62;
	v2 =	vld.idx.msk [tilespmem:v48+s15+$0x0], $0xffff;
	[tilespmem:s22+$0x1A0] =	vst v8  }
0x43e: {  	v61 =	vadd.s32 v22, v40;
	[tilespmem:s31+$0x1A0] =	vst v50;
	v51 =	vld.idx.msk [tilespmem:v41+s15+$0x0], $0xffff  }
0x43f: {  	v53 =	vadd.s32 v22, v37;
	v7 =	vld.idx.msk [tilespmem:v52+s15+$0x0], $0xffff;
	[tilespmem:s23+$0x1B0] =	vst v11  }
0x440: {  	v62 =	vadd.s32 v22, v56;
	[tilespmem:s25+$0x1B0] =	vst v14;
	v12 =	vld.idx.msk [tilespmem:v54+s15+$0x0], $0xffff  }
0x441: {  	v37 =	vadd.s32 v22, v33;
	v1 =	vld.idx.msk [tilespmem:v55+s15+$0x0], $0xffff;
	[tilespmem:s26+$0x1B0] =	vst v6  }
0x442: {  	v38 =	vadd.s32 v22, v13;
	[tilespmem:s28+$0x1B0] =	vst v2;
	v8 =	vld.idx.msk [tilespmem:v58+s15+$0x0], $0xffff  }
0x443: {  	v39 =	vadd.s32 v22, v57;
	v3 =	vld.idx.msk [tilespmem:v61+s15+$0x0], $0xffff;
	[tilespmem:s22+$0x1B0] =	vst v51  }
0x444: {  	v40 =	vadd.s32 v22, v63;
	[tilespmem:s31+$0x1B0] =	vst v7;
	v9 =	vld.idx.msk [tilespmem:v53+s15+$0x0], $0xffff  }
0x445: {  	v36 =	vadd.s32 v22, v32;
	v41 =	vld.idx.msk [tilespmem:v62+s15+$0x0], $0xffff;
	[tilespmem:s23+$0x1C0] =	vst v12  }
0x446: {  	v44 =	vadd.s32 v22, v0;
	[tilespmem:s25+$0x1C0] =	vst v1;
	v6 =	vld.idx.msk [tilespmem:v37+s15+$0x0], $0xffff  }
0x447: {  	v47 =	vadd.s32 v22, v46;
	v2 =	vld.idx.msk [tilespmem:v38+s15+$0x0], $0xffff;
	[tilespmem:s26+$0x1C0] =	vst v8  }
0x448: {  	v48 =	vadd.s32 v22, v30;
	[tilespmem:s28+$0x1C0] =	vst v3;
	v7 =	vld.idx.msk [tilespmem:v39+s15+$0x0], $0xffff  }
0x449: {  	v49 =	vadd.s32 v22, v21;
	v4 =	vld.idx.msk [tilespmem:v40+s15+$0x0], $0xffff;
	[tilespmem:s22+$0x1C0] =	vst v9  }
0x44a: {  	v50 =	vadd.s32 v22, v60;
	[tilespmem:s31+$0x1C0] =	vst v41;
	v43 =	vld.idx.msk [tilespmem:v36+s15+$0x0], $0xffff  }
0x44b: {  	v45 =	vadd.s32 v22, v35;
	v51 =	vld.idx.msk [tilespmem:v44+s15+$0x0], $0xffff;
	[tilespmem:s23+$0x1D0] =	vst v6  }
0x44c: {  	v52 =	vadd.s32 v22, v17;
	[tilespmem:s25+$0x1D0] =	vst v2;
	v8 =	vld.idx.msk [tilespmem:v47+s15+$0x0], $0xffff  }
0x44d: {  	v54 =	vadd.s32 v22, v42;
	v3 =	vld.idx.msk [tilespmem:v48+s15+$0x0], $0xffff;
	[tilespmem:s26+$0x1D0] =	vst v7  }
0x44e: {  	v55 =	vadd.s32 v22, v29;
	[tilespmem:s28+$0x1D0] =	vst v4;
	v9 =	vld.idx.msk [tilespmem:v49+s15+$0x0], $0xffff  }
0x44f: {  	v56 =	vadd.s32 v22, v24;
	v0 =	vld.idx.msk [tilespmem:v50+s15+$0x0], $0xffff;
	[tilespmem:s22+$0x1D0] =	vst v43  }
0x450: {  	v57 =	vadd.s32 v22, v20;
	[tilespmem:s31+$0x1D0] =	vst v51;
	v1 =	vld.idx.msk [tilespmem:v45+s15+$0x0], $0xffff  }
0x451: {  	v53 =	vadd.s32 v22, v34;
	v58 =	vld.idx.msk [tilespmem:v52+s15+$0x0], $0xffff;
	[tilespmem:s23+$0x1E0] =	vst v8  }
0x452: {  	v60 =	vadd.s32 v22, v28;
	[tilespmem:s25+$0x1E0] =	vst v3;
	v61 =	vld.idx.msk [tilespmem:v54+s15+$0x0], $0xffff  }
0x453: {  	v4 =	vld.idx.msk [tilespmem:v55+s15+$0x0], $0xffff;
	[tilespmem:s26+$0x1E0] =	vst v9  }
0x454: {  	[tilespmem:s28+$0x1E0] =	vst v0;
	v62 =	vld.idx.msk [tilespmem:v56+s15+$0x0], $0xffff  }
0x455: {  	[tilespmem:s22+$0x1E0] =	vst v1;
	v1 =	vld.idx.msk [tilespmem:v57+s15+$0x0], $0xffff  }
0x456: {  	[tilespmem:s31+$0x1E0] =	vst v58;
	v2 =	vld.idx.msk [tilespmem:v53+s15+$0x0], $0xffff  }
0x457: {  	v63 =	vld.idx.msk [tilespmem:v60+s15+$0x0], $0xffff;
	[tilespmem:s23+$0x1F0] =	vst v61  }
0x458: {  	[tilespmem:s25+$0x1F0] =	vst v4  }
0x459: {  	[tilespmem:s26+$0x1F0] =	vst v62  }
0x45a: {  	[tilespmem:s28+$0x1F0] =	vst v1  }
0x45b: {  	[tilespmem:s22+$0x1F0] =	vst v2  }
0x45c: {  	[tilespmem:s31+$0x1F0] =	vst v63  }
0x45d: {  	v27 =	vld [tilespmem:$0x1FEE0]  }
0x45e: {  	v28 =	vld [tilespmem:$0x1FEF0]  }
0x45f: {  	v29 =	vld [tilespmem:$0x1FF00]  }
0x460: {  	v30 =	vld [tilespmem:$0x1FF10]  }
0x461: {  	v31 =	vld [tilespmem:$0x1FF20]  }
0x462: {  	p1 =	sne.s32 s20, $0x0;
	v32 =	vld [tilespmem:$0x1FF30]  }
0x463: {  	s20 =	sadd.s32 s2, s21;
	s21 =	simm.s32 @p1 $0x0;
	s22 =	simm.s32 @p1 $0xE220;
	v33 =	vld [tilespmem:$0x1FF40]  }
0x464: {  	[hbm4b:s20+s21] =	stream.linear.scatter @p1 [tilespmem:s22], [sflag:$0x4], $0x8000, $0x38;
	v34 =	vld [tilespmem:$0x1FF50]  }
0x465: {  	s21 =	simm.s32 @!p1 $0x0;
	s22 =	simm.s32 @!p1 $0x6220;
	v35 =	vld [tilespmem:$0x1FF60]  }
0x466: {  	v36 =	vld [tilespmem:$0x1FF70];
	[hbm4b:s20+s21] =	stream.linear.scatter @!p1 [tilespmem:s22], [sflag:$0x3], $0x8000, $0x38  }
0x467: {  	v37 =	vld [tilespmem:$0x1FF80];
	p1 =	sne.s32 s19, $0x19  }
.Ltmp4:
0x468: {  	v38 =	vld [tilespmem:$0x1FF90];
	(pc) =	sbr.rel @p1 .LBB2_4-.Ltmp4, $4  }
0x469: {  	v39 =	vld [tilespmem:$0x1FFA0]  }
0x46a: {  	v42 =	vld [tilespmem:$0x1FFD0]  }
0x46b: {  	v40 =	vld [tilespmem:$0x1FFB0]  }
0x46c: {  	p0 =	por !p0, !p0;
	v26 =	vlaneseq.u32;
	v41 =	vld [tilespmem:$0x1FFC0];
	s21 =	smov.u32 s19  }
0x46d: {  	s18 =	sadd.s32 $0x1, s18  }
0x46e: {  	_ =	swait.ge [sflag:s16], $0x8000;
	p0 =	sne.s32 s18, s10  }
.Ltmp5:
0x46f: {  	[sflag:s16] =	ssyncset.done $0x0;
	(pc) =	sbr.rel @p0 .LBB2_1-.Ltmp5, $4  }
0x470: {  	[sflag:s16] =	ssyncadd.s32 $0xFFFF8000  }
0x471: {  	_ =	swait.ge [sflag:s17], $0x8000  }
0x472: {  	[sflag:s17] =	ssyncset.done $0x0  }
0x473: {  	[sflag:s17] =	ssyncadd.s32 $0xFFFF8000  }
0x474: {  	_ =	sfence.sel $0x180000  }
0x475: {  	[bflag:$0x0] =	sbarrier.arrive $0xFFFF  }
0x476: {  	p0 =	sne.s32 s3, $0x0;
	_ =	strace $0x90000047  }
0x477: {  	s0 =	sadd.s32 @!p0 $0x100000, s1;
	[bflag:$0x2] =	sbarrier.arrive $0xFFFF  }
0x478: {  	[sflag:s0] =	ssyncadd.tile.s32 @!p0 $0x1;
	_ =	shalt  }
.Lfunc_end2:
_tile_overlayer_lowered:
.L_overlay_start_2:
0x479: {  	(tag) =	ssettag $0x2  }
0x47a: {  	s0 =	rddreg [dreg:$0x0];
	s2 =	stileid.u32  }
0x47b: {  	s1 =	rddreg [dreg:$0x1];
	p0 =	sne.s32 s2, $0x0  }
0x47c: {  	s3 =	rddreg [dreg:$0x2];
	[bflag:$0x3] =	sbarrier.arrive $0xFFFF;
	s2 =	simm.s32 @!p0 $0x1C05  }
0x47d: {  	[timem:s3], [sflag:s2] =	dma.local @!p0 [hbm:s0], s1  }
0x47e: {  	s0 =	simm.s32 @!p0 $0x5  }
0x47f: {  	_ =	swait.ge @!p0 [sflag:s0], s1  }
0x480: {  	s1 =	ssub.s32 @!p0 $0x0, s1;
	[sflag:s0] =	ssyncset.done @!p0 $0x0  }
0x481: {  	[sflag:s0] =	ssyncadd.s32 @!p0 s1  }
0x482: {  	[bflag:$0x3] =	sbarrier.arrive $0xFFFF  }
0x483: {  	_ =	shalt  }

</sc_bundles>
